<compile_context>
chip_gen: v7x
topology: tpu7x:2x2x1
jax: 0.10.2.dev20260603
libtpu: 0.0.44.dev20260713+nightly
codegen_flags: <defaults>
</compile_context>

<pallas_src>
import functools

import jax
import jax.numpy as jnp
from jax import lax
from jax.experimental import pallas as pl
from jax.experimental.pallas import tpu as pltpu
from jax.experimental.pallas import tpu_sc as plsc

_K = 64
_N = 2048
_L = 16
_NVEC = _N // _L
_NGRP = 16
_NC = 2
_NS = 16
_NW = _NC * _NS
_CHUNK = 16


def _sortd(v):
    k, _ = plsc.sort_key_val(v, v, descending=True)
    return k


def _merge_insert(a, b):
    out = []
    for i in range(4):
        rb = lax.rev(b, (0,))
        hi = jnp.maximum(a[i], rb)
        lo = jnp.minimum(a[i], rb)
        out.append(_sortd(hi))
        b = _sortd(lo)
    return tuple(out)


def _lane_4th_largest(ms):
    mx, mn = jnp.maximum, jnp.minimum
    pairs = [(mx(ms[2 * i], ms[2 * i + 1]), mn(ms[2 * i], ms[2 * i + 1]))
             for i in range(8)]

    def merge22(a, b):
        c0 = mx(a[0], b[0])
        c3 = mn(a[1], b[1])
        t1 = mn(a[0], b[0])
        t2 = mx(a[1], b[1])
        return (c0, mx(t1, t2), mn(t1, t2), c3)

    quads = [merge22(pairs[2 * i], pairs[2 * i + 1]) for i in range(4)]

    def merge44_top4(a, b):
        h = [mx(a[i], b[3 - i]) for i in range(4)]
        d0, d2 = mx(h[0], h[2]), mn(h[0], h[2])
        d1, d3 = mx(h[1], h[3]), mn(h[1], h[3])
        return (mx(d0, d1), mn(d0, d1), mx(d2, d3), mn(d2, d3))

    t_a = merge44_top4(quads[0], quads[1])
    t_b = merge44_top4(quads[2], quads[3])
    h = [mx(t_a[i], t_b[3 - i]) for i in range(4)]
    return mn(mn(h[0], h[1]), mn(h[2], h[3]))


_CB = _N + _L
_SEG = _N // 4 + _L


def _sc_body(rows_w, x_hbm, out_hbm, xbuf0, xbuf1, cand, mxbuf, obuf,
             sem0, sem1):
    wid = lax.axis_index("s") * _NC + lax.axis_index("c")
    base_row = wid * rows_w
    neg = jnp.full((_L,), -jnp.inf, jnp.float32)
    nch = rows_w // _CHUNK
    xbufs = (xbuf0, xbuf1)
    sems = (sem0, sem1)

    def in_copy(ch, b):
        src = x_hbm.at[pl.ds((base_row + ch * _CHUNK) * _N, _CHUNK * _N)]
        return pltpu.make_async_copy(src, xbufs[b], sems[b])

    in_copy(0, 0).start()

    def chunk_compute(ch, xbuf):
        row0 = base_row + ch * _CHUNK

        def pair_body(rp, _):
            offs = ((2 * rp) * _N, (2 * rp + 1) * _N)

            def grp_body(g2, _):
                for k in range(2):
                    g = 2 * g2 + k
                    for p in range(2):
                        off = offs[p] + g * (_L * 8)
                        vs = [xbuf[pl.ds(off + j * _L, _L)] for j in range(8)]
                        m01 = jnp.maximum(vs[0], vs[1])
                        m23 = jnp.maximum(vs[2], vs[3])
                        m45 = jnp.maximum(vs[4], vs[5])
                        m67 = jnp.maximum(vs[6], vs[7])
                        m = jnp.maximum(jnp.maximum(m01, m23),
                                        jnp.maximum(m45, m67))
                        mxbuf[pl.ds(p * _NGRP * _L + g * _L, _L)] = m
                return 0

            lax.fori_loop(0, _NGRP // 2, grp_body, 0)

            tvs = []
            for p in range(2):
                ms = [mxbuf[pl.ds(p * _NGRP * _L + g * _L, _L)]
                      for g in range(_NGRP)]
                t_thresh = jnp.min(_lane_4th_largest(ms))
                tvs.append(jnp.full((_L,), t_thresh, jnp.float32))

            def cand_body(i, cc):
                cc = list(cc)
                for p in range(2):
                    off = offs[p] + i * _L
                    v = xbuf[pl.ds(off, _L)]
                    mask = v >= tvs[p]
                    plsc.store_compressed(
                        cand.at[pl.ds(p * _CB + cc[p], _L)], v, mask=mask)
                    cc[p] = cc[p] + jnp.sum(mask.astype(jnp.int32))
                return tuple(cc)

            ca, cb = lax.fori_loop(
                0, _NVEC, cand_body, (jnp.int32(0), jnp.int32(0)))
            cand[pl.ds(ca, _L)] = neg
            cand[pl.ds(_CB + cb, _L)] = neg
            nva = (ca + _L - 1) // _L
            nvb = (cb + _L - 1) // _L
            nv = jnp.maximum(nva, nvb)

            def merge_body(j, a):
                ba = cand[pl.ds(j * _L, _L)]
                bb = cand[pl.ds(_CB + j * _L, _L)]
                ba = jnp.where(j < nva, ba, neg)
                bb = jnp.where(j < nvb, bb, neg)
                na = _merge_insert(a[:4], _sortd(ba))
                nb = _merge_insert(a[4:], _sortd(bb))
                return na + nb

            res = lax.fori_loop(0, nv, merge_body, (neg,) * 8)
            for p in range(2):
                for i in range(4):
                    obuf[pl.ds((2 * rp + p) * _K + i * _L, _L)] = res[4 * p + i]
            return 0

        lax.fori_loop(0, _CHUNK // 2, pair_body, 0)
        pltpu.sync_copy(obuf, out_hbm.at[pl.ds(row0 * _K, _CHUNK * _K)])

    def outer(ch2, _):
        for b in range(2):
            ch = 2 * ch2 + b

            @pl.when(ch + 1 < nch)
            def _():
                in_copy(ch + 1, 1 - b).start()

            in_copy(ch, b).wait()
            chunk_compute(ch, xbufs[b])
        return 0

    lax.fori_loop(0, nch // 2, outer, 0)


def kernel(inputs):
    b, s, n = inputs.shape
    rows = b * s
    x = inputs.reshape(rows * n)
    mesh = plsc.VectorSubcoreMesh(
        core_axis_name="c", subcore_axis_name="s",
        num_cores=_NC, num_subcores=_NS)
    f = pl.kernel(
        functools.partial(_sc_body, rows // _NW),
        out_type=jax.ShapeDtypeStruct((rows * _K,), jnp.float32),
        mesh=mesh,
        compiler_params=pltpu.CompilerParams(needs_layout_passes=False),
        scratch_types=[
            pltpu.VMEM((_CHUNK * _N,), jnp.float32),
            pltpu.VMEM((_CHUNK * _N,), jnp.float32),
            pltpu.VMEM((2 * _CB,), jnp.float32),
            pltpu.VMEM((2 * _NGRP * _L,), jnp.float32),
            pltpu.VMEM((_CHUNK * _K,), jnp.float32),
            pltpu.SemaphoreType.DMA,
            pltpu.SemaphoreType.DMA,
        ],
    )
    return f(x).reshape(b, s, _K)

# --- scband reference (transcript-rebuilt; emitter-appended) ---
"""Pipeline reference for scband-kmax-pooling-2302102470980 (READ-ONLY COPY).

The authoritative reference and input builder live on the scoring server;
editing this copy changes nothing except your own understanding.
"""

import jax, jax.numpy as jnp
import numpy as np

K = 64

def setup_inputs(seed: int = 0) -> dict:
    key = jax.random.key(seed)
    inputs = jax.random.normal(key, (32, 768, 2048), dtype=jnp.float32)
    return {"inputs": inputs}

def reference(inputs):
    # Faithful to KMaxPooling.call: tf.nn.top_k(inputs, k, sorted=True)[0]
    # top_k along the last axis, values sorted descending.
    values, _ = jax.lax.top_k(inputs, K)
    return values

if __name__ == "__main__":
    import jax
    _d = setup_inputs()
    print(jax.jit(kernel)(*tuple(_d.values())))

</pallas_src>

<mosaic_0001>
#map = affine_map<(d0, d1) -> (0)>
module attributes {stable_mosaic.version = 14 : i64} {
  func.func @_sc_body(%arg0: i32, %arg1: i32, %arg2: memref<50331648xf32, #tpu.memory_space<hbm>>, %arg3: memref<1572864xf32, #tpu.memory_space<hbm>>, %arg4: memref<32768xf32, #tpu.memory_space<vmem>>, %arg5: memref<32768xf32, #tpu.memory_space<vmem>>, %arg6: memref<4128xf32, #tpu.memory_space<vmem>>, %arg7: memref<512xf32, #tpu.memory_space<vmem>>, %arg8: memref<1024xf32, #tpu.memory_space<vmem>>, %arg9: memref<!tpu.dma_semaphore, #tpu.memory_space<semaphore_mem>>, %arg10: memref<!tpu.dma_semaphore, #tpu.memory_space<semaphore_mem>>) attributes {dimension_semantics = [#tpu.dimension_semantics<core_parallel>, #tpu.dimension_semantics<subcore_parallel>], iteration_bounds = array<i64: 2, 16>, scalar_prefetch = 0 : i64, scratch_operands = 7 : i64, tpu.core_type = #tpu.core_type<sc_vector_subcore>, window_params = [{transform_indices = #map}, {transform_indices = #map}]} {
    %mul3A = arith.constant 2 : i32
    %mul3A_0 = arith.muli %arg1, %mul3A : i32
    %add3A = arith.addi %mul3A_0, %arg0 : i32
    %mul3A_1 = arith.constant 768 : i32
    %mul3A_2 = arith.muli %add3A, %mul3A_1 : i32
    %broadcast_in_dim3A = arith.constant 0xFF800000 : f32
    %broadcast_in_dim3A_3 = vector.broadcast %broadcast_in_dim3A : f32 to vector<16xf32>
    %add3A_4 = arith.constant 0 : i32
    %add3A_5 = arith.addi %mul3A_2, %add3A_4 : i32
    %mul3A_6 = arith.constant 2048 : i32
    %mul3A_7 = arith.muli %add3A_5, %mul3A_6 : i32
    %dma_start3A = tpu.memref_slice %arg2[%mul3A_7] : memref<50331648xf32, #tpu.memory_space<hbm>> -> memref<32768xf32, #tpu.memory_space<hbm>>
    %dma_start3A_8 = tpu.memref_slice %arg2[%mul3A_7] : memref<50331648xf32, #tpu.memory_space<hbm>> -> memref<32768xf32, #tpu.memory_space<hbm>>
    tpu.enqueue_dma source(%dma_start3A_8 : memref<32768xf32, #tpu.memory_space<hbm>>) target(%arg4 : memref<32768xf32, #tpu.memory_space<vmem>>) target_semaphore(%arg9 : memref<!tpu.dma_semaphore, #tpu.memory_space<semaphore_mem>>)
    %scan3A = arith.constant 0 : i32
    %scan3A_9 = arith.constant 0 : i32
    %scan3A_10 = arith.constant 24 : i32
    %scan3A_11 = arith.addi %scan3A_9, %scan3A_10 : i32
    %scan3A_12 = arith.constant 1 : i32
    %scan3A_13 = scf.for %scan3A_15 = %scan3A_9 to %scan3A_11 step %scan3A_12 iter_args(%scan3A_16 = %scan3A) -> (i32)  : i32 {
      %mul3A_17 = arith.constant 2 : i32
      %mul3A_18 = arith.muli %mul3A_17, %scan3A_15 : i32
      %add3A_19 = arith.constant 0 : i32
      %add3A_20 = arith.addi %mul3A_18, %add3A_19 : i32
      %add3A_21 = arith.constant 1 : i32
      %add3A_22 = arith.addi %add3A_20, %add3A_21 : i32
      %lt3A = arith.constant 48 : i32
      %lt3A_23 = arith.cmpi slt, %add3A_22, %lt3A : i32
      %convert_element_type3A = arith.extui %lt3A_23 : i1 to i32
      %cond3A = arith.constant 0 : i32
      %cond3A_24 = arith.cmpi ne, %convert_element_type3A, %cond3A : i32
      scf.if %cond3A_24 {
        %add3A_74 = arith.constant 1 : i32
        %add3A_75 = arith.addi %add3A_20, %add3A_74 : i32
        %mul3A_76 = arith.constant 16 : i32
        %mul3A_77 = arith.muli %add3A_75, %mul3A_76 : i32
        %add3A_78 = arith.addi %mul3A_2, %mul3A_77 : i32
        %mul3A_79 = arith.constant 2048 : i32
        %mul3A_80 = arith.muli %add3A_78, %mul3A_79 : i32
        %dma_start3A_81 = tpu.memref_slice %arg2[%mul3A_80] : memref<50331648xf32, #tpu.memory_space<hbm>> -> memref<32768xf32, #tpu.memory_space<hbm>>
        %dma_start3A_82 = tpu.memref_slice %arg2[%mul3A_80] : memref<50331648xf32, #tpu.memory_space<hbm>> -> memref<32768xf32, #tpu.memory_space<hbm>>
        tpu.enqueue_dma source(%dma_start3A_82 : memref<32768xf32, #tpu.memory_space<hbm>>) target(%arg5 : memref<32768xf32, #tpu.memory_space<vmem>>) target_semaphore(%arg10 : memref<!tpu.dma_semaphore, #tpu.memory_space<semaphore_mem>>)
      } else {
      }
      %mul3A_25 = arith.constant 16 : i32
      %mul3A_26 = arith.muli %add3A_20, %mul3A_25 : i32
      %add3A_27 = arith.addi %mul3A_2, %mul3A_26 : i32
      %mul3A_28 = arith.constant 2048 : i32
      %mul3A_29 = arith.muli %add3A_27, %mul3A_28 : i32
      %dma_wait3A = tpu.memref_slice %arg2[%mul3A_29] : memref<50331648xf32, #tpu.memory_space<hbm>> -> memref<32768xf32, #tpu.memory_space<hbm>>
      %dma_wait3A_30 = tpu.memref_slice %arg2[%mul3A_29] : memref<50331648xf32, #tpu.memory_space<hbm>> -> memref<32768xf32, #tpu.memory_space<hbm>>
      tpu.wait_dma2 semaphore(%arg9 : memref<!tpu.dma_semaphore, #tpu.memory_space<semaphore_mem>>) src(%dma_wait3A_30 : memref<32768xf32, #tpu.memory_space<hbm>>) dst(%arg4 : memref<32768xf32, #tpu.memory_space<vmem>>)
      %mul3A_31 = arith.constant 16 : i32
      %mul3A_32 = arith.muli %add3A_20, %mul3A_31 : i32
      %add3A_33 = arith.addi %mul3A_2, %mul3A_32 : i32
      %scan3A_34 = arith.constant 0 : i32
      %scan3A_35 = arith.constant 0 : i32
      %scan3A_36 = arith.constant 8 : i32
      %scan3A_37 = arith.addi %scan3A_35, %scan3A_36 : i32
      %scan3A_38 = arith.constant 1 : i32
      %scan3A_39 = scf.for %scan3A_74 = %scan3A_35 to %scan3A_37 step %scan3A_38 iter_args(%scan3A_75 = %scan3A_34) -> (i32)  : i32 {
        %mul3A_76 = arith.constant 2 : i32
        %mul3A_77 = arith.muli %mul3A_76, %scan3A_74 : i32
        %mul3A_78 = arith.constant 2048 : i32
        %mul3A_79 = arith.muli %mul3A_77, %mul3A_78 : i32
        %mul3A_80 = arith.constant 2 : i32
        %mul3A_81 = arith.muli %mul3A_80, %scan3A_74 : i32
        %add3A_82 = arith.constant 1 : i32
        %add3A_83 = arith.addi %mul3A_81, %add3A_82 : i32
        %mul3A_84 = arith.constant 2048 : i32
        %mul3A_85 = arith.muli %add3A_83, %mul3A_84 : i32
        %scan3A_86 = arith.constant 0 : i32
        %scan3A_87 = arith.constant 0 : i32
        %scan3A_88 = arith.constant 8 : i32
        %scan3A_89 = arith.addi %scan3A_87, %scan3A_88 : i32
        %scan3A_90 = arith.constant 1 : i32
        %scan3A_91 = scf.for %scan3A_458 = %scan3A_87 to %scan3A_89 step %scan3A_90 iter_args(%scan3A_459 = %scan3A_86) -> (i32)  : i32 {
          %mul3A_460 = arith.constant 2 : i32
          %mul3A_461 = arith.muli %mul3A_460, %scan3A_458 : i32
          %add3A_462 = arith.constant 0 : i32
          %add3A_463 = arith.addi %mul3A_461, %add3A_462 : i32
          %mul3A_464 = arith.constant 128 : i32
          %mul3A_465 = arith.muli %add3A_463, %mul3A_464 : i32
          %add3A_466 = arith.addi %mul3A_79, %mul3A_465 : i32
          %add3A_467 = arith.constant 0 : i32
          %add3A_468 = arith.addi %add3A_466, %add3A_467 : i32
          %get3A_469 = arith.index_cast %add3A_468 : i32 to index
          %get3A_470 = tpu.vector_load %arg4[%get3A_469] {strides = array<i32>} : memref<32768xf32, #tpu.memory_space<vmem>>, vector<16xf32>,
          %add3A_471 = arith.constant 16 : i32
          %add3A_472 = arith.addi %add3A_466, %add3A_471 : i32
          %get3A_473 = arith.index_cast %add3A_472 : i32 to index
          %get3A_474 = tpu.vector_load %arg4[%get3A_473] {strides = array<i32>} : memref<32768xf32, #tpu.memory_space<vmem>>, vector<16xf32>,
          %add3A_475 = arith.constant 32 : i32
          %add3A_476 = arith.addi %add3A_466, %add3A_475 : i32
          %get3A_477 = arith.index_cast %add3A_476 : i32 to index
          %get3A_478 = tpu.vector_load %arg4[%get3A_477] {strides = array<i32>} : memref<32768xf32, #tpu.memory_space<vmem>>, vector<16xf32>,
          %add3A_479 = arith.constant 48 : i32
          %add3A_480 = arith.addi %add3A_466, %add3A_479 : i32
          %get3A_481 = arith.index_cast %add3A_480 : i32 to index
          %get3A_482 = tpu.vector_load %arg4[%get3A_481] {strides = array<i32>} : memref<32768xf32, #tpu.memory_space<vmem>>, vector<16xf32>,
          %add3A_483 = arith.constant 64 : i32
          %add3A_484 = arith.addi %add3A_466, %add3A_483 : i32
          %get3A_485 = arith.index_cast %add3A_484 : i32 to index
          %get3A_486 = tpu.vector_load %arg4[%get3A_485] {strides = array<i32>} : memref<32768xf32, #tpu.memory_space<vmem>>, vector<16xf32>,
          %add3A_487 = arith.constant 80 : i32
          %add3A_488 = arith.addi %add3A_466, %add3A_487 : i32
          %get3A_489 = arith.index_cast %add3A_488 : i32 to index
          %get3A_490 = tpu.vector_load %arg4[%get3A_489] {strides = array<i32>} : memref<32768xf32, #tpu.memory_space<vmem>>, vector<16xf32>,
          %add3A_491 = arith.constant 96 : i32
          %add3A_492 = arith.addi %add3A_466, %add3A_491 : i32
          %get3A_493 = arith.index_cast %add3A_492 : i32 to index
          %get3A_494 = tpu.vector_load %arg4[%get3A_493] {strides = array<i32>} : memref<32768xf32, #tpu.memory_space<vmem>>, vector<16xf32>,
          %add3A_495 = arith.constant 112 : i32
          %add3A_496 = arith.addi %add3A_466, %add3A_495 : i32
          %get3A_497 = arith.index_cast %add3A_496 : i32 to index
          %get3A_498 = tpu.vector_load %arg4[%get3A_497] {strides = array<i32>} : memref<32768xf32, #tpu.memory_space<vmem>>, vector<16xf32>,
          %max3A_499 = arith.maximumf %get3A_470, %get3A_474 : vector<16xf32>
          %max3A_500 = arith.maximumf %get3A_478, %get3A_482 : vector<16xf32>
          %max3A_501 = arith.maximumf %get3A_486, %get3A_490 : vector<16xf32>
          %max3A_502 = arith.maximumf %get3A_494, %get3A_498 : vector<16xf32>
          %max3A_503 = arith.maximumf %max3A_499, %max3A_500 : vector<16xf32>
          %max3A_504 = arith.maximumf %max3A_501, %max3A_502 : vector<16xf32>
          %max3A_505 = arith.maximumf %max3A_503, %max3A_504 : vector<16xf32>
          %mul3A_506 = arith.constant 16 : i32
          %mul3A_507 = arith.muli %add3A_463, %mul3A_506 : i32
          %add3A_508 = arith.constant 0 : i32
          %add3A_509 = arith.addi %add3A_508, %mul3A_507 : i32
          %swap3A_510 = arith.index_cast %add3A_509 : i32 to index
          %swap3A_511 = tpu.vector_load %arg7[%swap3A_510] {strides = array<i32>} : memref<512xf32, #tpu.memory_space<vmem>>, vector<16xf32>,
          tpu.vector_store %arg7[%swap3A_510], %max3A_505 {strides = array<i32>} : memref<512xf32, #tpu.memory_space<vmem>>, vector<16xf32>,
          %mul3A_512 = arith.constant 128 : i32
          %mul3A_513 = arith.muli %add3A_463, %mul3A_512 : i32
          %add3A_514 = arith.addi %mul3A_85, %mul3A_513 : i32
          %add3A_515 = arith.constant 0 : i32
          %add3A_516 = arith.addi %add3A_514, %add3A_515 : i32
          %get3A_517 = arith.index_cast %add3A_516 : i32 to index
          %get3A_518 = tpu.vector_load %arg4[%get3A_517] {strides = array<i32>} : memref<32768xf32, #tpu.memory_space<vmem>>, vector<16xf32>,
          %add3A_519 = arith.constant 16 : i32
          %add3A_520 = arith.addi %add3A_514, %add3A_519 : i32
          %get3A_521 = arith.index_cast %add3A_520 : i32 to index
          %get3A_522 = tpu.vector_load %arg4[%get3A_521] {strides = array<i32>} : memref<32768xf32, #tpu.memory_space<vmem>>, vector<16xf32>,
          %add3A_523 = arith.constant 32 : i32
          %add3A_524 = arith.addi %add3A_514, %add3A_523 : i32
          %get3A_525 = arith.index_cast %add3A_524 : i32 to index
          %get3A_526 = tpu.vector_load %arg4[%get3A_525] {strides = array<i32>} : memref<32768xf32, #tpu.memory_space<vmem>>, vector<16xf32>,
          %add3A_527 = arith.constant 48 : i32
          %add3A_528 = arith.addi %add3A_514, %add3A_527 : i32
          %get3A_529 = arith.index_cast %add3A_528 : i32 to index
          %get3A_530 = tpu.vector_load %arg4[%get3A_529] {strides = array<i32>} : memref<32768xf32, #tpu.memory_space<vmem>>, vector<16xf32>,
          %add3A_531 = arith.constant 64 : i32
          %add3A_532 = arith.addi %add3A_514, %add3A_531 : i32
          %get3A_533 = arith.index_cast %add3A_532 : i32 to index
          %get3A_534 = tpu.vector_load %arg4[%get3A_533] {strides = array<i32>} : memref<32768xf32, #tpu.memory_space<vmem>>, vector<16xf32>,
          %add3A_535 = arith.constant 80 : i32
          %add3A_536 = arith.addi %add3A_514, %add3A_535 : i32
          %get3A_537 = arith.index_cast %add3A_536 : i32 to index
          %get3A_538 = tpu.vector_load %arg4[%get3A_537] {strides = array<i32>} : memref<32768xf32, #tpu.memory_space<vmem>>, vector<16xf32>,
          %add3A_539 = arith.constant 96 : i32
          %add3A_540 = arith.addi %add3A_514, %add3A_539 : i32
          %get3A_541 = arith.index_cast %add3A_540 : i32 to index
          %get3A_542 = tpu.vector_load %arg4[%get3A_541] {strides = array<i32>} : memref<32768xf32, #tpu.memory_space<vmem>>, vector<16xf32>,
          %add3A_543 = arith.constant 112 : i32
          %add3A_544 = arith.addi %add3A_514, %add3A_543 : i32
          %get3A_545 = arith.index_cast %add3A_544 : i32 to index
          %get3A_546 = tpu.vector_load %arg4[%get3A_545] {strides = array<i32>} : memref<32768xf32, #tpu.memory_space<vmem>>, vector<16xf32>,
          %max3A_547 = arith.maximumf %get3A_518, %get3A_522 : vector<16xf32>
          %max3A_548 = arith.maximumf %get3A_526, %get3A_530 : vector<16xf32>
          %max3A_549 = arith.maximumf %get3A_534, %get3A_538 : vector<16xf32>
          %max3A_550 = arith.maximumf %get3A_542, %get3A_546 : vector<16xf32>
          %max3A_551 = arith.maximumf %max3A_547, %max3A_548 : vector<16xf32>
          %max3A_552 = arith.maximumf %max3A_549, %max3A_550 : vector<16xf32>
          %max3A_553 = arith.maximumf %max3A_551, %max3A_552 : vector<16xf32>
          %mul3A_554 = arith.constant 16 : i32
          %mul3A_555 = arith.muli %add3A_463, %mul3A_554 : i32
          %add3A_556 = arith.constant 256 : i32
          %add3A_557 = arith.addi %add3A_556, %mul3A_555 : i32
          %swap3A_558 = arith.index_cast %add3A_557 : i32 to index
          %swap3A_559 = tpu.vector_load %arg7[%swap3A_558] {strides = array<i32>} : memref<512xf32, #tpu.memory_space<vmem>>, vector<16xf32>,
          tpu.vector_store %arg7[%swap3A_558], %max3A_553 {strides = array<i32>} : memref<512xf32, #tpu.memory_space<vmem>>, vector<16xf32>,
          %mul3A_560 = arith.constant 2 : i32
          %mul3A_561 = arith.muli %mul3A_560, %scan3A_458 : i32
          %add3A_562 = arith.constant 1 : i32
          %add3A_563 = arith.addi %mul3A_561, %add3A_562 : i32
          %mul3A_564 = arith.constant 128 : i32
          %mul3A_565 = arith.muli %add3A_563, %mul3A_564 : i32
          %add3A_566 = arith.addi %mul3A_79, %mul3A_565 : i32
          %add3A_567 = arith.constant 0 : i32
          %add3A_568 = arith.addi %add3A_566, %add3A_567 : i32
          %get3A_569 = arith.index_cast %add3A_568 : i32 to index
          %get3A_570 = tpu.vector_load %arg4[%get3A_569] {strides = array<i32>} : memref<32768xf32, #tpu.memory_space<vmem>>, vector<16xf32>,
          %add3A_571 = arith.constant 16 : i32
          %add3A_572 = arith.addi %add3A_566, %add3A_571 : i32
          %get3A_573 = arith.index_cast %add3A_572 : i32 to index
          %get3A_574 = tpu.vector_load %arg4[%get3A_573] {strides = array<i32>} : memref<32768xf32, #tpu.memory_space<vmem>>, vector<16xf32>,
          %add3A_575 = arith.constant 32 : i32
          %add3A_576 = arith.addi %add3A_566, %add3A_575 : i32
          %get3A_577 = arith.index_cast %add3A_576 : i32 to index
          %get3A_578 = tpu.vector_load %arg4[%get3A_577] {strides = array<i32>} : memref<32768xf32, #tpu.memory_space<vmem>>, vector<16xf32>,
          %add3A_579 = arith.constant 48 : i32
          %add3A_580 = arith.addi %add3A_566, %add3A_579 : i32
          %get3A_581 = arith.index_cast %add3A_580 : i32 to index
          %get3A_582 = tpu.vector_load %arg4[%get3A_581] {strides = array<i32>} : memref<32768xf32, #tpu.memory_space<vmem>>, vector<16xf32>,
          %add3A_583 = arith.constant 64 : i32
          %add3A_584 = arith.addi %add3A_566, %add3A_583 : i32
          %get3A_585 = arith.index_cast %add3A_584 : i32 to index
          %get3A_586 = tpu.vector_load %arg4[%get3A_585] {strides = array<i32>} : memref<32768xf32, #tpu.memory_space<vmem>>, vector<16xf32>,
          %add3A_587 = arith.constant 80 : i32
          %add3A_588 = arith.addi %add3A_566, %add3A_587 : i32
          %get3A_589 = arith.index_cast %add3A_588 : i32 to index
          %get3A_590 = tpu.vector_load %arg4[%get3A_589] {strides = array<i32>} : memref<32768xf32, #tpu.memory_space<vmem>>, vector<16xf32>,
          %add3A_591 = arith.constant 96 : i32
          %add3A_592 = arith.addi %add3A_566, %add3A_591 : i32
          %get3A_593 = arith.index_cast %add3A_592 : i32 to index
          %get3A_594 = tpu.vector_load %arg4[%get3A_593] {strides = array<i32>} : memref<32768xf32, #tpu.memory_space<vmem>>, vector<16xf32>,
          %add3A_595 = arith.constant 112 : i32
          %add3A_596 = arith.addi %add3A_566, %add3A_595 : i32
          %get3A_597 = arith.index_cast %add3A_596 : i32 to index
          %get3A_598 = tpu.vector_load %arg4[%get3A_597] {strides = array<i32>} : memref<32768xf32, #tpu.memory_space<vmem>>, vector<16xf32>,
          %max3A_599 = arith.maximumf %get3A_570, %get3A_574 : vector<16xf32>
          %max3A_600 = arith.maximumf %get3A_578, %get3A_582 : vector<16xf32>
          %max3A_601 = arith.maximumf %get3A_586, %get3A_590 : vector<16xf32>
          %max3A_602 = arith.maximumf %get3A_594, %get3A_598 : vector<16xf32>
          %max3A_603 = arith.maximumf %max3A_599, %max3A_600 : vector<16xf32>
          %max3A_604 = arith.maximumf %max3A_601, %max3A_602 : vector<16xf32>
          %max3A_605 = arith.maximumf %max3A_603, %max3A_604 : vector<16xf32>
          %mul3A_606 = arith.constant 16 : i32
          %mul3A_607 = arith.muli %add3A_563, %mul3A_606 : i32
          %add3A_608 = arith.constant 0 : i32
          %add3A_609 = arith.addi %add3A_608, %mul3A_607 : i32
          %swap3A_610 = arith.index_cast %add3A_609 : i32 to index
          %swap3A_611 = tpu.vector_load %arg7[%swap3A_610] {strides = array<i32>} : memref<512xf32, #tpu.memory_space<vmem>>, vector<16xf32>,
          tpu.vector_store %arg7[%swap3A_610], %max3A_605 {strides = array<i32>} : memref<512xf32, #tpu.memory_space<vmem>>, vector<16xf32>,
          %mul3A_612 = arith.constant 128 : i32
          %mul3A_613 = arith.muli %add3A_563, %mul3A_612 : i32
          %add3A_614 = arith.addi %mul3A_85, %mul3A_613 : i32
          %add3A_615 = arith.constant 0 : i32
          %add3A_616 = arith.addi %add3A_614, %add3A_615 : i32
          %get3A_617 = arith.index_cast %add3A_616 : i32 to index
          %get3A_618 = tpu.vector_load %arg4[%get3A_617] {strides = array<i32>} : memref<32768xf32, #tpu.memory_space<vmem>>, vector<16xf32>,
          %add3A_619 = arith.constant 16 : i32
          %add3A_620 = arith.addi %add3A_614, %add3A_619 : i32
          %get3A_621 = arith.index_cast %add3A_620 : i32 to index
          %get3A_622 = tpu.vector_load %arg4[%get3A_621] {strides = array<i32>} : memref<32768xf32, #tpu.memory_space<vmem>>, vector<16xf32>,
          %add3A_623 = arith.constant 32 : i32
          %add3A_624 = arith.addi %add3A_614, %add3A_623 : i32
          %get3A_625 = arith.index_cast %add3A_624 : i32 to index
          %get3A_626 = tpu.vector_load %arg4[%get3A_625] {strides = array<i32>} : memref<32768xf32, #tpu.memory_space<vmem>>, vector<16xf32>,
          %add3A_627 = arith.constant 48 : i32
          %add3A_628 = arith.addi %add3A_614, %add3A_627 : i32
          %get3A_629 = arith.index_cast %add3A_628 : i32 to index
          %get3A_630 = tpu.vector_load %arg4[%get3A_629] {strides = array<i32>} : memref<32768xf32, #tpu.memory_space<vmem>>, vector<16xf32>,
          %add3A_631 = arith.constant 64 : i32
          %add3A_632 = arith.addi %add3A_614, %add3A_631 : i32
          %get3A_633 = arith.index_cast %add3A_632 : i32 to index
          %get3A_634 = tpu.vector_load %arg4[%get3A_633] {strides = array<i32>} : memref<32768xf32, #tpu.memory_space<vmem>>, vector<16xf32>,
          %add3A_635 = arith.constant 80 : i32
          %add3A_636 = arith.addi %add3A_614, %add3A_635 : i32
          %get3A_637 = arith.index_cast %add3A_636 : i32 to index
          %get3A_638 = tpu.vector_load %arg4[%get3A_637] {strides = array<i32>} : memref<32768xf32, #tpu.memory_space<vmem>>, vector<16xf32>,
          %add3A_639 = arith.constant 96 : i32
          %add3A_640 = arith.addi %add3A_614, %add3A_639 : i32
          %get3A_641 = arith.index_cast %add3A_640 : i32 to index
          %get3A_642 = tpu.vector_load %arg4[%get3A_641] {strides = array<i32>} : memref<32768xf32, #tpu.memory_space<vmem>>, vector<16xf32>,
          %add3A_643 = arith.constant 112 : i32
          %add3A_644 = arith.addi %add3A_614, %add3A_643 : i32
          %get3A_645 = arith.index_cast %add3A_644 : i32 to index
          %get3A_646 = tpu.vector_load %arg4[%get3A_645] {strides = array<i32>} : memref<32768xf32, #tpu.memory_space<vmem>>, vector<16xf32>,
          %max3A_647 = arith.maximumf %get3A_618, %get3A_622 : vector<16xf32>
          %max3A_648 = arith.maximumf %get3A_626, %get3A_630 : vector<16xf32>
          %max3A_649 = arith.maximumf %get3A_634, %get3A_638 : vector<16xf32>
          %max3A_650 = arith.maximumf %get3A_642, %get3A_646 : vector<16xf32>
          %max3A_651 = arith.maximumf %max3A_647, %max3A_648 : vector<16xf32>
          %max3A_652 = arith.maximumf %max3A_649, %max3A_650 : vector<16xf32>
          %max3A_653 = arith.maximumf %max3A_651, %max3A_652 : vector<16xf32>
          %mul3A_654 = arith.constant 16 : i32
          %mul3A_655 = arith.muli %add3A_563, %mul3A_654 : i32
          %add3A_656 = arith.constant 256 : i32
          %add3A_657 = arith.addi %add3A_656, %mul3A_655 : i32
          %swap3A_658 = arith.index_cast %add3A_657 : i32 to index
          %swap3A_659 = tpu.vector_load %arg7[%swap3A_658] {strides = array<i32>} : memref<512xf32, #tpu.memory_space<vmem>>, vector<16xf32>,
          tpu.vector_store %arg7[%swap3A_658], %max3A_653 {strides = array<i32>} : memref<512xf32, #tpu.memory_space<vmem>>, vector<16xf32>,
          %scan3A_660 = arith.constant 0 : i32
          scf.yield %scan3A_660 : i32
        }
        %scan3A_92 = arith.constant 8 : i32
        %get3A = arith.constant 0 : index
        %get3A_93 = tpu.vector_load %arg7[%get3A] {strides = array<i32>} : memref<512xf32, #tpu.memory_space<vmem>>, vector<16xf32>,
        %get3A_94 = arith.constant 16 : index
        %get3A_95 = tpu.vector_load %arg7[%get3A_94] {strides = array<i32>} : memref<512xf32, #tpu.memory_space<vmem>>, vector<16xf32>,
        %get3A_96 = arith.constant 32 : index
        %get3A_97 = tpu.vector_load %arg7[%get3A_96] {strides = array<i32>} : memref<512xf32, #tpu.memory_space<vmem>>, vector<16xf32>,
        %get3A_98 = arith.constant 48 : index
        %get3A_99 = tpu.vector_load %arg7[%get3A_98] {strides = array<i32>} : memref<512xf32, #tpu.memory_space<vmem>>, vector<16xf32>,
        %get3A_100 = arith.constant 64 : index
        %get3A_101 = tpu.vector_load %arg7[%get3A_100] {strides = array<i32>} : memref<512xf32, #tpu.memory_space<vmem>>, vector<16xf32>,
        %get3A_102 = arith.constant 80 : index
        %get3A_103 = tpu.vector_load %arg7[%get3A_102] {strides = array<i32>} : memref<512xf32, #tpu.memory_space<vmem>>, vector<16xf32>,
        %get3A_104 = arith.constant 96 : index
        %get3A_105 = tpu.vector_load %arg7[%get3A_104] {strides = array<i32>} : memref<512xf32, #tpu.memory_space<vmem>>, vector<16xf32>,
        %get3A_106 = arith.constant 112 : index
        %get3A_107 = tpu.vector_load %arg7[%get3A_106] {strides = array<i32>} : memref<512xf32, #tpu.memory_space<vmem>>, vector<16xf32>,
        %get3A_108 = arith.constant 128 : index
        %get3A_109 = tpu.vector_load %arg7[%get3A_108] {strides = array<i32>} : memref<512xf32, #tpu.memory_space<vmem>>, vector<16xf32>,
        %get3A_110 = arith.constant 144 : index
        %get3A_111 = tpu.vector_load %arg7[%get3A_110] {strides = array<i32>} : memref<512xf32, #tpu.memory_space<vmem>>, vector<16xf32>,
        %get3A_112 = arith.constant 160 : index
        %get3A_113 = tpu.vector_load %arg7[%get3A_112] {strides = array<i32>} : memref<512xf32, #tpu.memory_space<vmem>>, vector<16xf32>,
        %get3A_114 = arith.constant 176 : index
        %get3A_115 = tpu.vector_load %arg7[%get3A_114] {strides = array<i32>} : memref<512xf32, #tpu.memory_space<vmem>>, vector<16xf32>,
        %get3A_116 = arith.constant 192 : index
        %get3A_117 = tpu.vector_load %arg7[%get3A_116] {strides = array<i32>} : memref<512xf32, #tpu.memory_space<vmem>>, vector<16xf32>,
        %get3A_118 = arith.constant 208 : index
        %get3A_119 = tpu.vector_load %arg7[%get3A_118] {strides = array<i32>} : memref<512xf32, #tpu.memory_space<vmem>>, vector<16xf32>,
        %get3A_120 = arith.constant 224 : index
        %get3A_121 = tpu.vector_load %arg7[%get3A_120] {strides = array<i32>} : memref<512xf32, #tpu.memory_space<vmem>>, vector<16xf32>,
        %get3A_122 = arith.constant 240 : index
        %get3A_123 = tpu.vector_load %arg7[%get3A_122] {strides = array<i32>} : memref<512xf32, #tpu.memory_space<vmem>>, vector<16xf32>,
        %max3A = arith.maximumf %get3A_93, %get3A_95 : vector<16xf32>
        %min3A = arith.minimumf %get3A_93, %get3A_95 : vector<16xf32>
        %max3A_124 = arith.maximumf %get3A_97, %get3A_99 : vector<16xf32>
        %min3A_125 = arith.minimumf %get3A_97, %get3A_99 : vector<16xf32>
        %max3A_126 = arith.maximumf %get3A_101, %get3A_103 : vector<16xf32>
        %min3A_127 = arith.minimumf %get3A_101, %get3A_103 : vector<16xf32>
        %max3A_128 = arith.maximumf %get3A_105, %get3A_107 : vector<16xf32>
        %min3A_129 = arith.minimumf %get3A_105, %get3A_107 : vector<16xf32>
        %max3A_130 = arith.maximumf %get3A_109, %get3A_111 : vector<16xf32>
        %min3A_131 = arith.minimumf %get3A_109, %get3A_111 : vector<16xf32>
        %max3A_132 = arith.maximumf %get3A_113, %get3A_115 : vector<16xf32>
        %min3A_133 = arith.minimumf %get3A_113, %get3A_115 : vector<16xf32>
        %max3A_134 = arith.maximumf %get3A_117, %get3A_119 : vector<16xf32>
        %min3A_135 = arith.minimumf %get3A_117, %get3A_119 : vector<16xf32>
        %max3A_136 = arith.maximumf %get3A_121, %get3A_123 : vector<16xf32>
        %min3A_137 = arith.minimumf %get3A_121, %get3A_123 : vector<16xf32>
        %max3A_138 = arith.maximumf %max3A, %max3A_124 : vector<16xf32>
        %min3A_139 = arith.minimumf %min3A, %min3A_125 : vector<16xf32>
        %min3A_140 = arith.minimumf %max3A, %max3A_124 : vector<16xf32>
        %max3A_141 = arith.maximumf %min3A, %min3A_125 : vector<16xf32>
        %max3A_142 = arith.maximumf %min3A_140, %max3A_141 : vector<16xf32>
        %min3A_143 = arith.minimumf %min3A_140, %max3A_141 : vector<16xf32>
        %max3A_144 = arith.maximumf %max3A_126, %max3A_128 : vector<16xf32>
        %min3A_145 = arith.minimumf %min3A_127, %min3A_129 : vector<16xf32>
        %min3A_146 = arith.minimumf %max3A_126, %max3A_128 : vector<16xf32>
        %max3A_147 = arith.maximumf %min3A_127, %min3A_129 : vector<16xf32>
        %max3A_148 = arith.maximumf %min3A_146, %max3A_147 : vector<16xf32>
        %min3A_149 = arith.minimumf %min3A_146, %max3A_147 : vector<16xf32>
        %max3A_150 = arith.maximumf %max3A_130, %max3A_132 : vector<16xf32>
        %min3A_151 = arith.minimumf %min3A_131, %min3A_133 : vector<16xf32>
        %min3A_152 = arith.minimumf %max3A_130, %max3A_132 : vector<16xf32>
        %max3A_153 = arith.maximumf %min3A_131, %min3A_133 : vector<16xf32>
        %max3A_154 = arith.maximumf %min3A_152, %max3A_153 : vector<16xf32>
        %min3A_155 = arith.minimumf %min3A_152, %max3A_153 : vector<16xf32>
        %max3A_156 = arith.maximumf %max3A_134, %max3A_136 : vector<16xf32>
        %min3A_157 = arith.minimumf %min3A_135, %min3A_137 : vector<16xf32>
        %min3A_158 = arith.minimumf %max3A_134, %max3A_136 : vector<16xf32>
        %max3A_159 = arith.maximumf %min3A_135, %min3A_137 : vector<16xf32>
        %max3A_160 = arith.maximumf %min3A_158, %max3A_159 : vector<16xf32>
        %min3A_161 = arith.minimumf %min3A_158, %max3A_159 : vector<16xf32>
        %max3A_162 = arith.maximumf %max3A_138, %min3A_145 : vector<16xf32>
        %max3A_163 = arith.maximumf %max3A_142, %min3A_149 : vector<16xf32>
        %max3A_164 = arith.maximumf %min3A_143, %max3A_148 : vector<16xf32>
        %max3A_165 = arith.maximumf %min3A_139, %max3A_144 : vector<16xf32>
        %max3A_166 = arith.maximumf %max3A_162, %max3A_164 : vector<16xf32>
        %min3A_167 = arith.minimumf %max3A_162, %max3A_164 : vector<16xf32>
        %max3A_168 = arith.maximumf %max3A_163, %max3A_165 : vector<16xf32>
        %min3A_169 = arith.minimumf %max3A_163, %max3A_165 : vector<16xf32>
        %max3A_170 = arith.maximumf %max3A_166, %max3A_168 : vector<16xf32>
        %min3A_171 = arith.minimumf %max3A_166, %max3A_168 : vector<16xf32>
        %max3A_172 = arith.maximumf %min3A_167, %min3A_169 : vector<16xf32>
        %min3A_173 = arith.minimumf %min3A_167, %min3A_169 : vector<16xf32>
        %max3A_174 = arith.maximumf %max3A_150, %min3A_157 : vector<16xf32>
        %max3A_175 = arith.maximumf %max3A_154, %min3A_161 : vector<16xf32>
        %max3A_176 = arith.maximumf %min3A_155, %max3A_160 : vector<16xf32>
        %max3A_177 = arith.maximumf %min3A_151, %max3A_156 : vector<16xf32>
        %max3A_178 = arith.maximumf %max3A_174, %max3A_176 : vector<16xf32>
        %min3A_179 = arith.minimumf %max3A_174, %max3A_176 : vector<16xf32>
        %max3A_180 = arith.maximumf %max3A_175, %max3A_177 : vector<16xf32>
        %min3A_181 = arith.minimumf %max3A_175, %max3A_177 : vector<16xf32>
        %max3A_182 = arith.maximumf %max3A_178, %max3A_180 : vector<16xf32>
        %min3A_183 = arith.minimumf %max3A_178, %max3A_180 : vector<16xf32>
        %max3A_184 = arith.maximumf %min3A_179, %min3A_181 : vector<16xf32>
        %min3A_185 = arith.minimumf %min3A_179, %min3A_181 : vector<16xf32>
        %max3A_186 = arith.maximumf %max3A_170, %min3A_185 : vector<16xf32>
        %max3A_187 = arith.maximumf %min3A_171, %max3A_184 : vector<16xf32>
        %max3A_188 = arith.maximumf %max3A_172, %min3A_183 : vector<16xf32>
        %max3A_189 = arith.maximumf %min3A_173, %max3A_182 : vector<16xf32>
        %min3A_190 = arith.minimumf %max3A_186, %max3A_187 : vector<16xf32>
        %min3A_191 = arith.minimumf %max3A_188, %max3A_189 : vector<16xf32>
        %min3A_192 = arith.minimumf %min3A_190, %min3A_191 : vector<16xf32>
        %reduce_min3A = arith.constant true
        %reduce_min3A_193 = vector.broadcast %reduce_min3A : i1 to vector<16xi1>
        %reduce_min3A_194 = tpu.scan <min>, %min3A_192 masked %reduce_min3A_193 : vector<16xf32>, vector<16xi1> -> vector<16xf32>
        %reduce_min3A_195 = vector.extract %reduce_min3A_194[15] : f32 from vector<16xf32>
        %broadcast_in_dim3A_196 = vector.broadcast %reduce_min3A_195 : f32 to vector<16xf32>
        %get3A_197 = arith.constant 256 : index
        %get3A_198 = tpu.vector_load %arg7[%get3A_197] {strides = array<i32>} : memref<512xf32, #tpu.memory_space<vmem>>, vector<16xf32>,
        %get3A_199 = arith.constant 272 : index
        %get3A_200 = tpu.vector_load %arg7[%get3A_199] {strides = array<i32>} : memref<512xf32, #tpu.memory_space<vmem>>, vector<16xf32>,
        %get3A_201 = arith.constant 288 : index
        %get3A_202 = tpu.vector_load %arg7[%get3A_201] {strides = array<i32>} : memref<512xf32, #tpu.memory_space<vmem>>, vector<16xf32>,
        %get3A_203 = arith.constant 304 : index
        %get3A_204 = tpu.vector_load %arg7[%get3A_203] {strides = array<i32>} : memref<512xf32, #tpu.memory_space<vmem>>, vector<16xf32>,
        %get3A_205 = arith.constant 320 : index
        %get3A_206 = tpu.vector_load %arg7[%get3A_205] {strides = array<i32>} : memref<512xf32, #tpu.memory_space<vmem>>, vector<16xf32>,
        %get3A_207 = arith.constant 336 : index
        %get3A_208 = tpu.vector_load %arg7[%get3A_207] {strides = array<i32>} : memref<512xf32, #tpu.memory_space<vmem>>, vector<16xf32>,
        %get3A_209 = arith.constant 352 : index
        %get3A_210 = tpu.vector_load %arg7[%get3A_209] {strides = array<i32>} : memref<512xf32, #tpu.memory_space<vmem>>, vector<16xf32>,
        %get3A_211 = arith.constant 368 : index
        %get3A_212 = tpu.vector_load %arg7[%get3A_211] {strides = array<i32>} : memref<512xf32, #tpu.memory_space<vmem>>, vector<16xf32>,
        %get3A_213 = arith.constant 384 : index
        %get3A_214 = tpu.vector_load %arg7[%get3A_213] {strides = array<i32>} : memref<512xf32, #tpu.memory_space<vmem>>, vector<16xf32>,
        %get3A_215 = arith.constant 400 : index
        %get3A_216 = tpu.vector_load %arg7[%get3A_215] {strides = array<i32>} : memref<512xf32, #tpu.memory_space<vmem>>, vector<16xf32>,
        %get3A_217 = arith.constant 416 : index
        %get3A_218 = tpu.vector_load %arg7[%get3A_217] {strides = array<i32>} : memref<512xf32, #tpu.memory_space<vmem>>, vector<16xf32>,
        %get3A_219 = arith.constant 432 : index
        %get3A_220 = tpu.vector_load %arg7[%get3A_219] {strides = array<i32>} : memref<512xf32, #tpu.memory_space<vmem>>, vector<16xf32>,
        %get3A_221 = arith.constant 448 : index
        %get3A_222 = tpu.vector_load %arg7[%get3A_221] {strides = array<i32>} : memref<512xf32, #tpu.memory_space<vmem>>, vector<16xf32>,
        %get3A_223 = arith.constant 464 : index
        %get3A_224 = tpu.vector_load %arg7[%get3A_223] {strides = array<i32>} : memref<512xf32, #tpu.memory_space<vmem>>, vector<16xf32>,
        %get3A_225 = arith.constant 480 : index
        %get3A_226 = tpu.vector_load %arg7[%get3A_225] {strides = array<i32>} : memref<512xf32, #tpu.memory_space<vmem>>, vector<16xf32>,
        %get3A_227 = arith.constant 496 : index
        %get3A_228 = tpu.vector_load %arg7[%get3A_227] {strides = array<i32>} : memref<512xf32, #tpu.memory_space<vmem>>, vector<16xf32>,
        %max3A_229 = arith.maximumf %get3A_198, %get3A_200 : vector<16xf32>
        %min3A_230 = arith.minimumf %get3A_198, %get3A_200 : vector<16xf32>
        %max3A_231 = arith.maximumf %get3A_202, %get3A_204 : vector<16xf32>
        %min3A_232 = arith.minimumf %get3A_202, %get3A_204 : vector<16xf32>
        %max3A_233 = arith.maximumf %get3A_206, %get3A_208 : vector<16xf32>
        %min3A_234 = arith.minimumf %get3A_206, %get3A_208 : vector<16xf32>
        %max3A_235 = arith.maximumf %get3A_210, %get3A_212 : vector<16xf32>
        %min3A_236 = arith.minimumf %get3A_210, %get3A_212 : vector<16xf32>
        %max3A_237 = arith.maximumf %get3A_214, %get3A_216 : vector<16xf32>
        %min3A_238 = arith.minimumf %get3A_214, %get3A_216 : vector<16xf32>
        %max3A_239 = arith.maximumf %get3A_218, %get3A_220 : vector<16xf32>
        %min3A_240 = arith.minimumf %get3A_218, %get3A_220 : vector<16xf32>
        %max3A_241 = arith.maximumf %get3A_222, %get3A_224 : vector<16xf32>
        %min3A_242 = arith.minimumf %get3A_222, %get3A_224 : vector<16xf32>
        %max3A_243 = arith.maximumf %get3A_226, %get3A_228 : vector<16xf32>
        %min3A_244 = arith.minimumf %get3A_226, %get3A_228 : vector<16xf32>
        %max3A_245 = arith.maximumf %max3A_229, %max3A_231 : vector<16xf32>
        %min3A_246 = arith.minimumf %min3A_230, %min3A_232 : vector<16xf32>
        %min3A_247 = arith.minimumf %max3A_229, %max3A_231 : vector<16xf32>
        %max3A_248 = arith.maximumf %min3A_230, %min3A_232 : vector<16xf32>
        %max3A_249 = arith.maximumf %min3A_247, %max3A_248 : vector<16xf32>
        %min3A_250 = arith.minimumf %min3A_247, %max3A_248 : vector<16xf32>
        %max3A_251 = arith.maximumf %max3A_233, %max3A_235 : vector<16xf32>
        %min3A_252 = arith.minimumf %min3A_234, %min3A_236 : vector<16xf32>
        %min3A_253 = arith.minimumf %max3A_233, %max3A_235 : vector<16xf32>
        %max3A_254 = arith.maximumf %min3A_234, %min3A_236 : vector<16xf32>
        %max3A_255 = arith.maximumf %min3A_253, %max3A_254 : vector<16xf32>
        %min3A_256 = arith.minimumf %min3A_253, %max3A_254 : vector<16xf32>
        %max3A_257 = arith.maximumf %max3A_237, %max3A_239 : vector<16xf32>
        %min3A_258 = arith.minimumf %min3A_238, %min3A_240 : vector<16xf32>
        %min3A_259 = arith.minimumf %max3A_237, %max3A_239 : vector<16xf32>
        %max3A_260 = arith.maximumf %min3A_238, %min3A_240 : vector<16xf32>
        %max3A_261 = arith.maximumf %min3A_259, %max3A_260 : vector<16xf32>
        %min3A_262 = arith.minimumf %min3A_259, %max3A_260 : vector<16xf32>
        %max3A_263 = arith.maximumf %max3A_241, %max3A_243 : vector<16xf32>
        %min3A_264 = arith.minimumf %min3A_242, %min3A_244 : vector<16xf32>
        %min3A_265 = arith.minimumf %max3A_241, %max3A_243 : vector<16xf32>
        %max3A_266 = arith.maximumf %min3A_242, %min3A_244 : vector<16xf32>
        %max3A_267 = arith.maximumf %min3A_265, %max3A_266 : vector<16xf32>
        %min3A_268 = arith.minimumf %min3A_265, %max3A_266 : vector<16xf32>
        %max3A_269 = arith.maximumf %max3A_245, %min3A_252 : vector<16xf32>
        %max3A_270 = arith.maximumf %max3A_249, %min3A_256 : vector<16xf32>
        %max3A_271 = arith.maximumf %min3A_250, %max3A_255 : vector<16xf32>
        %max3A_272 = arith.maximumf %min3A_246, %max3A_251 : vector<16xf32>
        %max3A_273 = arith.maximumf %max3A_269, %max3A_271 : vector<16xf32>
        %min3A_274 = arith.minimumf %max3A_269, %max3A_271 : vector<16xf32>
        %max3A_275 = arith.maximumf %max3A_270, %max3A_272 : vector<16xf32>
        %min3A_276 = arith.minimumf %max3A_270, %max3A_272 : vector<16xf32>
        %max3A_277 = arith.maximumf %max3A_273, %max3A_275 : vector<16xf32>
        %min3A_278 = arith.minimumf %max3A_273, %max3A_275 : vector<16xf32>
        %max3A_279 = arith.maximumf %min3A_274, %min3A_276 : vector<16xf32>
        %min3A_280 = arith.minimumf %min3A_274, %min3A_276 : vector<16xf32>
        %max3A_281 = arith.maximumf %max3A_257, %min3A_264 : vector<16xf32>
        %max3A_282 = arith.maximumf %max3A_261, %min3A_268 : vector<16xf32>
        %max3A_283 = arith.maximumf %min3A_262, %max3A_267 : vector<16xf32>
        %max3A_284 = arith.maximumf %min3A_258, %max3A_263 : vector<16xf32>
        %max3A_285 = arith.maximumf %max3A_281, %max3A_283 : vector<16xf32>
        %min3A_286 = arith.minimumf %max3A_281, %max3A_283 : vector<16xf32>
        %max3A_287 = arith.maximumf %max3A_282, %max3A_284 : vector<16xf32>
        %min3A_288 = arith.minimumf %max3A_282, %max3A_284 : vector<16xf32>
        %max3A_289 = arith.maximumf %max3A_285, %max3A_287 : vector<16xf32>
        %min3A_290 = arith.minimumf %max3A_285, %max3A_287 : vector<16xf32>
        %max3A_291 = arith.maximumf %min3A_286, %min3A_288 : vector<16xf32>
        %min3A_292 = arith.minimumf %min3A_286, %min3A_288 : vector<16xf32>
        %max3A_293 = arith.maximumf %max3A_277, %min3A_292 : vector<16xf32>
        %max3A_294 = arith.maximumf %min3A_278, %max3A_291 : vector<16xf32>
        %max3A_295 = arith.maximumf %max3A_279, %min3A_290 : vector<16xf32>
        %max3A_296 = arith.maximumf %min3A_280, %max3A_289 : vector<16xf32>
        %min3A_297 = arith.minimumf %max3A_293, %max3A_294 : vector<16xf32>
        %min3A_298 = arith.minimumf %max3A_295, %max3A_296 : vector<16xf32>
        %min3A_299 = arith.minimumf %min3A_297, %min3A_298 : vector<16xf32>
        %reduce_min3A_300 = arith.constant true
        %reduce_min3A_301 = vector.broadcast %reduce_min3A_300 : i1 to vector<16xi1>
        %reduce_min3A_302 = tpu.scan <min>, %min3A_299 masked %reduce_min3A_301 : vector<16xf32>, vector<16xi1> -> vector<16xf32>
        %reduce_min3A_303 = vector.extract %reduce_min3A_302[15] : f32 from vector<16xf32>
        %broadcast_in_dim3A_304 = vector.broadcast %reduce_min3A_303 : f32 to vector<16xf32>
        %scan3A_305 = arith.constant 0 : i32
        %scan3A_306 = arith.constant 0 : i32
        %scan3A_307 = arith.constant 0 : i32
        %scan3A_308 = arith.constant 128 : i32
        %scan3A_309 = arith.addi %scan3A_307, %scan3A_308 : i32
        %scan3A_310 = arith.constant 1 : i32
        %scan3A_311:2 = scf.for %scan3A_458 = %scan3A_307 to %scan3A_309 step %scan3A_310 iter_args(%scan3A_459 = %scan3A_305, %scan3A_460 = %scan3A_306) -> (i32, i32)  : i32 {
          %mul3A_461 = arith.constant 16 : i32
          %mul3A_462 = arith.muli %scan3A_458, %mul3A_461 : i32
          %add3A_463 = arith.addi %mul3A_79, %mul3A_462 : i32
          %get3A_464 = arith.index_cast %add3A_463 : i32 to index
          %get3A_465 = tpu.vector_load %arg4[%get3A_464] {strides = array<i32>} : memref<32768xf32, #tpu.memory_space<vmem>>, vector<16xf32>,
          %ge3A = arith.cmpf oge, %get3A_465, %broadcast_in_dim3A_196 : vector<16xf32>
          %add3A_466 = arith.constant 0 : i32
          %add3A_467 = arith.addi %add3A_466, %scan3A_459 : i32
          %swap3A_468 = arith.index_cast %add3A_467 : i32 to index
          %swap3A_469 = tpu.vector_load %arg6[%swap3A_468] masked %ge3A {strides = array<i32>} : memref<4128xf32, #tpu.memory_space<vmem>>, vector<16xf32>, vector<16xi1>
          tpu.vector_store %arg6[%swap3A_468], %get3A_465 masked %ge3A {strides = array<i32>} : memref<4128xf32, #tpu.memory_space<vmem>>, vector<16xf32>, vector<16xi1>
          %convert_element_type3A_470 = arith.extui %ge3A : vector<16xi1> to vector<16xi32>
          %reduce_sum3A = arith.constant true
          %reduce_sum3A_471 = vector.broadcast %reduce_sum3A : i1 to vector<16xi1>
          %reduce_sum3A_472 = tpu.scan <sum>, %convert_element_type3A_470 masked %reduce_sum3A_471 : vector<16xi32>, vector<16xi1> -> vector<16xi32>
          %reduce_sum3A_473 = vector.extract %reduce_sum3A_472[15] : i32 from vector<16xi32>
          %add3A_474 = arith.addi %scan3A_459, %reduce_sum3A_473 : i32
          %mul3A_475 = arith.constant 16 : i32
          %mul3A_476 = arith.muli %scan3A_458, %mul3A_475 : i32
          %add3A_477 = arith.addi %mul3A_85, %mul3A_476 : i32
          %get3A_478 = arith.index_cast %add3A_477 : i32 to index
          %get3A_479 = tpu.vector_load %arg4[%get3A_478] {strides = array<i32>} : memref<32768xf32, #tpu.memory_space<vmem>>, vector<16xf32>,
          %ge3A_480 = arith.cmpf oge, %get3A_479, %broadcast_in_dim3A_304 : vector<16xf32>
          %add3A_481 = arith.constant 2064 : i32
          %add3A_482 = arith.addi %add3A_481, %scan3A_460 : i32
          %swap3A_483 = arith.index_cast %add3A_482 : i32 to index
          %swap3A_484 = tpu.vector_load %arg6[%swap3A_483] masked %ge3A_480 {strides = array<i32>} : memref<4128xf32, #tpu.memory_space<vmem>>, vector<16xf32>, vector<16xi1>
          tpu.vector_store %arg6[%swap3A_483], %get3A_479 masked %ge3A_480 {strides = array<i32>} : memref<4128xf32, #tpu.memory_space<vmem>>, vector<16xf32>, vector<16xi1>
          %convert_element_type3A_485 = arith.extui %ge3A_480 : vector<16xi1> to vector<16xi32>
          %reduce_sum3A_486 = arith.constant true
          %reduce_sum3A_487 = vector.broadcast %reduce_sum3A_486 : i1 to vector<16xi1>
          %reduce_sum3A_488 = tpu.scan <sum>, %convert_element_type3A_485 masked %reduce_sum3A_487 : vector<16xi32>, vector<16xi1> -> vector<16xi32>
          %reduce_sum3A_489 = vector.extract %reduce_sum3A_488[15] : i32 from vector<16xi32>
          %add3A_490 = arith.addi %scan3A_460, %reduce_sum3A_489 : i32
          scf.yield %add3A_474, %add3A_490 : i32, i32
        }
        %scan3A_312 = arith.constant 128 : i32
        %swap3A = arith.index_cast %scan3A_311#0 : i32 to index
        %swap3A_313 = tpu.vector_load %arg6[%swap3A] {strides = array<i32>} : memref<4128xf32, #tpu.memory_space<vmem>>, vector<16xf32>,
        tpu.vector_store %arg6[%swap3A], %broadcast_in_dim3A_3 {strides = array<i32>} : memref<4128xf32, #tpu.memory_space<vmem>>, vector<16xf32>,
        %add3A_314 = arith.constant 2064 : i32
        %add3A_315 = arith.addi %add3A_314, %scan3A_311#1 : i32
        %swap3A_316 = arith.index_cast %add3A_315 : i32 to index
        %swap3A_317 = tpu.vector_load %arg6[%swap3A_316] {strides = array<i32>} : memref<4128xf32, #tpu.memory_space<vmem>>, vector<16xf32>,
        tpu.vector_store %arg6[%swap3A_316], %broadcast_in_dim3A_3 {strides = array<i32>} : memref<4128xf32, #tpu.memory_space<vmem>>, vector<16xf32>,
        %add3A_318 = arith.constant 16 : i32
        %add3A_319 = arith.addi %scan3A_311#0, %add3A_318 : i32
        %sub3A = arith.constant 1 : i32
        %sub3A_320 = arith.subi %add3A_319, %sub3A : i32
        %jit3A = arith.constant 16 : i32
        %div3A = arith.divsi %sub3A_320, %jit3A : i32
        %sign3A = arith.constant 0 : i32
        %sign3A_321 = arith.cmpi sgt, %sub3A_320, %sign3A : i32
        %sign3A_322 = arith.extui %sign3A_321 : i1 to i32
        %sign3A_323 = arith.constant 0 : i32
        %sign3A_324 = arith.cmpi slt, %sub3A_320, %sign3A_323 : i32
        %sign3A_325 = arith.extui %sign3A_324 : i1 to i32
        %sign3A_326 = arith.subi %sign3A_322, %sign3A_325 : i32
        %sign3A_327 = arith.constant 0 : i32
        %sign3A_328 = arith.cmpi sgt, %jit3A, %sign3A_327 : i32
        %sign3A_329 = arith.extui %sign3A_328 : i1 to i32
        %sign3A_330 = arith.constant 0 : i32
        %sign3A_331 = arith.cmpi slt, %jit3A, %sign3A_330 : i32
        %sign3A_332 = arith.extui %sign3A_331 : i1 to i32
        %sign3A_333 = arith.subi %sign3A_329, %sign3A_332 : i32
        %ne3A = arith.cmpi ne, %sign3A_326, %sign3A_333 : i32
        %rem3A = arith.remsi %sub3A_320, %jit3A : i32
        %ne3A_334 = arith.constant 0 : i32
        %ne3A_335 = arith.cmpi ne, %rem3A, %ne3A_334 : i32
        %and3A = arith.andi %ne3A, %ne3A_335 : i1
        %sub3A_336 = arith.constant 1 : i32
        %sub3A_337 = arith.subi %div3A, %sub3A_336 : i32
        %select_n3A = arith.select %and3A, %sub3A_337, %div3A : i32
        %add3A_338 = arith.constant 16 : i32
        %add3A_339 = arith.addi %scan3A_311#1, %add3A_338 : i32
        %sub3A_340 = arith.constant 1 : i32
        %sub3A_341 = arith.subi %add3A_339, %sub3A_340 : i32
        %jit3A_342 = arith.constant 16 : i32
        %div3A_343 = arith.divsi %sub3A_341, %jit3A_342 : i32
        %sign3A_344 = arith.constant 0 : i32
        %sign3A_345 = arith.cmpi sgt, %sub3A_341, %sign3A_344 : i32
        %sign3A_346 = arith.extui %sign3A_345 : i1 to i32
        %sign3A_347 = arith.constant 0 : i32
        %sign3A_348 = arith.cmpi slt, %sub3A_341, %sign3A_347 : i32
        %sign3A_349 = arith.extui %sign3A_348 : i1 to i32
        %sign3A_350 = arith.subi %sign3A_346, %sign3A_349 : i32
        %sign3A_351 = arith.constant 0 : i32
        %sign3A_352 = arith.cmpi sgt, %jit3A_342, %sign3A_351 : i32
        %sign3A_353 = arith.extui %sign3A_352 : i1 to i32
        %sign3A_354 = arith.constant 0 : i32
        %sign3A_355 = arith.cmpi slt, %jit3A_342, %sign3A_354 : i32
        %sign3A_356 = arith.extui %sign3A_355 : i1 to i32
        %sign3A_357 = arith.subi %sign3A_353, %sign3A_356 : i32
        %ne3A_358 = arith.cmpi ne, %sign3A_350, %sign3A_357 : i32
        %rem3A_359 = arith.remsi %sub3A_341, %jit3A_342 : i32
        %ne3A_360 = arith.constant 0 : i32
        %ne3A_361 = arith.cmpi ne, %rem3A_359, %ne3A_360 : i32
        %and3A_362 = arith.andi %ne3A_358, %ne3A_361 : i1
        %sub3A_363 = arith.constant 1 : i32
        %sub3A_364 = arith.subi %div3A_343, %sub3A_363 : i32
        %select_n3A_365 = arith.select %and3A_362, %sub3A_364, %div3A_343 : i32
        %max3A_366 = arith.maxsi %select_n3A, %select_n3A_365 : i32
        %while3A = arith.constant 0 : i32
        %while3A_367 = arith.subi %max3A_366, %while3A : i32
        %while3A_368 = arith.addi %while3A, %while3A_367 : i32
        %while3A_369 = arith.constant 1 : i32
        %while3A_370 = arith.divsi %while3A_367, %while3A_369 : i32
        %while3A_371 = arith.muli %while3A_370, %while3A_369 : i32
        %while3A_372 = arith.addi %while3A, %while3A_371 : i32
        %while3A_373 = arith.constant 1 : i32
        %while3A_374:8 = scf.for %while3A_458 = %while3A to %while3A_372 step %while3A_373 iter_args(%while3A_459 = %broadcast_in_dim3A_3, %while3A_460 = %broadcast_in_dim3A_3, %while3A_461 = %broadcast_in_dim3A_3, %while3A_462 = %broadcast_in_dim3A_3, %while3A_463 = %broadcast_in_dim3A_3, %while3A_464 = %broadcast_in_dim3A_3, %while3A_465 = %broadcast_in_dim3A_3, %while3A_466 = %broadcast_in_dim3A_3) -> (vector<16xf32>, vector<16xf32>, vector<16xf32>, vector<16xf32>, vector<16xf32>, vector<16xf32>, vector<16xf32>, vector<16xf32>)  : i32 {
          %mul3A_467 = arith.constant 16 : i32
          %mul3A_468 = arith.muli %while3A_458, %mul3A_467 : i32
          %get3A_469 = arith.index_cast %mul3A_468 : i32 to index
          %get3A_470 = tpu.vector_load %arg6[%get3A_469] {strides = array<i32>} : memref<4128xf32, #tpu.memory_space<vmem>>, vector<16xf32>,
          %mul3A_471 = arith.constant 16 : i32
          %mul3A_472 = arith.muli %while3A_458, %mul3A_471 : i32
          %add3A_473 = arith.constant 2064 : i32
          %add3A_474 = arith.addi %add3A_473, %mul3A_472 : i32
          %get3A_475 = arith.index_cast %add3A_474 : i32 to index
          %get3A_476 = tpu.vector_load %arg6[%get3A_475] {strides = array<i32>} : memref<4128xf32, #tpu.memory_space<vmem>>, vector<16xf32>,
          %lt3A_477 = arith.cmpi slt, %while3A_458, %select_n3A : i32
          %select_n3A_478 = arith.select %lt3A_477, %get3A_470, %broadcast_in_dim3A_3 : vector<16xf32>
          %lt3A_479 = arith.cmpi slt, %while3A_458, %select_n3A_365 : i32
          %select_n3A_480 = arith.select %lt3A_479, %get3A_476, %broadcast_in_dim3A_3 : vector<16xf32>
          %masked_sort3A = arith.constant dense<true> : vector<16xi1>
          %masked_sort3A_481, %masked_sort3A_482, %masked_sort3A_483 = tpu.sort %select_n3A_478, %select_n3A_478 masked %masked_sort3A {descending = true} : (vector<16xf32>, vector<16xf32>, vector<16xi1>) -> (vector<16xi1>, vector<16xf32>, vector<16xf32>)
          %rev3A = arith.constant 15 : i32
          %rev3A_484 = vector.broadcast %rev3A : i32 to vector<16xi32>
          %rev3A_485 = tpu.iota {dimensions = array<i32: 0>} : vector<16xi32>
          %rev3A_486 = arith.subi %rev3A_484, %rev3A_485 : vector<16xi32>
          %rev3A_487 = tpu.dynamic_gather %masked_sort3A_482[%rev3A_486] in [0] : vector<16xf32>, vector<16xi32> -> vector<16xf32>
          %max3A_488 = arith.maximumf %while3A_459, %rev3A_487 : vector<16xf32>
          %min3A_489 = arith.minimumf %while3A_459, %rev3A_487 : vector<16xf32>
          %masked_sort3A_490 = arith.constant dense<true> : vector<16xi1>
          %masked_sort3A_491, %masked_sort3A_492, %masked_sort3A_493 = tpu.sort %max3A_488, %max3A_488 masked %masked_sort3A_490 {descending = true} : (vector<16xf32>, vector<16xf32>, vector<16xi1>) -> (vector<16xi1>, vector<16xf32>, vector<16xf32>)
          %masked_sort3A_494 = arith.constant dense<true> : vector<16xi1>
          %masked_sort3A_495, %masked_sort3A_496, %masked_sort3A_497 = tpu.sort %min3A_489, %min3A_489 masked %masked_sort3A_494 {descending = true} : (vector<16xf32>, vector<16xf32>, vector<16xi1>) -> (vector<16xi1>, vector<16xf32>, vector<16xf32>)
          %rev3A_498 = arith.constant 15 : i32
          %rev3A_499 = vector.broadcast %rev3A_498 : i32 to vector<16xi32>
          %rev3A_500 = tpu.iota {dimensions = array<i32: 0>} : vector<16xi32>
          %rev3A_501 = arith.subi %rev3A_499, %rev3A_500 : vector<16xi32>
          %rev3A_502 = tpu.dynamic_gather %masked_sort3A_496[%rev3A_501] in [0] : vector<16xf32>, vector<16xi32> -> vector<16xf32>
          %max3A_503 = arith.maximumf %while3A_460, %rev3A_502 : vector<16xf32>
          %min3A_504 = arith.minimumf %while3A_460, %rev3A_502 : vector<16xf32>
          %masked_sort3A_505 = arith.constant dense<true> : vector<16xi1>
          %masked_sort3A_506, %masked_sort3A_507, %masked_sort3A_508 = tpu.sort %max3A_503, %max3A_503 masked %masked_sort3A_505 {descending = true} : (vector<16xf32>, vector<16xf32>, vector<16xi1>) -> (vector<16xi1>, vector<16xf32>, vector<16xf32>)
          %masked_sort3A_509 = arith.constant dense<true> : vector<16xi1>
          %masked_sort3A_510, %masked_sort3A_511, %masked_sort3A_512 = tpu.sort %min3A_504, %min3A_504 masked %masked_sort3A_509 {descending = true} : (vector<16xf32>, vector<16xf32>, vector<16xi1>) -> (vector<16xi1>, vector<16xf32>, vector<16xf32>)
          %rev3A_513 = arith.constant 15 : i32
          %rev3A_514 = vector.broadcast %rev3A_513 : i32 to vector<16xi32>
          %rev3A_515 = tpu.iota {dimensions = array<i32: 0>} : vector<16xi32>
          %rev3A_516 = arith.subi %rev3A_514, %rev3A_515 : vector<16xi32>
          %rev3A_517 = tpu.dynamic_gather %masked_sort3A_511[%rev3A_516] in [0] : vector<16xf32>, vector<16xi32> -> vector<16xf32>
          %max3A_518 = arith.maximumf %while3A_461, %rev3A_517 : vector<16xf32>
          %min3A_519 = arith.minimumf %while3A_461, %rev3A_517 : vector<16xf32>
          %masked_sort3A_520 = arith.constant dense<true> : vector<16xi1>
          %masked_sort3A_521, %masked_sort3A_522, %masked_sort3A_523 = tpu.sort %max3A_518, %max3A_518 masked %masked_sort3A_520 {descending = true} : (vector<16xf32>, vector<16xf32>, vector<16xi1>) -> (vector<16xi1>, vector<16xf32>, vector<16xf32>)
          %masked_sort3A_524 = arith.constant dense<true> : vector<16xi1>
          %masked_sort3A_525, %masked_sort3A_526, %masked_sort3A_527 = tpu.sort %min3A_519, %min3A_519 masked %masked_sort3A_524 {descending = true} : (vector<16xf32>, vector<16xf32>, vector<16xi1>) -> (vector<16xi1>, vector<16xf32>, vector<16xf32>)
          %rev3A_528 = arith.constant 15 : i32
          %rev3A_529 = vector.broadcast %rev3A_528 : i32 to vector<16xi32>
          %rev3A_530 = tpu.iota {dimensions = array<i32: 0>} : vector<16xi32>
          %rev3A_531 = arith.subi %rev3A_529, %rev3A_530 : vector<16xi32>
          %rev3A_532 = tpu.dynamic_gather %masked_sort3A_526[%rev3A_531] in [0] : vector<16xf32>, vector<16xi32> -> vector<16xf32>
          %max3A_533 = arith.maximumf %while3A_462, %rev3A_532 : vector<16xf32>
          %min3A_534 = arith.minimumf %while3A_462, %rev3A_532 : vector<16xf32>
          %masked_sort3A_535 = arith.constant dense<true> : vector<16xi1>
          %masked_sort3A_536, %masked_sort3A_537, %masked_sort3A_538 = tpu.sort %max3A_533, %max3A_533 masked %masked_sort3A_535 {descending = true} : (vector<16xf32>, vector<16xf32>, vector<16xi1>) -> (vector<16xi1>, vector<16xf32>, vector<16xf32>)
          %masked_sort3A_539 = arith.constant dense<true> : vector<16xi1>
          %masked_sort3A_540, %masked_sort3A_541, %masked_sort3A_542 = tpu.sort %min3A_534, %min3A_534 masked %masked_sort3A_539 {descending = true} : (vector<16xf32>, vector<16xf32>, vector<16xi1>) -> (vector<16xi1>, vector<16xf32>, vector<16xf32>)
          %masked_sort3A_543 = arith.constant dense<true> : vector<16xi1>
          %masked_sort3A_544, %masked_sort3A_545, %masked_sort3A_546 = tpu.sort %select_n3A_480, %select_n3A_480 masked %masked_sort3A_543 {descending = true} : (vector<16xf32>, vector<16xf32>, vector<16xi1>) -> (vector<16xi1>, vector<16xf32>, vector<16xf32>)
          %rev3A_547 = arith.constant 15 : i32
          %rev3A_548 = vector.broadcast %rev3A_547 : i32 to vector<16xi32>
          %rev3A_549 = tpu.iota {dimensions = array<i32: 0>} : vector<16xi32>
          %rev3A_550 = arith.subi %rev3A_548, %rev3A_549 : vector<16xi32>
          %rev3A_551 = tpu.dynamic_gather %masked_sort3A_545[%rev3A_550] in [0] : vector<16xf32>, vector<16xi32> -> vector<16xf32>
          %max3A_552 = arith.maximumf %while3A_463, %rev3A_551 : vector<16xf32>
          %min3A_553 = arith.minimumf %while3A_463, %rev3A_551 : vector<16xf32>
          %masked_sort3A_554 = arith.constant dense<true> : vector<16xi1>
          %masked_sort3A_555, %masked_sort3A_556, %masked_sort3A_557 = tpu.sort %max3A_552, %max3A_552 masked %masked_sort3A_554 {descending = true} : (vector<16xf32>, vector<16xf32>, vector<16xi1>) -> (vector<16xi1>, vector<16xf32>, vector<16xf32>)
          %masked_sort3A_558 = arith.constant dense<true> : vector<16xi1>
          %masked_sort3A_559, %masked_sort3A_560, %masked_sort3A_561 = tpu.sort %min3A_553, %min3A_553 masked %masked_sort3A_558 {descending = true} : (vector<16xf32>, vector<16xf32>, vector<16xi1>) -> (vector<16xi1>, vector<16xf32>, vector<16xf32>)
          %rev3A_562 = arith.constant 15 : i32
          %rev3A_563 = vector.broadcast %rev3A_562 : i32 to vector<16xi32>
          %rev3A_564 = tpu.iota {dimensions = array<i32: 0>} : vector<16xi32>
          %rev3A_565 = arith.subi %rev3A_563, %rev3A_564 : vector<16xi32>
          %rev3A_566 = tpu.dynamic_gather %masked_sort3A_560[%rev3A_565] in [0] : vector<16xf32>, vector<16xi32> -> vector<16xf32>
          %max3A_567 = arith.maximumf %while3A_464, %rev3A_566 : vector<16xf32>
          %min3A_568 = arith.minimumf %while3A_464, %rev3A_566 : vector<16xf32>
          %masked_sort3A_569 = arith.constant dense<true> : vector<16xi1>
          %masked_sort3A_570, %masked_sort3A_571, %masked_sort3A_572 = tpu.sort %max3A_567, %max3A_567 masked %masked_sort3A_569 {descending = true} : (vector<16xf32>, vector<16xf32>, vector<16xi1>) -> (vector<16xi1>, vector<16xf32>, vector<16xf32>)
          %masked_sort3A_573 = arith.constant dense<true> : vector<16xi1>
          %masked_sort3A_574, %masked_sort3A_575, %masked_sort3A_576 = tpu.sort %min3A_568, %min3A_568 masked %masked_sort3A_573 {descending = true} : (vector<16xf32>, vector<16xf32>, vector<16xi1>) -> (vector<16xi1>, vector<16xf32>, vector<16xf32>)
          %rev3A_577 = arith.constant 15 : i32
          %rev3A_578 = vector.broadcast %rev3A_577 : i32 to vector<16xi32>
          %rev3A_579 = tpu.iota {dimensions = array<i32: 0>} : vector<16xi32>
          %rev3A_580 = arith.subi %rev3A_578, %rev3A_579 : vector<16xi32>
          %rev3A_581 = tpu.dynamic_gather %masked_sort3A_575[%rev3A_580] in [0] : vector<16xf32>, vector<16xi32> -> vector<16xf32>
          %max3A_582 = arith.maximumf %while3A_465, %rev3A_581 : vector<16xf32>
          %min3A_583 = arith.minimumf %while3A_465, %rev3A_581 : vector<16xf32>
          %masked_sort3A_584 = arith.constant dense<true> : vector<16xi1>
          %masked_sort3A_585, %masked_sort3A_586, %masked_sort3A_587 = tpu.sort %max3A_582, %max3A_582 masked %masked_sort3A_584 {descending = true} : (vector<16xf32>, vector<16xf32>, vector<16xi1>) -> (vector<16xi1>, vector<16xf32>, vector<16xf32>)
          %masked_sort3A_588 = arith.constant dense<true> : vector<16xi1>
          %masked_sort3A_589, %masked_sort3A_590, %masked_sort3A_591 = tpu.sort %min3A_583, %min3A_583 masked %masked_sort3A_588 {descending = true} : (vector<16xf32>, vector<16xf32>, vector<16xi1>) -> (vector<16xi1>, vector<16xf32>, vector<16xf32>)
          %rev3A_592 = arith.constant 15 : i32
          %rev3A_593 = vector.broadcast %rev3A_592 : i32 to vector<16xi32>
          %rev3A_594 = tpu.iota {dimensions = array<i32: 0>} : vector<16xi32>
          %rev3A_595 = arith.subi %rev3A_593, %rev3A_594 : vector<16xi32>
          %rev3A_596 = tpu.dynamic_gather %masked_sort3A_590[%rev3A_595] in [0] : vector<16xf32>, vector<16xi32> -> vector<16xf32>
          %max3A_597 = arith.maximumf %while3A_466, %rev3A_596 : vector<16xf32>
          %min3A_598 = arith.minimumf %while3A_466, %rev3A_596 : vector<16xf32>
          %masked_sort3A_599 = arith.constant dense<true> : vector<16xi1>
          %masked_sort3A_600, %masked_sort3A_601, %masked_sort3A_602 = tpu.sort %max3A_597, %max3A_597 masked %masked_sort3A_599 {descending = true} : (vector<16xf32>, vector<16xf32>, vector<16xi1>) -> (vector<16xi1>, vector<16xf32>, vector<16xf32>)
          %masked_sort3A_603 = arith.constant dense<true> : vector<16xi1>
          %masked_sort3A_604, %masked_sort3A_605, %masked_sort3A_606 = tpu.sort %min3A_598, %min3A_598 masked %masked_sort3A_603 {descending = true} : (vector<16xf32>, vector<16xf32>, vector<16xi1>) -> (vector<16xi1>, vector<16xf32>, vector<16xf32>)
          scf.yield %masked_sort3A_492, %masked_sort3A_507, %masked_sort3A_522, %masked_sort3A_537, %masked_sort3A_556, %masked_sort3A_571, %masked_sort3A_586, %masked_sort3A_601 : vector<16xf32>, vector<16xf32>, vector<16xf32>, vector<16xf32>, vector<16xf32>, vector<16xf32>, vector<16xf32>, vector<16xf32>
        }
        %while3A_375 = arith.constant 1 : i32
        %while3A_376:8 = scf.for %while3A_458 = %while3A_372 to %while3A_368 step %while3A_375 iter_args(%while3A_459 = %while3A_374#0, %while3A_460 = %while3A_374#1, %while3A_461 = %while3A_374#2, %while3A_462 = %while3A_374#3, %while3A_463 = %while3A_374#4, %while3A_464 = %while3A_374#5, %while3A_465 = %while3A_374#6, %while3A_466 = %while3A_374#7) -> (vector<16xf32>, vector<16xf32>, vector<16xf32>, vector<16xf32>, vector<16xf32>, vector<16xf32>, vector<16xf32>, vector<16xf32>)  : i32 {
          %mul3A_467 = arith.constant 16 : i32
          %mul3A_468 = arith.muli %while3A_458, %mul3A_467 : i32
          %get3A_469 = arith.index_cast %mul3A_468 : i32 to index
          %get3A_470 = tpu.vector_load %arg6[%get3A_469] {strides = array<i32>} : memref<4128xf32, #tpu.memory_space<vmem>>, vector<16xf32>,
          %mul3A_471 = arith.constant 16 : i32
          %mul3A_472 = arith.muli %while3A_458, %mul3A_471 : i32
          %add3A_473 = arith.constant 2064 : i32
          %add3A_474 = arith.addi %add3A_473, %mul3A_472 : i32
          %get3A_475 = arith.index_cast %add3A_474 : i32 to index
          %get3A_476 = tpu.vector_load %arg6[%get3A_475] {strides = array<i32>} : memref<4128xf32, #tpu.memory_space<vmem>>, vector<16xf32>,
          %lt3A_477 = arith.cmpi slt, %while3A_458, %select_n3A : i32
          %select_n3A_478 = arith.select %lt3A_477, %get3A_470, %broadcast_in_dim3A_3 : vector<16xf32>
          %lt3A_479 = arith.cmpi slt, %while3A_458, %select_n3A_365 : i32
          %select_n3A_480 = arith.select %lt3A_479, %get3A_476, %broadcast_in_dim3A_3 : vector<16xf32>
          %masked_sort3A = arith.constant dense<true> : vector<16xi1>
          %masked_sort3A_481, %masked_sort3A_482, %masked_sort3A_483 = tpu.sort %select_n3A_478, %select_n3A_478 masked %masked_sort3A {descending = true} : (vector<16xf32>, vector<16xf32>, vector<16xi1>) -> (vector<16xi1>, vector<16xf32>, vector<16xf32>)
          %rev3A = arith.constant 15 : i32
          %rev3A_484 = vector.broadcast %rev3A : i32 to vector<16xi32>
          %rev3A_485 = tpu.iota {dimensions = array<i32: 0>} : vector<16xi32>
          %rev3A_486 = arith.subi %rev3A_484, %rev3A_485 : vector<16xi32>
          %rev3A_487 = tpu.dynamic_gather %masked_sort3A_482[%rev3A_486] in [0] : vector<16xf32>, vector<16xi32> -> vector<16xf32>
          %max3A_488 = arith.maximumf %while3A_459, %rev3A_487 : vector<16xf32>
          %min3A_489 = arith.minimumf %while3A_459, %rev3A_487 : vector<16xf32>
          %masked_sort3A_490 = arith.constant dense<true> : vector<16xi1>
          %masked_sort3A_491, %masked_sort3A_492, %masked_sort3A_493 = tpu.sort %max3A_488, %max3A_488 masked %masked_sort3A_490 {descending = true} : (vector<16xf32>, vector<16xf32>, vector<16xi1>) -> (vector<16xi1>, vector<16xf32>, vector<16xf32>)
          %masked_sort3A_494 = arith.constant dense<true> : vector<16xi1>
          %masked_sort3A_495, %masked_sort3A_496, %masked_sort3A_497 = tpu.sort %min3A_489, %min3A_489 masked %masked_sort3A_494 {descending = true} : (vector<16xf32>, vector<16xf32>, vector<16xi1>) -> (vector<16xi1>, vector<16xf32>, vector<16xf32>)
          %rev3A_498 = arith.constant 15 : i32
          %rev3A_499 = vector.broadcast %rev3A_498 : i32 to vector<16xi32>
          %rev3A_500 = tpu.iota {dimensions = array<i32: 0>} : vector<16xi32>
          %rev3A_501 = arith.subi %rev3A_499, %rev3A_500 : vector<16xi32>
          %rev3A_502 = tpu.dynamic_gather %masked_sort3A_496[%rev3A_501] in [0] : vector<16xf32>, vector<16xi32> -> vector<16xf32>
          %max3A_503 = arith.maximumf %while3A_460, %rev3A_502 : vector<16xf32>
          %min3A_504 = arith.minimumf %while3A_460, %rev3A_502 : vector<16xf32>
          %masked_sort3A_505 = arith.constant dense<true> : vector<16xi1>
          %masked_sort3A_506, %masked_sort3A_507, %masked_sort3A_508 = tpu.sort %max3A_503, %max3A_503 masked %masked_sort3A_505 {descending = true} : (vector<16xf32>, vector<16xf32>, vector<16xi1>) -> (vector<16xi1>, vector<16xf32>, vector<16xf32>)
          %masked_sort3A_509 = arith.constant dense<true> : vector<16xi1>
          %masked_sort3A_510, %masked_sort3A_511, %masked_sort3A_512 = tpu.sort %min3A_504, %min3A_504 masked %masked_sort3A_509 {descending = true} : (vector<16xf32>, vector<16xf32>, vector<16xi1>) -> (vector<16xi1>, vector<16xf32>, vector<16xf32>)
          %rev3A_513 = arith.constant 15 : i32
          %rev3A_514 = vector.broadcast %rev3A_513 : i32 to vector<16xi32>
          %rev3A_515 = tpu.iota {dimensions = array<i32: 0>} : vector<16xi32>
          %rev3A_516 = arith.subi %rev3A_514, %rev3A_515 : vector<16xi32>
          %rev3A_517 = tpu.dynamic_gather %masked_sort3A_511[%rev3A_516] in [0] : vector<16xf32>, vector<16xi32> -> vector<16xf32>
          %max3A_518 = arith.maximumf %while3A_461, %rev3A_517 : vector<16xf32>
          %min3A_519 = arith.minimumf %while3A_461, %rev3A_517 : vector<16xf32>
          %masked_sort3A_520 = arith.constant dense<true> : vector<16xi1>
          %masked_sort3A_521, %masked_sort3A_522, %masked_sort3A_523 = tpu.sort %max3A_518, %max3A_518 masked %masked_sort3A_520 {descending = true} : (vector<16xf32>, vector<16xf32>, vector<16xi1>) -> (vector<16xi1>, vector<16xf32>, vector<16xf32>)
          %masked_sort3A_524 = arith.constant dense<true> : vector<16xi1>
          %masked_sort3A_525, %masked_sort3A_526, %masked_sort3A_527 = tpu.sort %min3A_519, %min3A_519 masked %masked_sort3A_524 {descending = true} : (vector<16xf32>, vector<16xf32>, vector<16xi1>) -> (vector<16xi1>, vector<16xf32>, vector<16xf32>)
          %rev3A_528 = arith.constant 15 : i32
          %rev3A_529 = vector.broadcast %rev3A_528 : i32 to vector<16xi32>
          %rev3A_530 = tpu.iota {dimensions = array<i32: 0>} : vector<16xi32>
          %rev3A_531 = arith.subi %rev3A_529, %rev3A_530 : vector<16xi32>
          %rev3A_532 = tpu.dynamic_gather %masked_sort3A_526[%rev3A_531] in [0] : vector<16xf32>, vector<16xi32> -> vector<16xf32>
          %max3A_533 = arith.maximumf %while3A_462, %rev3A_532 : vector<16xf32>
          %min3A_534 = arith.minimumf %while3A_462, %rev3A_532 : vector<16xf32>
          %masked_sort3A_535 = arith.constant dense<true> : vector<16xi1>
          %masked_sort3A_536, %masked_sort3A_537, %masked_sort3A_538 = tpu.sort %max3A_533, %max3A_533 masked %masked_sort3A_535 {descending = true} : (vector<16xf32>, vector<16xf32>, vector<16xi1>) -> (vector<16xi1>, vector<16xf32>, vector<16xf32>)
          %masked_sort3A_539 = arith.constant dense<true> : vector<16xi1>
          %masked_sort3A_540, %masked_sort3A_541, %masked_sort3A_542 = tpu.sort %min3A_534, %min3A_534 masked %masked_sort3A_539 {descending = true} : (vector<16xf32>, vector<16xf32>, vector<16xi1>) -> (vector<16xi1>, vector<16xf32>, vector<16xf32>)
          %masked_sort3A_543 = arith.constant dense<true> : vector<16xi1>
          %masked_sort3A_544, %masked_sort3A_545, %masked_sort3A_546 = tpu.sort %select_n3A_480, %select_n3A_480 masked %masked_sort3A_543 {descending = true} : (vector<16xf32>, vector<16xf32>, vector<16xi1>) -> (vector<16xi1>, vector<16xf32>, vector<16xf32>)
          %rev3A_547 = arith.constant 15 : i32
          %rev3A_548 = vector.broadcast %rev3A_547 : i32 to vector<16xi32>
          %rev3A_549 = tpu.iota {dimensions = array<i32: 0>} : vector<16xi32>
          %rev3A_550 = arith.subi %rev3A_548, %rev3A_549 : vector<16xi32>
          %rev3A_551 = tpu.dynamic_gather %masked_sort3A_545[%rev3A_550] in [0] : vector<16xf32>, vector<16xi32> -> vector<16xf32>
          %max3A_552 = arith.maximumf %while3A_463, %rev3A_551 : vector<16xf32>
          %min3A_553 = arith.minimumf %while3A_463, %rev3A_551 : vector<16xf32>
          %masked_sort3A_554 = arith.constant dense<true> : vector<16xi1>
          %masked_sort3A_555, %masked_sort3A_556, %masked_sort3A_557 = tpu.sort %max3A_552, %max3A_552 masked %masked_sort3A_554 {descending = true} : (vector<16xf32>, vector<16xf32>, vector<16xi1>) -> (vector<16xi1>, vector<16xf32>, vector<16xf32>)
          %masked_sort3A_558 = arith.constant dense<true> : vector<16xi1>
          %masked_sort3A_559, %masked_sort3A_560, %masked_sort3A_561 = tpu.sort %min3A_553, %min3A_553 masked %masked_sort3A_558 {descending = true} : (vector<16xf32>, vector<16xf32>, vector<16xi1>) -> (vector<16xi1>, vector<16xf32>, vector<16xf32>)
          %rev3A_562 = arith.constant 15 : i32
          %rev3A_563 = vector.broadcast %rev3A_562 : i32 to vector<16xi32>
          %rev3A_564 = tpu.iota {dimensions = array<i32: 0>} : vector<16xi32>
          %rev3A_565 = arith.subi %rev3A_563, %rev3A_564 : vector<16xi32>
          %rev3A_566 = tpu.dynamic_gather %masked_sort3A_560[%rev3A_565] in [0] : vector<16xf32>, vector<16xi32> -> vector<16xf32>
          %max3A_567 = arith.maximumf %while3A_464, %rev3A_566 : vector<16xf32>
          %min3A_568 = arith.minimumf %while3A_464, %rev3A_566 : vector<16xf32>
          %masked_sort3A_569 = arith.constant dense<true> : vector<16xi1>
          %masked_sort3A_570, %masked_sort3A_571, %masked_sort3A_572 = tpu.sort %max3A_567, %max3A_567 masked %masked_sort3A_569 {descending = true} : (vector<16xf32>, vector<16xf32>, vector<16xi1>) -> (vector<16xi1>, vector<16xf32>, vector<16xf32>)
          %masked_sort3A_573 = arith.constant dense<true> : vector<16xi1>
          %masked_sort3A_574, %masked_sort3A_575, %masked_sort3A_576 = tpu.sort %min3A_568, %min3A_568 masked %masked_sort3A_573 {descending = true} : (vector<16xf32>, vector<16xf32>, vector<16xi1>) -> (vector<16xi1>, vector<16xf32>, vector<16xf32>)
          %rev3A_577 = arith.constant 15 : i32
          %rev3A_578 = vector.broadcast %rev3A_577 : i32 to vector<16xi32>
          %rev3A_579 = tpu.iota {dimensions = array<i32: 0>} : vector<16xi32>
          %rev3A_580 = arith.subi %rev3A_578, %rev3A_579 : vector<16xi32>
          %rev3A_581 = tpu.dynamic_gather %masked_sort3A_575[%rev3A_580] in [0] : vector<16xf32>, vector<16xi32> -> vector<16xf32>
          %max3A_582 = arith.maximumf %while3A_465, %rev3A_581 : vector<16xf32>
          %min3A_583 = arith.minimumf %while3A_465, %rev3A_581 : vector<16xf32>
          %masked_sort3A_584 = arith.constant dense<true> : vector<16xi1>
          %masked_sort3A_585, %masked_sort3A_586, %masked_sort3A_587 = tpu.sort %max3A_582, %max3A_582 masked %masked_sort3A_584 {descending = true} : (vector<16xf32>, vector<16xf32>, vector<16xi1>) -> (vector<16xi1>, vector<16xf32>, vector<16xf32>)
          %masked_sort3A_588 = arith.constant dense<true> : vector<16xi1>
          %masked_sort3A_589, %masked_sort3A_590, %masked_sort3A_591 = tpu.sort %min3A_583, %min3A_583 masked %masked_sort3A_588 {descending = true} : (vector<16xf32>, vector<16xf32>, vector<16xi1>) -> (vector<16xi1>, vector<16xf32>, vector<16xf32>)
          %rev3A_592 = arith.constant 15 : i32
          %rev3A_593 = vector.broadcast %rev3A_592 : i32 to vector<16xi32>
          %rev3A_594 = tpu.iota {dimensions = array<i32: 0>} : vector<16xi32>
          %rev3A_595 = arith.subi %rev3A_593, %rev3A_594 : vector<16xi32>
          %rev3A_596 = tpu.dynamic_gather %masked_sort3A_590[%rev3A_595] in [0] : vector<16xf32>, vector<16xi32> -> vector<16xf32>
          %max3A_597 = arith.maximumf %while3A_466, %rev3A_596 : vector<16xf32>
          %min3A_598 = arith.minimumf %while3A_466, %rev3A_596 : vector<16xf32>
          %masked_sort3A_599 = arith.constant dense<true> : vector<16xi1>
          %masked_sort3A_600, %masked_sort3A_601, %masked_sort3A_602 = tpu.sort %max3A_597, %max3A_597 masked %masked_sort3A_599 {descending = true} : (vector<16xf32>, vector<16xf32>, vector<16xi1>) -> (vector<16xi1>, vector<16xf32>, vector<16xf32>)
          %masked_sort3A_603 = arith.constant dense<true> : vector<16xi1>
          %masked_sort3A_604, %masked_sort3A_605, %masked_sort3A_606 = tpu.sort %min3A_598, %min3A_598 masked %masked_sort3A_603 {descending = true} : (vector<16xf32>, vector<16xf32>, vector<16xi1>) -> (vector<16xi1>, vector<16xf32>, vector<16xf32>)
          scf.yield %masked_sort3A_492, %masked_sort3A_507, %masked_sort3A_522, %masked_sort3A_537, %masked_sort3A_556, %masked_sort3A_571, %masked_sort3A_586, %masked_sort3A_601 : vector<16xf32>, vector<16xf32>, vector<16xf32>, vector<16xf32>, vector<16xf32>, vector<16xf32>, vector<16xf32>, vector<16xf32>
        }
        %mul3A_377 = arith.constant 2 : i32
        %mul3A_378 = arith.muli %mul3A_377, %scan3A_74 : i32
        %add3A_379 = arith.constant 0 : i32
        %add3A_380 = arith.addi %mul3A_378, %add3A_379 : i32
        %mul3A_381 = arith.constant 64 : i32
        %mul3A_382 = arith.muli %add3A_380, %mul3A_381 : i32
        %add3A_383 = arith.constant 0 : i32
        %add3A_384 = arith.addi %mul3A_382, %add3A_383 : i32
        %swap3A_385 = arith.index_cast %add3A_384 : i32 to index
        %swap3A_386 = tpu.vector_load %arg8[%swap3A_385] {strides = array<i32>} : memref<1024xf32, #tpu.memory_space<vmem>>, vector<16xf32>,
        tpu.vector_store %arg8[%swap3A_385], %while3A_376#0 {strides = array<i32>} : memref<1024xf32, #tpu.memory_space<vmem>>, vector<16xf32>,
        %mul3A_387 = arith.constant 2 : i32
        %mul3A_388 = arith.muli %mul3A_387, %scan3A_74 : i32
        %add3A_389 = arith.constant 0 : i32
        %add3A_390 = arith.addi %mul3A_388, %add3A_389 : i32
        %mul3A_391 = arith.constant 64 : i32
        %mul3A_392 = arith.muli %add3A_390, %mul3A_391 : i32
        %add3A_393 = arith.constant 16 : i32
        %add3A_394 = arith.addi %mul3A_392, %add3A_393 : i32
        %swap3A_395 = arith.index_cast %add3A_394 : i32 to index
        %swap3A_396 = tpu.vector_load %arg8[%swap3A_395] {strides = array<i32>} : memref<1024xf32, #tpu.memory_space<vmem>>, vector<16xf32>,
        tpu.vector_store %arg8[%swap3A_395], %while3A_376#1 {strides = array<i32>} : memref<1024xf32, #tpu.memory_space<vmem>>, vector<16xf32>,
        %mul3A_397 = arith.constant 2 : i32
        %mul3A_398 = arith.muli %mul3A_397, %scan3A_74 : i32
        %add3A_399 = arith.constant 0 : i32
        %add3A_400 = arith.addi %mul3A_398, %add3A_399 : i32
        %mul3A_401 = arith.constant 64 : i32
        %mul3A_402 = arith.muli %add3A_400, %mul3A_401 : i32
        %add3A_403 = arith.constant 32 : i32
        %add3A_404 = arith.addi %mul3A_402, %add3A_403 : i32
        %swap3A_405 = arith.index_cast %add3A_404 : i32 to index
        %swap3A_406 = tpu.vector_load %arg8[%swap3A_405] {strides = array<i32>} : memref<1024xf32, #tpu.memory_space<vmem>>, vector<16xf32>,
        tpu.vector_store %arg8[%swap3A_405], %while3A_376#2 {strides = array<i32>} : memref<1024xf32, #tpu.memory_space<vmem>>, vector<16xf32>,
        %mul3A_407 = arith.constant 2 : i32
        %mul3A_408 = arith.muli %mul3A_407, %scan3A_74 : i32
        %add3A_409 = arith.constant 0 : i32
        %add3A_410 = arith.addi %mul3A_408, %add3A_409 : i32
        %mul3A_411 = arith.constant 64 : i32
        %mul3A_412 = arith.muli %add3A_410, %mul3A_411 : i32
        %add3A_413 = arith.constant 48 : i32
        %add3A_414 = arith.addi %mul3A_412, %add3A_413 : i32
        %swap3A_415 = arith.index_cast %add3A_414 : i32 to index
        %swap3A_416 = tpu.vector_load %arg8[%swap3A_415] {strides = array<i32>} : memref<1024xf32, #tpu.memory_space<vmem>>, vector<16xf32>,
        tpu.vector_store %arg8[%swap3A_415], %while3A_376#3 {strides = array<i32>} : memref<1024xf32, #tpu.memory_space<vmem>>, vector<16xf32>,
        %mul3A_417 = arith.constant 2 : i32
        %mul3A_418 = arith.muli %mul3A_417, %scan3A_74 : i32
        %add3A_419 = arith.constant 1 : i32
        %add3A_420 = arith.addi %mul3A_418, %add3A_419 : i32
        %mul3A_421 = arith.constant 64 : i32
        %mul3A_422 = arith.muli %add3A_420, %mul3A_421 : i32
        %add3A_423 = arith.constant 0 : i32
        %add3A_424 = arith.addi %mul3A_422, %add3A_423 : i32
        %swap3A_425 = arith.index_cast %add3A_424 : i32 to index
        %swap3A_426 = tpu.vector_load %arg8[%swap3A_425] {strides = array<i32>} : memref<1024xf32, #tpu.memory_space<vmem>>, vector<16xf32>,
        tpu.vector_store %arg8[%swap3A_425], %while3A_376#4 {strides = array<i32>} : memref<1024xf32, #tpu.memory_space<vmem>>, vector<16xf32>,
        %mul3A_427 = arith.constant 2 : i32
        %mul3A_428 = arith.muli %mul3A_427, %scan3A_74 : i32
        %add3A_429 = arith.constant 1 : i32
        %add3A_430 = arith.addi %mul3A_428, %add3A_429 : i32
        %mul3A_431 = arith.constant 64 : i32
        %mul3A_432 = arith.muli %add3A_430, %mul3A_431 : i32
        %add3A_433 = arith.constant 16 : i32
        %add3A_434 = arith.addi %mul3A_432, %add3A_433 : i32
        %swap3A_435 = arith.index_cast %add3A_434 : i32 to index
        %swap3A_436 = tpu.vector_load %arg8[%swap3A_435] {strides = array<i32>} : memref<1024xf32, #tpu.memory_space<vmem>>, vector<16xf32>,
        tpu.vector_store %arg8[%swap3A_435], %while3A_376#5 {strides = array<i32>} : memref<1024xf32, #tpu.memory_space<vmem>>, vector<16xf32>,
        %mul3A_437 = arith.constant 2 : i32
        %mul3A_438 = arith.muli %mul3A_437, %scan3A_74 : i32
        %add3A_439 = arith.constant 1 : i32
        %add3A_440 = arith.addi %mul3A_438, %add3A_439 : i32
        %mul3A_441 = arith.constant 64 : i32
        %mul3A_442 = arith.muli %add3A_440, %mul3A_441 : i32
        %add3A_443 = arith.constant 32 : i32
        %add3A_444 = arith.addi %mul3A_442, %add3A_443 : i32
        %swap3A_445 = arith.index_cast %add3A_444 : i32 to index
        %swap3A_446 = tpu.vector_load %arg8[%swap3A_445] {strides = array<i32>} : memref<1024xf32, #tpu.memory_space<vmem>>, vector<16xf32>,
        tpu.vector_store %arg8[%swap3A_445], %while3A_376#6 {strides = array<i32>} : memref<1024xf32, #tpu.memory_space<vmem>>, vector<16xf32>,
        %mul3A_447 = arith.constant 2 : i32
        %mul3A_448 = arith.muli %mul3A_447, %scan3A_74 : i32
        %add3A_449 = arith.constant 1 : i32
        %add3A_450 = arith.addi %mul3A_448, %add3A_449 : i32
        %mul3A_451 = arith.constant 64 : i32
        %mul3A_452 = arith.muli %add3A_450, %mul3A_451 : i32
        %add3A_453 = arith.constant 48 : i32
        %add3A_454 = arith.addi %mul3A_452, %add3A_453 : i32
        %swap3A_455 = arith.index_cast %add3A_454 : i32 to index
        %swap3A_456 = tpu.vector_load %arg8[%swap3A_455] {strides = array<i32>} : memref<1024xf32, #tpu.memory_space<vmem>>, vector<16xf32>,
        tpu.vector_store %arg8[%swap3A_455], %while3A_376#7 {strides = array<i32>} : memref<1024xf32, #tpu.memory_space<vmem>>, vector<16xf32>,
        %scan3A_457 = arith.constant 0 : i32
        scf.yield %scan3A_457 : i32
      }
      %scan3A_40 = arith.constant 8 : i32
      %mul3A_41 = arith.constant 64 : i32
      %mul3A_42 = arith.muli %add3A_33, %mul3A_41 : i32
      "tpu.region"() ({
        %run_scoped3A = tpu.sem_alloc : memref<!tpu.dma_semaphore, #tpu.memory_space<semaphore_mem>>
        %dma_start3A_74 = tpu.memref_slice %arg3[%mul3A_42] : memref<1572864xf32, #tpu.memory_space<hbm>> -> memref<1024xf32, #tpu.memory_space<hbm>>
        %dma_start3A_75 = tpu.memref_slice %arg3[%mul3A_42] : memref<1572864xf32, #tpu.memory_space<hbm>> -> memref<1024xf32, #tpu.memory_space<hbm>>
        tpu.enqueue_dma source(%arg8 : memref<1024xf32, #tpu.memory_space<vmem>>) target(%dma_start3A_75 : memref<1024xf32, #tpu.memory_space<hbm>>) target_semaphore(%run_scoped3A : memref<!tpu.dma_semaphore, #tpu.memory_space<semaphore_mem>>)
        %dma_wait3A_76 = tpu.memref_slice %arg3[%mul3A_42] : memref<1572864xf32, #tpu.memory_space<hbm>> -> memref<1024xf32, #tpu.memory_space<hbm>>
        %dma_wait3A_77 = tpu.memref_slice %arg3[%mul3A_42] : memref<1572864xf32, #tpu.memory_space<hbm>> -> memref<1024xf32, #tpu.memory_space<hbm>>
        tpu.wait_dma2 semaphore(%run_scoped3A : memref<!tpu.dma_semaphore, #tpu.memory_space<semaphore_mem>>) src(%arg8 : memref<1024xf32, #tpu.memory_space<vmem>>) dst(%dma_wait3A_77 : memref<1024xf32, #tpu.memory_space<hbm>>)
        tpu.yield
      }) : () -> ()
      %mul3A_43 = arith.constant 2 : i32
      %mul3A_44 = arith.muli %mul3A_43, %scan3A_15 : i32
      %add3A_45 = arith.constant 1 : i32
      %add3A_46 = arith.addi %mul3A_44, %add3A_45 : i32
      %add3A_47 = arith.constant 1 : i32
      %add3A_48 = arith.addi %add3A_46, %add3A_47 : i32
      %lt3A_49 = arith.constant 48 : i32
      %lt3A_50 = arith.cmpi slt, %add3A_48, %lt3A_49 : i32
      %convert_element_type3A_51 = arith.extui %lt3A_50 : i1 to i32
      %cond3A_52 = arith.constant 0 : i32
      %cond3A_53 = arith.cmpi ne, %convert_element_type3A_51, %cond3A_52 : i32
      scf.if %cond3A_53 {
        %add3A_74 = arith.constant 1 : i32
        %add3A_75 = arith.addi %add3A_46, %add3A_74 : i32
        %mul3A_76 = arith.constant 16 : i32
        %mul3A_77 = arith.muli %add3A_75, %mul3A_76 : i32
        %add3A_78 = arith.addi %mul3A_2, %mul3A_77 : i32
        %mul3A_79 = arith.constant 2048 : i32
        %mul3A_80 = arith.muli %add3A_78, %mul3A_79 : i32
        %dma_start3A_81 = tpu.memref_slice %arg2[%mul3A_80] : memref<50331648xf32, #tpu.memory_space<hbm>> -> memref<32768xf32, #tpu.memory_space<hbm>>
        %dma_start3A_82 = tpu.memref_slice %arg2[%mul3A_80] : memref<50331648xf32, #tpu.memory_space<hbm>> -> memref<32768xf32, #tpu.memory_space<hbm>>
        tpu.enqueue_dma source(%dma_start3A_82 : memref<32768xf32, #tpu.memory_space<hbm>>) target(%arg4 : memref<32768xf32, #tpu.memory_space<vmem>>) target_semaphore(%arg9 : memref<!tpu.dma_semaphore, #tpu.memory_space<semaphore_mem>>)
      } else {
      }
      %mul3A_54 = arith.constant 16 : i32
      %mul3A_55 = arith.muli %add3A_46, %mul3A_54 : i32
      %add3A_56 = arith.addi %mul3A_2, %mul3A_55 : i32
      %mul3A_57 = arith.constant 2048 : i32
      %mul3A_58 = arith.muli %add3A_56, %mul3A_57 : i32
      %dma_wait3A_59 = tpu.memref_slice %arg2[%mul3A_58] : memref<50331648xf32, #tpu.memory_space<hbm>> -> memref<32768xf32, #tpu.memory_space<hbm>>
      %dma_wait3A_60 = tpu.memref_slice %arg2[%mul3A_58] : memref<50331648xf32, #tpu.memory_space<hbm>> -> memref<32768xf32, #tpu.memory_space<hbm>>
      tpu.wait_dma2 semaphore(%arg10 : memref<!tpu.dma_semaphore, #tpu.memory_space<semaphore_mem>>) src(%dma_wait3A_60 : memref<32768xf32, #tpu.memory_space<hbm>>) dst(%arg5 : memref<32768xf32, #tpu.memory_space<vmem>>)
      %mul3A_61 = arith.constant 16 : i32
      %mul3A_62 = arith.muli %add3A_46, %mul3A_61 : i32
      %add3A_63 = arith.addi %mul3A_2, %mul3A_62 : i32
      %scan3A_64 = arith.constant 0 : i32
      %scan3A_65 = arith.constant 0 : i32
      %scan3A_66 = arith.constant 8 : i32
      %scan3A_67 = arith.addi %scan3A_65, %scan3A_66 : i32
      %scan3A_68 = arith.constant 1 : i32
      %scan3A_69 = scf.for %scan3A_74 = %scan3A_65 to %scan3A_67 step %scan3A_68 iter_args(%scan3A_75 = %scan3A_64) -> (i32)  : i32 {
        %mul3A_76 = arith.constant 2 : i32
        %mul3A_77 = arith.muli %mul3A_76, %scan3A_74 : i32
        %mul3A_78 = arith.constant 2048 : i32
        %mul3A_79 = arith.muli %mul3A_77, %mul3A_78 : i32
        %mul3A_80 = arith.constant 2 : i32
        %mul3A_81 = arith.muli %mul3A_80, %scan3A_74 : i32
        %add3A_82 = arith.constant 1 : i32
        %add3A_83 = arith.addi %mul3A_81, %add3A_82 : i32
        %mul3A_84 = arith.constant 2048 : i32
        %mul3A_85 = arith.muli %add3A_83, %mul3A_84 : i32
        %scan3A_86 = arith.constant 0 : i32
        %scan3A_87 = arith.constant 0 : i32
        %scan3A_88 = arith.constant 8 : i32
        %scan3A_89 = arith.addi %scan3A_87, %scan3A_88 : i32
        %scan3A_90 = arith.constant 1 : i32
        %scan3A_91 = scf.for %scan3A_458 = %scan3A_87 to %scan3A_89 step %scan3A_90 iter_args(%scan3A_459 = %scan3A_86) -> (i32)  : i32 {
          %mul3A_460 = arith.constant 2 : i32
          %mul3A_461 = arith.muli %mul3A_460, %scan3A_458 : i32
          %add3A_462 = arith.constant 0 : i32
          %add3A_463 = arith.addi %mul3A_461, %add3A_462 : i32
          %mul3A_464 = arith.constant 128 : i32
          %mul3A_465 = arith.muli %add3A_463, %mul3A_464 : i32
          %add3A_466 = arith.addi %mul3A_79, %mul3A_465 : i32
          %add3A_467 = arith.constant 0 : i32
          %add3A_468 = arith.addi %add3A_466, %add3A_467 : i32
          %get3A_469 = arith.index_cast %add3A_468 : i32 to index
          %get3A_470 = tpu.vector_load %arg5[%get3A_469] {strides = array<i32>} : memref<32768xf32, #tpu.memory_space<vmem>>, vector<16xf32>,
          %add3A_471 = arith.constant 16 : i32
          %add3A_472 = arith.addi %add3A_466, %add3A_471 : i32
          %get3A_473 = arith.index_cast %add3A_472 : i32 to index
          %get3A_474 = tpu.vector_load %arg5[%get3A_473] {strides = array<i32>} : memref<32768xf32, #tpu.memory_space<vmem>>, vector<16xf32>,
          %add3A_475 = arith.constant 32 : i32
          %add3A_476 = arith.addi %add3A_466, %add3A_475 : i32
          %get3A_477 = arith.index_cast %add3A_476 : i32 to index
          %get3A_478 = tpu.vector_load %arg5[%get3A_477] {strides = array<i32>} : memref<32768xf32, #tpu.memory_space<vmem>>, vector<16xf32>,
          %add3A_479 = arith.constant 48 : i32
          %add3A_480 = arith.addi %add3A_466, %add3A_479 : i32
          %get3A_481 = arith.index_cast %add3A_480 : i32 to index
          %get3A_482 = tpu.vector_load %arg5[%get3A_481] {strides = array<i32>} : memref<32768xf32, #tpu.memory_space<vmem>>, vector<16xf32>,
          %add3A_483 = arith.constant 64 : i32
          %add3A_484 = arith.addi %add3A_466, %add3A_483 : i32
          %get3A_485 = arith.index_cast %add3A_484 : i32 to index
          %get3A_486 = tpu.vector_load %arg5[%get3A_485] {strides = array<i32>} : memref<32768xf32, #tpu.memory_space<vmem>>, vector<16xf32>,
          %add3A_487 = arith.constant 80 : i32
          %add3A_488 = arith.addi %add3A_466, %add3A_487 : i32
          %get3A_489 = arith.index_cast %add3A_488 : i32 to index
          %get3A_490 = tpu.vector_load %arg5[%get3A_489] {strides = array<i32>} : memref<32768xf32, #tpu.memory_space<vmem>>, vector<16xf32>,
          %add3A_491 = arith.constant 96 : i32
          %add3A_492 = arith.addi %add3A_466, %add3A_491 : i32
          %get3A_493 = arith.index_cast %add3A_492 : i32 to index
          %get3A_494 = tpu.vector_load %arg5[%get3A_493] {strides = array<i32>} : memref<32768xf32, #tpu.memory_space<vmem>>, vector<16xf32>,
          %add3A_495 = arith.constant 112 : i32
          %add3A_496 = arith.addi %add3A_466, %add3A_495 : i32
          %get3A_497 = arith.index_cast %add3A_496 : i32 to index
          %get3A_498 = tpu.vector_load %arg5[%get3A_497] {strides = array<i32>} : memref<32768xf32, #tpu.memory_space<vmem>>, vector<16xf32>,
          %max3A_499 = arith.maximumf %get3A_470, %get3A_474 : vector<16xf32>
          %max3A_500 = arith.maximumf %get3A_478, %get3A_482 : vector<16xf32>
          %max3A_501 = arith.maximumf %get3A_486, %get3A_490 : vector<16xf32>
          %max3A_502 = arith.maximumf %get3A_494, %get3A_498 : vector<16xf32>
          %max3A_503 = arith.maximumf %max3A_499, %max3A_500 : vector<16xf32>
          %max3A_504 = arith.maximumf %max3A_501, %max3A_502 : vector<16xf32>
          %max3A_505 = arith.maximumf %max3A_503, %max3A_504 : vector<16xf32>
          %mul3A_506 = arith.constant 16 : i32
          %mul3A_507 = arith.muli %add3A_463, %mul3A_506 : i32
          %add3A_508 = arith.constant 0 : i32
          %add3A_509 = arith.addi %add3A_508, %mul3A_507 : i32
          %swap3A_510 = arith.index_cast %add3A_509 : i32 to index
          %swap3A_511 = tpu.vector_load %arg7[%swap3A_510] {strides = array<i32>} : memref<512xf32, #tpu.memory_space<vmem>>, vector<16xf32>,
          tpu.vector_store %arg7[%swap3A_510], %max3A_505 {strides = array<i32>} : memref<512xf32, #tpu.memory_space<vmem>>, vector<16xf32>,
          %mul3A_512 = arith.constant 128 : i32
          %mul3A_513 = arith.muli %add3A_463, %mul3A_512 : i32
          %add3A_514 = arith.addi %mul3A_85, %mul3A_513 : i32
          %add3A_515 = arith.constant 0 : i32
          %add3A_516 = arith.addi %add3A_514, %add3A_515 : i32
          %get3A_517 = arith.index_cast %add3A_516 : i32 to index
          %get3A_518 = tpu.vector_load %arg5[%get3A_517] {strides = array<i32>} : memref<32768xf32, #tpu.memory_space<vmem>>, vector<16xf32>,
          %add3A_519 = arith.constant 16 : i32
          %add3A_520 = arith.addi %add3A_514, %add3A_519 : i32
          %get3A_521 = arith.index_cast %add3A_520 : i32 to index
          %get3A_522 = tpu.vector_load %arg5[%get3A_521] {strides = array<i32>} : memref<32768xf32, #tpu.memory_space<vmem>>, vector<16xf32>,
          %add3A_523 = arith.constant 32 : i32
          %add3A_524 = arith.addi %add3A_514, %add3A_523 : i32
          %get3A_525 = arith.index_cast %add3A_524 : i32 to index
          %get3A_526 = tpu.vector_load %arg5[%get3A_525] {strides = array<i32>} : memref<32768xf32, #tpu.memory_space<vmem>>, vector<16xf32>,
          %add3A_527 = arith.constant 48 : i32
          %add3A_528 = arith.addi %add3A_514, %add3A_527 : i32
          %get3A_529 = arith.index_cast %add3A_528 : i32 to index
          %get3A_530 = tpu.vector_load %arg5[%get3A_529] {strides = array<i32>} : memref<32768xf32, #tpu.memory_space<vmem>>, vector<16xf32>,
          %add3A_531 = arith.constant 64 : i32
          %add3A_532 = arith.addi %add3A_514, %add3A_531 : i32
          %get3A_533 = arith.index_cast %add3A_532 : i32 to index
          %get3A_534 = tpu.vector_load %arg5[%get3A_533] {strides = array<i32>} : memref<32768xf32, #tpu.memory_space<vmem>>, vector<16xf32>,
          %add3A_535 = arith.constant 80 : i32
          %add3A_536 = arith.addi %add3A_514, %add3A_535 : i32
          %get3A_537 = arith.index_cast %add3A_536 : i32 to index
          %get3A_538 = tpu.vector_load %arg5[%get3A_537] {strides = array<i32>} : memref<32768xf32, #tpu.memory_space<vmem>>, vector<16xf32>,
          %add3A_539 = arith.constant 96 : i32
          %add3A_540 = arith.addi %add3A_514, %add3A_539 : i32
          %get3A_541 = arith.index_cast %add3A_540 : i32 to index
          %get3A_542 = tpu.vector_load %arg5[%get3A_541] {strides = array<i32>} : memref<32768xf32, #tpu.memory_space<vmem>>, vector<16xf32>,
          %add3A_543 = arith.constant 112 : i32
          %add3A_544 = arith.addi %add3A_514, %add3A_543 : i32
          %get3A_545 = arith.index_cast %add3A_544 : i32 to index
          %get3A_546 = tpu.vector_load %arg5[%get3A_545] {strides = array<i32>} : memref<32768xf32, #tpu.memory_space<vmem>>, vector<16xf32>,
          %max3A_547 = arith.maximumf %get3A_518, %get3A_522 : vector<16xf32>
          %max3A_548 = arith.maximumf %get3A_526, %get3A_530 : vector<16xf32>
          %max3A_549 = arith.maximumf %get3A_534, %get3A_538 : vector<16xf32>
          %max3A_550 = arith.maximumf %get3A_542, %get3A_546 : vector<16xf32>
          %max3A_551 = arith.maximumf %max3A_547, %max3A_548 : vector<16xf32>
          %max3A_552 = arith.maximumf %max3A_549, %max3A_550 : vector<16xf32>
          %max3A_553 = arith.maximumf %max3A_551, %max3A_552 : vector<16xf32>
          %mul3A_554 = arith.constant 16 : i32
          %mul3A_555 = arith.muli %add3A_463, %mul3A_554 : i32
          %add3A_556 = arith.constant 256 : i32
          %add3A_557 = arith.addi %add3A_556, %mul3A_555 : i32
          %swap3A_558 = arith.index_cast %add3A_557 : i32 to index
          %swap3A_559 = tpu.vector_load %arg7[%swap3A_558] {strides = array<i32>} : memref<512xf32, #tpu.memory_space<vmem>>, vector<16xf32>,
          tpu.vector_store %arg7[%swap3A_558], %max3A_553 {strides = array<i32>} : memref<512xf32, #tpu.memory_space<vmem>>, vector<16xf32>,
          %mul3A_560 = arith.constant 2 : i32
          %mul3A_561 = arith.muli %mul3A_560, %scan3A_458 : i32
          %add3A_562 = arith.constant 1 : i32
          %add3A_563 = arith.addi %mul3A_561, %add3A_562 : i32
          %mul3A_564 = arith.constant 128 : i32
          %mul3A_565 = arith.muli %add3A_563, %mul3A_564 : i32
          %add3A_566 = arith.addi %mul3A_79, %mul3A_565 : i32
          %add3A_567 = arith.constant 0 : i32
          %add3A_568 = arith.addi %add3A_566, %add3A_567 : i32
          %get3A_569 = arith.index_cast %add3A_568 : i32 to index
          %get3A_570 = tpu.vector_load %arg5[%get3A_569] {strides = array<i32>} : memref<32768xf32, #tpu.memory_space<vmem>>, vector<16xf32>,
          %add3A_571 = arith.constant 16 : i32
          %add3A_572 = arith.addi %add3A_566, %add3A_571 : i32
          %get3A_573 = arith.index_cast %add3A_572 : i32 to index
          %get3A_574 = tpu.vector_load %arg5[%get3A_573] {strides = array<i32>} : memref<32768xf32, #tpu.memory_space<vmem>>, vector<16xf32>,
          %add3A_575 = arith.constant 32 : i32
          %add3A_576 = arith.addi %add3A_566, %add3A_575 : i32
          %get3A_577 = arith.index_cast %add3A_576 : i32 to index
          %get3A_578 = tpu.vector_load %arg5[%get3A_577] {strides = array<i32>} : memref<32768xf32, #tpu.memory_space<vmem>>, vector<16xf32>,
          %add3A_579 = arith.constant 48 : i32
          %add3A_580 = arith.addi %add3A_566, %add3A_579 : i32
          %get3A_581 = arith.index_cast %add3A_580 : i32 to index
          %get3A_582 = tpu.vector_load %arg5[%get3A_581] {strides = array<i32>} : memref<32768xf32, #tpu.memory_space<vmem>>, vector<16xf32>,
          %add3A_583 = arith.constant 64 : i32
          %add3A_584 = arith.addi %add3A_566, %add3A_583 : i32
          %get3A_585 = arith.index_cast %add3A_584 : i32 to index
          %get3A_586 = tpu.vector_load %arg5[%get3A_585] {strides = array<i32>} : memref<32768xf32, #tpu.memory_space<vmem>>, vector<16xf32>,
          %add3A_587 = arith.constant 80 : i32
          %add3A_588 = arith.addi %add3A_566, %add3A_587 : i32
          %get3A_589 = arith.index_cast %add3A_588 : i32 to index
          %get3A_590 = tpu.vector_load %arg5[%get3A_589] {strides = array<i32>} : memref<32768xf32, #tpu.memory_space<vmem>>, vector<16xf32>,
          %add3A_591 = arith.constant 96 : i32
          %add3A_592 = arith.addi %add3A_566, %add3A_591 : i32
          %get3A_593 = arith.index_cast %add3A_592 : i32 to index
          %get3A_594 = tpu.vector_load %arg5[%get3A_593] {strides = array<i32>} : memref<32768xf32, #tpu.memory_space<vmem>>, vector<16xf32>,
          %add3A_595 = arith.constant 112 : i32
          %add3A_596 = arith.addi %add3A_566, %add3A_595 : i32
          %get3A_597 = arith.index_cast %add3A_596 : i32 to index
          %get3A_598 = tpu.vector_load %arg5[%get3A_597] {strides = array<i32>} : memref<32768xf32, #tpu.memory_space<vmem>>, vector<16xf32>,
          %max3A_599 = arith.maximumf %get3A_570, %get3A_574 : vector<16xf32>
          %max3A_600 = arith.maximumf %get3A_578, %get3A_582 : vector<16xf32>
          %max3A_601 = arith.maximumf %get3A_586, %get3A_590 : vector<16xf32>
          %max3A_602 = arith.maximumf %get3A_594, %get3A_598 : vector<16xf32>
          %max3A_603 = arith.maximumf %max3A_599, %max3A_600 : vector<16xf32>
          %max3A_604 = arith.maximumf %max3A_601, %max3A_602 : vector<16xf32>
          %max3A_605 = arith.maximumf %max3A_603, %max3A_604 : vector<16xf32>
          %mul3A_606 = arith.constant 16 : i32
          %mul3A_607 = arith.muli %add3A_563, %mul3A_606 : i32
          %add3A_608 = arith.constant 0 : i32
          %add3A_609 = arith.addi %add3A_608, %mul3A_607 : i32
          %swap3A_610 = arith.index_cast %add3A_609 : i32 to index
          %swap3A_611 = tpu.vector_load %arg7[%swap3A_610] {strides = array<i32>} : memref<512xf32, #tpu.memory_space<vmem>>, vector<16xf32>,
          tpu.vector_store %arg7[%swap3A_610], %max3A_605 {strides = array<i32>} : memref<512xf32, #tpu.memory_space<vmem>>, vector<16xf32>,
          %mul3A_612 = arith.constant 128 : i32
          %mul3A_613 = arith.muli %add3A_563, %mul3A_612 : i32
          %add3A_614 = arith.addi %mul3A_85, %mul3A_613 : i32
          %add3A_615 = arith.constant 0 : i32
          %add3A_616 = arith.addi %add3A_614, %add3A_615 : i32
          %get3A_617 = arith.index_cast %add3A_616 : i32 to index
          %get3A_618 = tpu.vector_load %arg5[%get3A_617] {strides = array<i32>} : memref<32768xf32, #tpu.memory_space<vmem>>, vector<16xf32>,
          %add3A_619 = arith.constant 16 : i32
          %add3A_620 = arith.addi %add3A_614, %add3A_619 : i32
          %get3A_621 = arith.index_cast %add3A_620 : i32 to index
          %get3A_622 = tpu.vector_load %arg5[%get3A_621] {strides = array<i32>} : memref<32768xf32, #tpu.memory_space<vmem>>, vector<16xf32>,
          %add3A_623 = arith.constant 32 : i32
          %add3A_624 = arith.addi %add3A_614, %add3A_623 : i32
          %get3A_625 = arith.index_cast %add3A_624 : i32 to index
          %get3A_626 = tpu.vector_load %arg5[%get3A_625] {strides = array<i32>} : memref<32768xf32, #tpu.memory_space<vmem>>, vector<16xf32>,
          %add3A_627 = arith.constant 48 : i32
          %add3A_628 = arith.addi %add3A_614, %add3A_627 : i32
          %get3A_629 = arith.index_cast %add3A_628 : i32 to index
          %get3A_630 = tpu.vector_load %arg5[%get3A_629] {strides = array<i32>} : memref<32768xf32, #tpu.memory_space<vmem>>, vector<16xf32>,
          %add3A_631 = arith.constant 64 : i32
          %add3A_632 = arith.addi %add3A_614, %add3A_631 : i32
          %get3A_633 = arith.index_cast %add3A_632 : i32 to index
          %get3A_634 = tpu.vector_load %arg5[%get3A_633] {strides = array<i32>} : memref<32768xf32, #tpu.memory_space<vmem>>, vector<16xf32>,
          %add3A_635 = arith.constant 80 : i32
          %add3A_636 = arith.addi %add3A_614, %add3A_635 : i32
          %get3A_637 = arith.index_cast %add3A_636 : i32 to index
          %get3A_638 = tpu.vector_load %arg5[%get3A_637] {strides = array<i32>} : memref<32768xf32, #tpu.memory_space<vmem>>, vector<16xf32>,
          %add3A_639 = arith.constant 96 : i32
          %add3A_640 = arith.addi %add3A_614, %add3A_639 : i32
          %get3A_641 = arith.index_cast %add3A_640 : i32 to index
          %get3A_642 = tpu.vector_load %arg5[%get3A_641] {strides = array<i32>} : memref<32768xf32, #tpu.memory_space<vmem>>, vector<16xf32>,
          %add3A_643 = arith.constant 112 : i32
          %add3A_644 = arith.addi %add3A_614, %add3A_643 : i32
          %get3A_645 = arith.index_cast %add3A_644 : i32 to index
          %get3A_646 = tpu.vector_load %arg5[%get3A_645] {strides = array<i32>} : memref<32768xf32, #tpu.memory_space<vmem>>, vector<16xf32>,
          %max3A_647 = arith.maximumf %get3A_618, %get3A_622 : vector<16xf32>
          %max3A_648 = arith.maximumf %get3A_626, %get3A_630 : vector<16xf32>
          %max3A_649 = arith.maximumf %get3A_634, %get3A_638 : vector<16xf32>
          %max3A_650 = arith.maximumf %get3A_642, %get3A_646 : vector<16xf32>
          %max3A_651 = arith.maximumf %max3A_647, %max3A_648 : vector<16xf32>
          %max3A_652 = arith.maximumf %max3A_649, %max3A_650 : vector<16xf32>
          %max3A_653 = arith.maximumf %max3A_651, %max3A_652 : vector<16xf32>
          %mul3A_654 = arith.constant 16 : i32
          %mul3A_655 = arith.muli %add3A_563, %mul3A_654 : i32
          %add3A_656 = arith.constant 256 : i32
          %add3A_657 = arith.addi %add3A_656, %mul3A_655 : i32
          %swap3A_658 = arith.index_cast %add3A_657 : i32 to index
          %swap3A_659 = tpu.vector_load %arg7[%swap3A_658] {strides = array<i32>} : memref<512xf32, #tpu.memory_space<vmem>>, vector<16xf32>,
          tpu.vector_store %arg7[%swap3A_658], %max3A_653 {strides = array<i32>} : memref<512xf32, #tpu.memory_space<vmem>>, vector<16xf32>,
          %scan3A_660 = arith.constant 0 : i32
          scf.yield %scan3A_660 : i32
        }
        %scan3A_92 = arith.constant 8 : i32
        %get3A = arith.constant 0 : index
        %get3A_93 = tpu.vector_load %arg7[%get3A] {strides = array<i32>} : memref<512xf32, #tpu.memory_space<vmem>>, vector<16xf32>,
        %get3A_94 = arith.constant 16 : index
        %get3A_95 = tpu.vector_load %arg7[%get3A_94] {strides = array<i32>} : memref<512xf32, #tpu.memory_space<vmem>>, vector<16xf32>,
        %get3A_96 = arith.constant 32 : index
        %get3A_97 = tpu.vector_load %arg7[%get3A_96] {strides = array<i32>} : memref<512xf32, #tpu.memory_space<vmem>>, vector<16xf32>,
        %get3A_98 = arith.constant 48 : index
        %get3A_99 = tpu.vector_load %arg7[%get3A_98] {strides = array<i32>} : memref<512xf32, #tpu.memory_space<vmem>>, vector<16xf32>,
        %get3A_100 = arith.constant 64 : index
        %get3A_101 = tpu.vector_load %arg7[%get3A_100] {strides = array<i32>} : memref<512xf32, #tpu.memory_space<vmem>>, vector<16xf32>,
        %get3A_102 = arith.constant 80 : index
        %get3A_103 = tpu.vector_load %arg7[%get3A_102] {strides = array<i32>} : memref<512xf32, #tpu.memory_space<vmem>>, vector<16xf32>,
        %get3A_104 = arith.constant 96 : index
        %get3A_105 = tpu.vector_load %arg7[%get3A_104] {strides = array<i32>} : memref<512xf32, #tpu.memory_space<vmem>>, vector<16xf32>,
        %get3A_106 = arith.constant 112 : index
        %get3A_107 = tpu.vector_load %arg7[%get3A_106] {strides = array<i32>} : memref<512xf32, #tpu.memory_space<vmem>>, vector<16xf32>,
        %get3A_108 = arith.constant 128 : index
        %get3A_109 = tpu.vector_load %arg7[%get3A_108] {strides = array<i32>} : memref<512xf32, #tpu.memory_space<vmem>>, vector<16xf32>,
        %get3A_110 = arith.constant 144 : index
        %get3A_111 = tpu.vector_load %arg7[%get3A_110] {strides = array<i32>} : memref<512xf32, #tpu.memory_space<vmem>>, vector<16xf32>,
        %get3A_112 = arith.constant 160 : index
        %get3A_113 = tpu.vector_load %arg7[%get3A_112] {strides = array<i32>} : memref<512xf32, #tpu.memory_space<vmem>>, vector<16xf32>,
        %get3A_114 = arith.constant 176 : index
        %get3A_115 = tpu.vector_load %arg7[%get3A_114] {strides = array<i32>} : memref<512xf32, #tpu.memory_space<vmem>>, vector<16xf32>,
        %get3A_116 = arith.constant 192 : index
        %get3A_117 = tpu.vector_load %arg7[%get3A_116] {strides = array<i32>} : memref<512xf32, #tpu.memory_space<vmem>>, vector<16xf32>,
        %get3A_118 = arith.constant 208 : index
        %get3A_119 = tpu.vector_load %arg7[%get3A_118] {strides = array<i32>} : memref<512xf32, #tpu.memory_space<vmem>>, vector<16xf32>,
        %get3A_120 = arith.constant 224 : index
        %get3A_121 = tpu.vector_load %arg7[%get3A_120] {strides = array<i32>} : memref<512xf32, #tpu.memory_space<vmem>>, vector<16xf32>,
        %get3A_122 = arith.constant 240 : index
        %get3A_123 = tpu.vector_load %arg7[%get3A_122] {strides = array<i32>} : memref<512xf32, #tpu.memory_space<vmem>>, vector<16xf32>,
        %max3A = arith.maximumf %get3A_93, %get3A_95 : vector<16xf32>
        %min3A = arith.minimumf %get3A_93, %get3A_95 : vector<16xf32>
        %max3A_124 = arith.maximumf %get3A_97, %get3A_99 : vector<16xf32>
        %min3A_125 = arith.minimumf %get3A_97, %get3A_99 : vector<16xf32>
        %max3A_126 = arith.maximumf %get3A_101, %get3A_103 : vector<16xf32>
        %min3A_127 = arith.minimumf %get3A_101, %get3A_103 : vector<16xf32>
        %max3A_128 = arith.maximumf %get3A_105, %get3A_107 : vector<16xf32>
        %min3A_129 = arith.minimumf %get3A_105, %get3A_107 : vector<16xf32>
        %max3A_130 = arith.maximumf %get3A_109, %get3A_111 : vector<16xf32>
        %min3A_131 = arith.minimumf %get3A_109, %get3A_111 : vector<16xf32>
        %max3A_132 = arith.maximumf %get3A_113, %get3A_115 : vector<16xf32>
        %min3A_133 = arith.minimumf %get3A_113, %get3A_115 : vector<16xf32>
        %max3A_134 = arith.maximumf %get3A_117, %get3A_119 : vector<16xf32>
        %min3A_135 = arith.minimumf %get3A_117, %get3A_119 : vector<16xf32>
        %max3A_136 = arith.maximumf %get3A_121, %get3A_123 : vector<16xf32>
        %min3A_137 = arith.minimumf %get3A_121, %get3A_123 : vector<16xf32>
        %max3A_138 = arith.maximumf %max3A, %max3A_124 : vector<16xf32>
        %min3A_139 = arith.minimumf %min3A, %min3A_125 : vector<16xf32>
        %min3A_140 = arith.minimumf %max3A, %max3A_124 : vector<16xf32>
        %max3A_141 = arith.maximumf %min3A, %min3A_125 : vector<16xf32>
        %max3A_142 = arith.maximumf %min3A_140, %max3A_141 : vector<16xf32>
        %min3A_143 = arith.minimumf %min3A_140, %max3A_141 : vector<16xf32>
        %max3A_144 = arith.maximumf %max3A_126, %max3A_128 : vector<16xf32>
        %min3A_145 = arith.minimumf %min3A_127, %min3A_129 : vector<16xf32>
        %min3A_146 = arith.minimumf %max3A_126, %max3A_128 : vector<16xf32>
        %max3A_147 = arith.maximumf %min3A_127, %min3A_129 : vector<16xf32>
        %max3A_148 = arith.maximumf %min3A_146, %max3A_147 : vector<16xf32>
        %min3A_149 = arith.minimumf %min3A_146, %max3A_147 : vector<16xf32>
        %max3A_150 = arith.maximumf %max3A_130, %max3A_132 : vector<16xf32>
        %min3A_151 = arith.minimumf %min3A_131, %min3A_133 : vector<16xf32>
        %min3A_152 = arith.minimumf %max3A_130, %max3A_132 : vector<16xf32>
        %max3A_153 = arith.maximumf %min3A_131, %min3A_133 : vector<16xf32>
        %max3A_154 = arith.maximumf %min3A_152, %max3A_153 : vector<16xf32>
        %min3A_155 = arith.minimumf %min3A_152, %max3A_153 : vector<16xf32>
        %max3A_156 = arith.maximumf %max3A_134, %max3A_136 : vector<16xf32>
        %min3A_157 = arith.minimumf %min3A_135, %min3A_137 : vector<16xf32>
        %min3A_158 = arith.minimumf %max3A_134, %max3A_136 : vector<16xf32>
        %max3A_159 = arith.maximumf %min3A_135, %min3A_137 : vector<16xf32>
        %max3A_160 = arith.maximumf %min3A_158, %max3A_159 : vector<16xf32>
        %min3A_161 = arith.minimumf %min3A_158, %max3A_159 : vector<16xf32>
        %max3A_162 = arith.maximumf %max3A_138, %min3A_145 : vector<16xf32>
        %max3A_163 = arith.maximumf %max3A_142, %min3A_149 : vector<16xf32>
        %max3A_164 = arith.maximumf %min3A_143, %max3A_148 : vector<16xf32>
        %max3A_165 = arith.maximumf %min3A_139, %max3A_144 : vector<16xf32>
        %max3A_166 = arith.maximumf %max3A_162, %max3A_164 : vector<16xf32>
        %min3A_167 = arith.minimumf %max3A_162, %max3A_164 : vector<16xf32>
        %max3A_168 = arith.maximumf %max3A_163, %max3A_165 : vector<16xf32>
        %min3A_169 = arith.minimumf %max3A_163, %max3A_165 : vector<16xf32>
        %max3A_170 = arith.maximumf %max3A_166, %max3A_168 : vector<16xf32>
        %min3A_171 = arith.minimumf %max3A_166, %max3A_168 : vector<16xf32>
        %max3A_172 = arith.maximumf %min3A_167, %min3A_169 : vector<16xf32>
        %min3A_173 = arith.minimumf %min3A_167, %min3A_169 : vector<16xf32>
        %max3A_174 = arith.maximumf %max3A_150, %min3A_157 : vector<16xf32>
        %max3A_175 = arith.maximumf %max3A_154, %min3A_161 : vector<16xf32>
        %max3A_176 = arith.maximumf %min3A_155, %max3A_160 : vector<16xf32>
        %max3A_177 = arith.maximumf %min3A_151, %max3A_156 : vector<16xf32>
        %max3A_178 = arith.maximumf %max3A_174, %max3A_176 : vector<16xf32>
        %min3A_179 = arith.minimumf %max3A_174, %max3A_176 : vector<16xf32>
        %max3A_180 = arith.maximumf %max3A_175, %max3A_177 : vector<16xf32>
        %min3A_181 = arith.minimumf %max3A_175, %max3A_177 : vector<16xf32>
        %max3A_182 = arith.maximumf %max3A_178, %max3A_180 : vector<16xf32>
        %min3A_183 = arith.minimumf %max3A_178, %max3A_180 : vector<16xf32>
        %max3A_184 = arith.maximumf %min3A_179, %min3A_181 : vector<16xf32>
        %min3A_185 = arith.minimumf %min3A_179, %min3A_181 : vector<16xf32>
        %max3A_186 = arith.maximumf %max3A_170, %min3A_185 : vector<16xf32>
        %max3A_187 = arith.maximumf %min3A_171, %max3A_184 : vector<16xf32>
        %max3A_188 = arith.maximumf %max3A_172, %min3A_183 : vector<16xf32>
        %max3A_189 = arith.maximumf %min3A_173, %max3A_182 : vector<16xf32>
        %min3A_190 = arith.minimumf %max3A_186, %max3A_187 : vector<16xf32>
        %min3A_191 = arith.minimumf %max3A_188, %max3A_189 : vector<16xf32>
        %min3A_192 = arith.minimumf %min3A_190, %min3A_191 : vector<16xf32>
        %reduce_min3A = arith.constant true
        %reduce_min3A_193 = vector.broadcast %reduce_min3A : i1 to vector<16xi1>
        %reduce_min3A_194 = tpu.scan <min>, %min3A_192 masked %reduce_min3A_193 : vector<16xf32>, vector<16xi1> -> vector<16xf32>
        %reduce_min3A_195 = vector.extract %reduce_min3A_194[15] : f32 from vector<16xf32>
        %broadcast_in_dim3A_196 = vector.broadcast %reduce_min3A_195 : f32 to vector<16xf32>
        %get3A_197 = arith.constant 256 : index
        %get3A_198 = tpu.vector_load %arg7[%get3A_197] {strides = array<i32>} : memref<512xf32, #tpu.memory_space<vmem>>, vector<16xf32>,
        %get3A_199 = arith.constant 272 : index
        %get3A_200 = tpu.vector_load %arg7[%get3A_199] {strides = array<i32>} : memref<512xf32, #tpu.memory_space<vmem>>, vector<16xf32>,
        %get3A_201 = arith.constant 288 : index
        %get3A_202 = tpu.vector_load %arg7[%get3A_201] {strides = array<i32>} : memref<512xf32, #tpu.memory_space<vmem>>, vector<16xf32>,
        %get3A_203 = arith.constant 304 : index
        %get3A_204 = tpu.vector_load %arg7[%get3A_203] {strides = array<i32>} : memref<512xf32, #tpu.memory_space<vmem>>, vector<16xf32>,
        %get3A_205 = arith.constant 320 : index
        %get3A_206 = tpu.vector_load %arg7[%get3A_205] {strides = array<i32>} : memref<512xf32, #tpu.memory_space<vmem>>, vector<16xf32>,
        %get3A_207 = arith.constant 336 : index
        %get3A_208 = tpu.vector_load %arg7[%get3A_207] {strides = array<i32>} : memref<512xf32, #tpu.memory_space<vmem>>, vector<16xf32>,
        %get3A_209 = arith.constant 352 : index
        %get3A_210 = tpu.vector_load %arg7[%get3A_209] {strides = array<i32>} : memref<512xf32, #tpu.memory_space<vmem>>, vector<16xf32>,
        %get3A_211 = arith.constant 368 : index
        %get3A_212 = tpu.vector_load %arg7[%get3A_211] {strides = array<i32>} : memref<512xf32, #tpu.memory_space<vmem>>, vector<16xf32>,
        %get3A_213 = arith.constant 384 : index
        %get3A_214 = tpu.vector_load %arg7[%get3A_213] {strides = array<i32>} : memref<512xf32, #tpu.memory_space<vmem>>, vector<16xf32>,
        %get3A_215 = arith.constant 400 : index
        %get3A_216 = tpu.vector_load %arg7[%get3A_215] {strides = array<i32>} : memref<512xf32, #tpu.memory_space<vmem>>, vector<16xf32>,
        %get3A_217 = arith.constant 416 : index
        %get3A_218 = tpu.vector_load %arg7[%get3A_217] {strides = array<i32>} : memref<512xf32, #tpu.memory_space<vmem>>, vector<16xf32>,
        %get3A_219 = arith.constant 432 : index
        %get3A_220 = tpu.vector_load %arg7[%get3A_219] {strides = array<i32>} : memref<512xf32, #tpu.memory_space<vmem>>, vector<16xf32>,
        %get3A_221 = arith.constant 448 : index
        %get3A_222 = tpu.vector_load %arg7[%get3A_221] {strides = array<i32>} : memref<512xf32, #tpu.memory_space<vmem>>, vector<16xf32>,
        %get3A_223 = arith.constant 464 : index
        %get3A_224 = tpu.vector_load %arg7[%get3A_223] {strides = array<i32>} : memref<512xf32, #tpu.memory_space<vmem>>, vector<16xf32>,
        %get3A_225 = arith.constant 480 : index
        %get3A_226 = tpu.vector_load %arg7[%get3A_225] {strides = array<i32>} : memref<512xf32, #tpu.memory_space<vmem>>, vector<16xf32>,
        %get3A_227 = arith.constant 496 : index
        %get3A_228 = tpu.vector_load %arg7[%get3A_227] {strides = array<i32>} : memref<512xf32, #tpu.memory_space<vmem>>, vector<16xf32>,
        %max3A_229 = arith.maximumf %get3A_198, %get3A_200 : vector<16xf32>
        %min3A_230 = arith.minimumf %get3A_198, %get3A_200 : vector<16xf32>
        %max3A_231 = arith.maximumf %get3A_202, %get3A_204 : vector<16xf32>
        %min3A_232 = arith.minimumf %get3A_202, %get3A_204 : vector<16xf32>
        %max3A_233 = arith.maximumf %get3A_206, %get3A_208 : vector<16xf32>
        %min3A_234 = arith.minimumf %get3A_206, %get3A_208 : vector<16xf32>
        %max3A_235 = arith.maximumf %get3A_210, %get3A_212 : vector<16xf32>
        %min3A_236 = arith.minimumf %get3A_210, %get3A_212 : vector<16xf32>
        %max3A_237 = arith.maximumf %get3A_214, %get3A_216 : vector<16xf32>
        %min3A_238 = arith.minimumf %get3A_214, %get3A_216 : vector<16xf32>
        %max3A_239 = arith.maximumf %get3A_218, %get3A_220 : vector<16xf32>
        %min3A_240 = arith.minimumf %get3A_218, %get3A_220 : vector<16xf32>
        %max3A_241 = arith.maximumf %get3A_222, %get3A_224 : vector<16xf32>
        %min3A_242 = arith.minimumf %get3A_222, %get3A_224 : vector<16xf32>
        %max3A_243 = arith.maximumf %get3A_226, %get3A_228 : vector<16xf32>
        %min3A_244 = arith.minimumf %get3A_226, %get3A_228 : vector<16xf32>
        %max3A_245 = arith.maximumf %max3A_229, %max3A_231 : vector<16xf32>
        %min3A_246 = arith.minimumf %min3A_230, %min3A_232 : vector<16xf32>
        %min3A_247 = arith.minimumf %max3A_229, %max3A_231 : vector<16xf32>
        %max3A_248 = arith.maximumf %min3A_230, %min3A_232 : vector<16xf32>
        %max3A_249 = arith.maximumf %min3A_247, %max3A_248 : vector<16xf32>
        %min3A_250 = arith.minimumf %min3A_247, %max3A_248 : vector<16xf32>
        %max3A_251 = arith.maximumf %max3A_233, %max3A_235 : vector<16xf32>
        %min3A_252 = arith.minimumf %min3A_234, %min3A_236 : vector<16xf32>
        %min3A_253 = arith.minimumf %max3A_233, %max3A_235 : vector<16xf32>
        %max3A_254 = arith.maximumf %min3A_234, %min3A_236 : vector<16xf32>
        %max3A_255 = arith.maximumf %min3A_253, %max3A_254 : vector<16xf32>
        %min3A_256 = arith.minimumf %min3A_253, %max3A_254 : vector<16xf32>
        %max3A_257 = arith.maximumf %max3A_237, %max3A_239 : vector<16xf32>
        %min3A_258 = arith.minimumf %min3A_238, %min3A_240 : vector<16xf32>
        %min3A_259 = arith.minimumf %max3A_237, %max3A_239 : vector<16xf32>
        %max3A_260 = arith.maximumf %min3A_238, %min3A_240 : vector<16xf32>
        %max3A_261 = arith.maximumf %min3A_259, %max3A_260 : vector<16xf32>
        %min3A_262 = arith.minimumf %min3A_259, %max3A_260 : vector<16xf32>
        %max3A_263 = arith.maximumf %max3A_241, %max3A_243 : vector<16xf32>
        %min3A_264 = arith.minimumf %min3A_242, %min3A_244 : vector<16xf32>
        %min3A_265 = arith.minimumf %max3A_241, %max3A_243 : vector<16xf32>
        %max3A_266 = arith.maximumf %min3A_242, %min3A_244 : vector<16xf32>
        %max3A_267 = arith.maximumf %min3A_265, %max3A_266 : vector<16xf32>
        %min3A_268 = arith.minimumf %min3A_265, %max3A_266 : vector<16xf32>
        %max3A_269 = arith.maximumf %max3A_245, %min3A_252 : vector<16xf32>
        %max3A_270 = arith.maximumf %max3A_249, %min3A_256 : vector<16xf32>
        %max3A_271 = arith.maximumf %min3A_250, %max3A_255 : vector<16xf32>
        %max3A_272 = arith.maximumf %min3A_246, %max3A_251 : vector<16xf32>
        %max3A_273 = arith.maximumf %max3A_269, %max3A_271 : vector<16xf32>
        %min3A_274 = arith.minimumf %max3A_269, %max3A_271 : vector<16xf32>
        %max3A_275 = arith.maximumf %max3A_270, %max3A_272 : vector<16xf32>
        %min3A_276 = arith.minimumf %max3A_270, %max3A_272 : vector<16xf32>
        %max3A_277 = arith.maximumf %max3A_273, %max3A_275 : vector<16xf32>
        %min3A_278 = arith.minimumf %max3A_273, %max3A_275 : vector<16xf32>
        %max3A_279 = arith.maximumf %min3A_274, %min3A_276 : vector<16xf32>
        %min3A_280 = arith.minimumf %min3A_274, %min3A_276 : vector<16xf32>
        %max3A_281 = arith.maximumf %max3A_257, %min3A_264 : vector<16xf32>
        %max3A_282 = arith.maximumf %max3A_261, %min3A_268 : vector<16xf32>
        %max3A_283 = arith.maximumf %min3A_262, %max3A_267 : vector<16xf32>
        %max3A_284 = arith.maximumf %min3A_258, %max3A_263 : vector<16xf32>
        %max3A_285 = arith.maximumf %max3A_281, %max3A_283 : vector<16xf32>
        %min3A_286 = arith.minimumf %max3A_281, %max3A_283 : vector<16xf32>
        %max3A_287 = arith.maximumf %max3A_282, %max3A_284 : vector<16xf32>
        %min3A_288 = arith.minimumf %max3A_282, %max3A_284 : vector<16xf32>
        %max3A_289 = arith.maximumf %max3A_285, %max3A_287 : vector<16xf32>
        %min3A_290 = arith.minimumf %max3A_285, %max3A_287 : vector<16xf32>
        %max3A_291 = arith.maximumf %min3A_286, %min3A_288 : vector<16xf32>
        %min3A_292 = arith.minimumf %min3A_286, %min3A_288 : vector<16xf32>
        %max3A_293 = arith.maximumf %max3A_277, %min3A_292 : vector<16xf32>
        %max3A_294 = arith.maximumf %min3A_278, %max3A_291 : vector<16xf32>
        %max3A_295 = arith.maximumf %max3A_279, %min3A_290 : vector<16xf32>
        %max3A_296 = arith.maximumf %min3A_280, %max3A_289 : vector<16xf32>
        %min3A_297 = arith.minimumf %max3A_293, %max3A_294 : vector<16xf32>
        %min3A_298 = arith.minimumf %max3A_295, %max3A_296 : vector<16xf32>
        %min3A_299 = arith.minimumf %min3A_297, %min3A_298 : vector<16xf32>
        %reduce_min3A_300 = arith.constant true
        %reduce_min3A_301 = vector.broadcast %reduce_min3A_300 : i1 to vector<16xi1>
        %reduce_min3A_302 = tpu.scan <min>, %min3A_299 masked %reduce_min3A_301 : vector<16xf32>, vector<16xi1> -> vector<16xf32>
        %reduce_min3A_303 = vector.extract %reduce_min3A_302[15] : f32 from vector<16xf32>
        %broadcast_in_dim3A_304 = vector.broadcast %reduce_min3A_303 : f32 to vector<16xf32>
        %scan3A_305 = arith.constant 0 : i32
        %scan3A_306 = arith.constant 0 : i32
        %scan3A_307 = arith.constant 0 : i32
        %scan3A_308 = arith.constant 128 : i32
        %scan3A_309 = arith.addi %scan3A_307, %scan3A_308 : i32
        %scan3A_310 = arith.constant 1 : i32
        %scan3A_311:2 = scf.for %scan3A_458 = %scan3A_307 to %scan3A_309 step %scan3A_310 iter_args(%scan3A_459 = %scan3A_305, %scan3A_460 = %scan3A_306) -> (i32, i32)  : i32 {
          %mul3A_461 = arith.constant 16 : i32
          %mul3A_462 = arith.muli %scan3A_458, %mul3A_461 : i32
          %add3A_463 = arith.addi %mul3A_79, %mul3A_462 : i32
          %get3A_464 = arith.index_cast %add3A_463 : i32 to index
          %get3A_465 = tpu.vector_load %arg5[%get3A_464] {strides = array<i32>} : memref<32768xf32, #tpu.memory_space<vmem>>, vector<16xf32>,
          %ge3A = arith.cmpf oge, %get3A_465, %broadcast_in_dim3A_196 : vector<16xf32>
          %add3A_466 = arith.constant 0 : i32
          %add3A_467 = arith.addi %add3A_466, %scan3A_459 : i32
          %swap3A_468 = arith.index_cast %add3A_467 : i32 to index
          %swap3A_469 = tpu.vector_load %arg6[%swap3A_468] masked %ge3A {strides = array<i32>} : memref<4128xf32, #tpu.memory_space<vmem>>, vector<16xf32>, vector<16xi1>
          tpu.vector_store %arg6[%swap3A_468], %get3A_465 masked %ge3A {strides = array<i32>} : memref<4128xf32, #tpu.memory_space<vmem>>, vector<16xf32>, vector<16xi1>
          %convert_element_type3A_470 = arith.extui %ge3A : vector<16xi1> to vector<16xi32>
          %reduce_sum3A = arith.constant true
          %reduce_sum3A_471 = vector.broadcast %reduce_sum3A : i1 to vector<16xi1>
          %reduce_sum3A_472 = tpu.scan <sum>, %convert_element_type3A_470 masked %reduce_sum3A_471 : vector<16xi32>, vector<16xi1> -> vector<16xi32>
          %reduce_sum3A_473 = vector.extract %reduce_sum3A_472[15] : i32 from vector<16xi32>
          %add3A_474 = arith.addi %scan3A_459, %reduce_sum3A_473 : i32
          %mul3A_475 = arith.constant 16 : i32
          %mul3A_476 = arith.muli %scan3A_458, %mul3A_475 : i32
          %add3A_477 = arith.addi %mul3A_85, %mul3A_476 : i32
          %get3A_478 = arith.index_cast %add3A_477 : i32 to index
          %get3A_479 = tpu.vector_load %arg5[%get3A_478] {strides = array<i32>} : memref<32768xf32, #tpu.memory_space<vmem>>, vector<16xf32>,
          %ge3A_480 = arith.cmpf oge, %get3A_479, %broadcast_in_dim3A_304 : vector<16xf32>
          %add3A_481 = arith.constant 2064 : i32
          %add3A_482 = arith.addi %add3A_481, %scan3A_460 : i32
          %swap3A_483 = arith.index_cast %add3A_482 : i32 to index
          %swap3A_484 = tpu.vector_load %arg6[%swap3A_483] masked %ge3A_480 {strides = array<i32>} : memref<4128xf32, #tpu.memory_space<vmem>>, vector<16xf32>, vector<16xi1>
          tpu.vector_store %arg6[%swap3A_483], %get3A_479 masked %ge3A_480 {strides = array<i32>} : memref<4128xf32, #tpu.memory_space<vmem>>, vector<16xf32>, vector<16xi1>
          %convert_element_type3A_485 = arith.extui %ge3A_480 : vector<16xi1> to vector<16xi32>
          %reduce_sum3A_486 = arith.constant true
          %reduce_sum3A_487 = vector.broadcast %reduce_sum3A_486 : i1 to vector<16xi1>
          %reduce_sum3A_488 = tpu.scan <sum>, %convert_element_type3A_485 masked %reduce_sum3A_487 : vector<16xi32>, vector<16xi1> -> vector<16xi32>
          %reduce_sum3A_489 = vector.extract %reduce_sum3A_488[15] : i32 from vector<16xi32>
          %add3A_490 = arith.addi %scan3A_460, %reduce_sum3A_489 : i32
          scf.yield %add3A_474, %add3A_490 : i32, i32
        }
        %scan3A_312 = arith.constant 128 : i32
        %swap3A = arith.index_cast %scan3A_311#0 : i32 to index
        %swap3A_313 = tpu.vector_load %arg6[%swap3A] {strides = array<i32>} : memref<4128xf32, #tpu.memory_space<vmem>>, vector<16xf32>,
        tpu.vector_store %arg6[%swap3A], %broadcast_in_dim3A_3 {strides = array<i32>} : memref<4128xf32, #tpu.memory_space<vmem>>, vector<16xf32>,
        %add3A_314 = arith.constant 2064 : i32
        %add3A_315 = arith.addi %add3A_314, %scan3A_311#1 : i32
        %swap3A_316 = arith.index_cast %add3A_315 : i32 to index
        %swap3A_317 = tpu.vector_load %arg6[%swap3A_316] {strides = array<i32>} : memref<4128xf32, #tpu.memory_space<vmem>>, vector<16xf32>,
        tpu.vector_store %arg6[%swap3A_316], %broadcast_in_dim3A_3 {strides = array<i32>} : memref<4128xf32, #tpu.memory_space<vmem>>, vector<16xf32>,
        %add3A_318 = arith.constant 16 : i32
        %add3A_319 = arith.addi %scan3A_311#0, %add3A_318 : i32
        %sub3A = arith.constant 1 : i32
        %sub3A_320 = arith.subi %add3A_319, %sub3A : i32
        %jit3A = arith.constant 16 : i32
        %div3A = arith.divsi %sub3A_320, %jit3A : i32
        %sign3A = arith.constant 0 : i32
        %sign3A_321 = arith.cmpi sgt, %sub3A_320, %sign3A : i32
        %sign3A_322 = arith.extui %sign3A_321 : i1 to i32
        %sign3A_323 = arith.constant 0 : i32
        %sign3A_324 = arith.cmpi slt, %sub3A_320, %sign3A_323 : i32
        %sign3A_325 = arith.extui %sign3A_324 : i1 to i32
        %sign3A_326 = arith.subi %sign3A_322, %sign3A_325 : i32
        %sign3A_327 = arith.constant 0 : i32
        %sign3A_328 = arith.cmpi sgt, %jit3A, %sign3A_327 : i32
        %sign3A_329 = arith.extui %sign3A_328 : i1 to i32
        %sign3A_330 = arith.constant 0 : i32
        %sign3A_331 = arith.cmpi slt, %jit3A, %sign3A_330 : i32
        %sign3A_332 = arith.extui %sign3A_331 : i1 to i32
        %sign3A_333 = arith.subi %sign3A_329, %sign3A_332 : i32
        %ne3A = arith.cmpi ne, %sign3A_326, %sign3A_333 : i32
        %rem3A = arith.remsi %sub3A_320, %jit3A : i32
        %ne3A_334 = arith.constant 0 : i32
        %ne3A_335 = arith.cmpi ne, %rem3A, %ne3A_334 : i32
        %and3A = arith.andi %ne3A, %ne3A_335 : i1
        %sub3A_336 = arith.constant 1 : i32
        %sub3A_337 = arith.subi %div3A, %sub3A_336 : i32
        %select_n3A = arith.select %and3A, %sub3A_337, %div3A : i32
        %add3A_338 = arith.constant 16 : i32
        %add3A_339 = arith.addi %scan3A_311#1, %add3A_338 : i32
        %sub3A_340 = arith.constant 1 : i32
        %sub3A_341 = arith.subi %add3A_339, %sub3A_340 : i32
        %jit3A_342 = arith.constant 16 : i32
        %div3A_343 = arith.divsi %sub3A_341, %jit3A_342 : i32
        %sign3A_344 = arith.constant 0 : i32
        %sign3A_345 = arith.cmpi sgt, %sub3A_341, %sign3A_344 : i32
        %sign3A_346 = arith.extui %sign3A_345 : i1 to i32
        %sign3A_347 = arith.constant 0 : i32
        %sign3A_348 = arith.cmpi slt, %sub3A_341, %sign3A_347 : i32
        %sign3A_349 = arith.extui %sign3A_348 : i1 to i32
        %sign3A_350 = arith.subi %sign3A_346, %sign3A_349 : i32
        %sign3A_351 = arith.constant 0 : i32
        %sign3A_352 = arith.cmpi sgt, %jit3A_342, %sign3A_351 : i32
        %sign3A_353 = arith.extui %sign3A_352 : i1 to i32
        %sign3A_354 = arith.constant 0 : i32
        %sign3A_355 = arith.cmpi slt, %jit3A_342, %sign3A_354 : i32
        %sign3A_356 = arith.extui %sign3A_355 : i1 to i32
        %sign3A_357 = arith.subi %sign3A_353, %sign3A_356 : i32
        %ne3A_358 = arith.cmpi ne, %sign3A_350, %sign3A_357 : i32
        %rem3A_359 = arith.remsi %sub3A_341, %jit3A_342 : i32
        %ne3A_360 = arith.constant 0 : i32
        %ne3A_361 = arith.cmpi ne, %rem3A_359, %ne3A_360 : i32
        %and3A_362 = arith.andi %ne3A_358, %ne3A_361 : i1
        %sub3A_363 = arith.constant 1 : i32
        %sub3A_364 = arith.subi %div3A_343, %sub3A_363 : i32
        %select_n3A_365 = arith.select %and3A_362, %sub3A_364, %div3A_343 : i32
        %max3A_366 = arith.maxsi %select_n3A, %select_n3A_365 : i32
        %while3A = arith.constant 0 : i32
        %while3A_367 = arith.subi %max3A_366, %while3A : i32
        %while3A_368 = arith.addi %while3A, %while3A_367 : i32
        %while3A_369 = arith.constant 1 : i32
        %while3A_370 = arith.divsi %while3A_367, %while3A_369 : i32
        %while3A_371 = arith.muli %while3A_370, %while3A_369 : i32
        %while3A_372 = arith.addi %while3A, %while3A_371 : i32
        %while3A_373 = arith.constant 1 : i32
        %while3A_374:8 = scf.for %while3A_458 = %while3A to %while3A_372 step %while3A_373 iter_args(%while3A_459 = %broadcast_in_dim3A_3, %while3A_460 = %broadcast_in_dim3A_3, %while3A_461 = %broadcast_in_dim3A_3, %while3A_462 = %broadcast_in_dim3A_3, %while3A_463 = %broadcast_in_dim3A_3, %while3A_464 = %broadcast_in_dim3A_3, %while3A_465 = %broadcast_in_dim3A_3, %while3A_466 = %broadcast_in_dim3A_3) -> (vector<16xf32>, vector<16xf32>, vector<16xf32>, vector<16xf32>, vector<16xf32>, vector<16xf32>, vector<16xf32>, vector<16xf32>)  : i32 {
          %mul3A_467 = arith.constant 16 : i32
          %mul3A_468 = arith.muli %while3A_458, %mul3A_467 : i32
          %get3A_469 = arith.index_cast %mul3A_468 : i32 to index
          %get3A_470 = tpu.vector_load %arg6[%get3A_469] {strides = array<i32>} : memref<4128xf32, #tpu.memory_space<vmem>>, vector<16xf32>,
          %mul3A_471 = arith.constant 16 : i32
          %mul3A_472 = arith.muli %while3A_458, %mul3A_471 : i32
          %add3A_473 = arith.constant 2064 : i32
          %add3A_474 = arith.addi %add3A_473, %mul3A_472 : i32
          %get3A_475 = arith.index_cast %add3A_474 : i32 to index
          %get3A_476 = tpu.vector_load %arg6[%get3A_475] {strides = array<i32>} : memref<4128xf32, #tpu.memory_space<vmem>>, vector<16xf32>,
          %lt3A_477 = arith.cmpi slt, %while3A_458, %select_n3A : i32
          %select_n3A_478 = arith.select %lt3A_477, %get3A_470, %broadcast_in_dim3A_3 : vector<16xf32>
          %lt3A_479 = arith.cmpi slt, %while3A_458, %select_n3A_365 : i32
          %select_n3A_480 = arith.select %lt3A_479, %get3A_476, %broadcast_in_dim3A_3 : vector<16xf32>
          %masked_sort3A = arith.constant dense<true> : vector<16xi1>
          %masked_sort3A_481, %masked_sort3A_482, %masked_sort3A_483 = tpu.sort %select_n3A_478, %select_n3A_478 masked %masked_sort3A {descending = true} : (vector<16xf32>, vector<16xf32>, vector<16xi1>) -> (vector<16xi1>, vector<16xf32>, vector<16xf32>)
          %rev3A = arith.constant 15 : i32
          %rev3A_484 = vector.broadcast %rev3A : i32 to vector<16xi32>
          %rev3A_485 = tpu.iota {dimensions = array<i32: 0>} : vector<16xi32>
          %rev3A_486 = arith.subi %rev3A_484, %rev3A_485 : vector<16xi32>
          %rev3A_487 = tpu.dynamic_gather %masked_sort3A_482[%rev3A_486] in [0] : vector<16xf32>, vector<16xi32> -> vector<16xf32>
          %max3A_488 = arith.maximumf %while3A_459, %rev3A_487 : vector<16xf32>
          %min3A_489 = arith.minimumf %while3A_459, %rev3A_487 : vector<16xf32>
          %masked_sort3A_490 = arith.constant dense<true> : vector<16xi1>
          %masked_sort3A_491, %masked_sort3A_492, %masked_sort3A_493 = tpu.sort %max3A_488, %max3A_488 masked %masked_sort3A_490 {descending = true} : (vector<16xf32>, vector<16xf32>, vector<16xi1>) -> (vector<16xi1>, vector<16xf32>, vector<16xf32>)
          %masked_sort3A_494 = arith.constant dense<true> : vector<16xi1>
          %masked_sort3A_495, %masked_sort3A_496, %masked_sort3A_497 = tpu.sort %min3A_489, %min3A_489 masked %masked_sort3A_494 {descending = true} : (vector<16xf32>, vector<16xf32>, vector<16xi1>) -> (vector<16xi1>, vector<16xf32>, vector<16xf32>)
          %rev3A_498 = arith.constant 15 : i32
          %rev3A_499 = vector.broadcast %rev3A_498 : i32 to vector<16xi32>
          %rev3A_500 = tpu.iota {dimensions = array<i32: 0>} : vector<16xi32>
          %rev3A_501 = arith.subi %rev3A_499, %rev3A_500 : vector<16xi32>
          %rev3A_502 = tpu.dynamic_gather %masked_sort3A_496[%rev3A_501] in [0] : vector<16xf32>, vector<16xi32> -> vector<16xf32>
          %max3A_503 = arith.maximumf %while3A_460, %rev3A_502 : vector<16xf32>
          %min3A_504 = arith.minimumf %while3A_460, %rev3A_502 : vector<16xf32>
          %masked_sort3A_505 = arith.constant dense<true> : vector<16xi1>
          %masked_sort3A_506, %masked_sort3A_507, %masked_sort3A_508 = tpu.sort %max3A_503, %max3A_503 masked %masked_sort3A_505 {descending = true} : (vector<16xf32>, vector<16xf32>, vector<16xi1>) -> (vector<16xi1>, vector<16xf32>, vector<16xf32>)
          %masked_sort3A_509 = arith.constant dense<true> : vector<16xi1>
          %masked_sort3A_510, %masked_sort3A_511, %masked_sort3A_512 = tpu.sort %min3A_504, %min3A_504 masked %masked_sort3A_509 {descending = true} : (vector<16xf32>, vector<16xf32>, vector<16xi1>) -> (vector<16xi1>, vector<16xf32>, vector<16xf32>)
          %rev3A_513 = arith.constant 15 : i32
          %rev3A_514 = vector.broadcast %rev3A_513 : i32 to vector<16xi32>
          %rev3A_515 = tpu.iota {dimensions = array<i32: 0>} : vector<16xi32>
          %rev3A_516 = arith.subi %rev3A_514, %rev3A_515 : vector<16xi32>
          %rev3A_517 = tpu.dynamic_gather %masked_sort3A_511[%rev3A_516] in [0] : vector<16xf32>, vector<16xi32> -> vector<16xf32>
          %max3A_518 = arith.maximumf %while3A_461, %rev3A_517 : vector<16xf32>
          %min3A_519 = arith.minimumf %while3A_461, %rev3A_517 : vector<16xf32>
          %masked_sort3A_520 = arith.constant dense<true> : vector<16xi1>
          %masked_sort3A_521, %masked_sort3A_522, %masked_sort3A_523 = tpu.sort %max3A_518, %max3A_518 masked %masked_sort3A_520 {descending = true} : (vector<16xf32>, vector<16xf32>, vector<16xi1>) -> (vector<16xi1>, vector<16xf32>, vector<16xf32>)
          %masked_sort3A_524 = arith.constant dense<true> : vector<16xi1>
          %masked_sort3A_525, %masked_sort3A_526, %masked_sort3A_527 = tpu.sort %min3A_519, %min3A_519 masked %masked_sort3A_524 {descending = true} : (vector<16xf32>, vector<16xf32>, vector<16xi1>) -> (vector<16xi1>, vector<16xf32>, vector<16xf32>)
          %rev3A_528 = arith.constant 15 : i32
          %rev3A_529 = vector.broadcast %rev3A_528 : i32 to vector<16xi32>
          %rev3A_530 = tpu.iota {dimensions = array<i32: 0>} : vector<16xi32>
          %rev3A_531 = arith.subi %rev3A_529, %rev3A_530 : vector<16xi32>
          %rev3A_532 = tpu.dynamic_gather %masked_sort3A_526[%rev3A_531] in [0] : vector<16xf32>, vector<16xi32> -> vector<16xf32>
          %max3A_533 = arith.maximumf %while3A_462, %rev3A_532 : vector<16xf32>
          %min3A_534 = arith.minimumf %while3A_462, %rev3A_532 : vector<16xf32>
          %masked_sort3A_535 = arith.constant dense<true> : vector<16xi1>
          %masked_sort3A_536, %masked_sort3A_537, %masked_sort3A_538 = tpu.sort %max3A_533, %max3A_533 masked %masked_sort3A_535 {descending = true} : (vector<16xf32>, vector<16xf32>, vector<16xi1>) -> (vector<16xi1>, vector<16xf32>, vector<16xf32>)
          %masked_sort3A_539 = arith.constant dense<true> : vector<16xi1>
          %masked_sort3A_540, %masked_sort3A_541, %masked_sort3A_542 = tpu.sort %min3A_534, %min3A_534 masked %masked_sort3A_539 {descending = true} : (vector<16xf32>, vector<16xf32>, vector<16xi1>) -> (vector<16xi1>, vector<16xf32>, vector<16xf32>)
          %masked_sort3A_543 = arith.constant dense<true> : vector<16xi1>
          %masked_sort3A_544, %masked_sort3A_545, %masked_sort3A_546 = tpu.sort %select_n3A_480, %select_n3A_480 masked %masked_sort3A_543 {descending = true} : (vector<16xf32>, vector<16xf32>, vector<16xi1>) -> (vector<16xi1>, vector<16xf32>, vector<16xf32>)
          %rev3A_547 = arith.constant 15 : i32
          %rev3A_548 = vector.broadcast %rev3A_547 : i32 to vector<16xi32>
          %rev3A_549 = tpu.iota {dimensions = array<i32: 0>} : vector<16xi32>
          %rev3A_550 = arith.subi %rev3A_548, %rev3A_549 : vector<16xi32>
          %rev3A_551 = tpu.dynamic_gather %masked_sort3A_545[%rev3A_550] in [0] : vector<16xf32>, vector<16xi32> -> vector<16xf32>
          %max3A_552 = arith.maximumf %while3A_463, %rev3A_551 : vector<16xf32>
          %min3A_553 = arith.minimumf %while3A_463, %rev3A_551 : vector<16xf32>
          %masked_sort3A_554 = arith.constant dense<true> : vector<16xi1>
          %masked_sort3A_555, %masked_sort3A_556, %masked_sort3A_557 = tpu.sort %max3A_552, %max3A_552 masked %masked_sort3A_554 {descending = true} : (vector<16xf32>, vector<16xf32>, vector<16xi1>) -> (vector<16xi1>, vector<16xf32>, vector<16xf32>)
          %masked_sort3A_558 = arith.constant dense<true> : vector<16xi1>
          %masked_sort3A_559, %masked_sort3A_560, %masked_sort3A_561 = tpu.sort %min3A_553, %min3A_553 masked %masked_sort3A_558 {descending = true} : (vector<16xf32>, vector<16xf32>, vector<16xi1>) -> (vector<16xi1>, vector<16xf32>, vector<16xf32>)
          %rev3A_562 = arith.constant 15 : i32
          %rev3A_563 = vector.broadcast %rev3A_562 : i32 to vector<16xi32>
          %rev3A_564 = tpu.iota {dimensions = array<i32: 0>} : vector<16xi32>
          %rev3A_565 = arith.subi %rev3A_563, %rev3A_564 : vector<16xi32>
          %rev3A_566 = tpu.dynamic_gather %masked_sort3A_560[%rev3A_565] in [0] : vector<16xf32>, vector<16xi32> -> vector<16xf32>
          %max3A_567 = arith.maximumf %while3A_464, %rev3A_566 : vector<16xf32>
          %min3A_568 = arith.minimumf %while3A_464, %rev3A_566 : vector<16xf32>
          %masked_sort3A_569 = arith.constant dense<true> : vector<16xi1>
          %masked_sort3A_570, %masked_sort3A_571, %masked_sort3A_572 = tpu.sort %max3A_567, %max3A_567 masked %masked_sort3A_569 {descending = true} : (vector<16xf32>, vector<16xf32>, vector<16xi1>) -> (vector<16xi1>, vector<16xf32>, vector<16xf32>)
          %masked_sort3A_573 = arith.constant dense<true> : vector<16xi1>
          %masked_sort3A_574, %masked_sort3A_575, %masked_sort3A_576 = tpu.sort %min3A_568, %min3A_568 masked %masked_sort3A_573 {descending = true} : (vector<16xf32>, vector<16xf32>, vector<16xi1>) -> (vector<16xi1>, vector<16xf32>, vector<16xf32>)
          %rev3A_577 = arith.constant 15 : i32
          %rev3A_578 = vector.broadcast %rev3A_577 : i32 to vector<16xi32>
          %rev3A_579 = tpu.iota {dimensions = array<i32: 0>} : vector<16xi32>
          %rev3A_580 = arith.subi %rev3A_578, %rev3A_579 : vector<16xi32>
          %rev3A_581 = tpu.dynamic_gather %masked_sort3A_575[%rev3A_580] in [0] : vector<16xf32>, vector<16xi32> -> vector<16xf32>
          %max3A_582 = arith.maximumf %while3A_465, %rev3A_581 : vector<16xf32>
          %min3A_583 = arith.minimumf %while3A_465, %rev3A_581 : vector<16xf32>
          %masked_sort3A_584 = arith.constant dense<true> : vector<16xi1>
          %masked_sort3A_585, %masked_sort3A_586, %masked_sort3A_587 = tpu.sort %max3A_582, %max3A_582 masked %masked_sort3A_584 {descending = true} : (vector<16xf32>, vector<16xf32>, vector<16xi1>) -> (vector<16xi1>, vector<16xf32>, vector<16xf32>)
          %masked_sort3A_588 = arith.constant dense<true> : vector<16xi1>
          %masked_sort3A_589, %masked_sort3A_590, %masked_sort3A_591 = tpu.sort %min3A_583, %min3A_583 masked %masked_sort3A_588 {descending = true} : (vector<16xf32>, vector<16xf32>, vector<16xi1>) -> (vector<16xi1>, vector<16xf32>, vector<16xf32>)
          %rev3A_592 = arith.constant 15 : i32
          %rev3A_593 = vector.broadcast %rev3A_592 : i32 to vector<16xi32>
          %rev3A_594 = tpu.iota {dimensions = array<i32: 0>} : vector<16xi32>
          %rev3A_595 = arith.subi %rev3A_593, %rev3A_594 : vector<16xi32>
          %rev3A_596 = tpu.dynamic_gather %masked_sort3A_590[%rev3A_595] in [0] : vector<16xf32>, vector<16xi32> -> vector<16xf32>
          %max3A_597 = arith.maximumf %while3A_466, %rev3A_596 : vector<16xf32>
          %min3A_598 = arith.minimumf %while3A_466, %rev3A_596 : vector<16xf32>
          %masked_sort3A_599 = arith.constant dense<true> : vector<16xi1>
          %masked_sort3A_600, %masked_sort3A_601, %masked_sort3A_602 = tpu.sort %max3A_597, %max3A_597 masked %masked_sort3A_599 {descending = true} : (vector<16xf32>, vector<16xf32>, vector<16xi1>) -> (vector<16xi1>, vector<16xf32>, vector<16xf32>)
          %masked_sort3A_603 = arith.constant dense<true> : vector<16xi1>
          %masked_sort3A_604, %masked_sort3A_605, %masked_sort3A_606 = tpu.sort %min3A_598, %min3A_598 masked %masked_sort3A_603 {descending = true} : (vector<16xf32>, vector<16xf32>, vector<16xi1>) -> (vector<16xi1>, vector<16xf32>, vector<16xf32>)
          scf.yield %masked_sort3A_492, %masked_sort3A_507, %masked_sort3A_522, %masked_sort3A_537, %masked_sort3A_556, %masked_sort3A_571, %masked_sort3A_586, %masked_sort3A_601 : vector<16xf32>, vector<16xf32>, vector<16xf32>, vector<16xf32>, vector<16xf32>, vector<16xf32>, vector<16xf32>, vector<16xf32>
        }
        %while3A_375 = arith.constant 1 : i32
        %while3A_376:8 = scf.for %while3A_458 = %while3A_372 to %while3A_368 step %while3A_375 iter_args(%while3A_459 = %while3A_374#0, %while3A_460 = %while3A_374#1, %while3A_461 = %while3A_374#2, %while3A_462 = %while3A_374#3, %while3A_463 = %while3A_374#4, %while3A_464 = %while3A_374#5, %while3A_465 = %while3A_374#6, %while3A_466 = %while3A_374#7) -> (vector<16xf32>, vector<16xf32>, vector<16xf32>, vector<16xf32>, vector<16xf32>, vector<16xf32>, vector<16xf32>, vector<16xf32>)  : i32 {
          %mul3A_467 = arith.constant 16 : i32
          %mul3A_468 = arith.muli %while3A_458, %mul3A_467 : i32
          %get3A_469 = arith.index_cast %mul3A_468 : i32 to index
          %get3A_470 = tpu.vector_load %arg6[%get3A_469] {strides = array<i32>} : memref<4128xf32, #tpu.memory_space<vmem>>, vector<16xf32>,
          %mul3A_471 = arith.constant 16 : i32
          %mul3A_472 = arith.muli %while3A_458, %mul3A_471 : i32
          %add3A_473 = arith.constant 2064 : i32
          %add3A_474 = arith.addi %add3A_473, %mul3A_472 : i32
          %get3A_475 = arith.index_cast %add3A_474 : i32 to index
          %get3A_476 = tpu.vector_load %arg6[%get3A_475] {strides = array<i32>} : memref<4128xf32, #tpu.memory_space<vmem>>, vector<16xf32>,
          %lt3A_477 = arith.cmpi slt, %while3A_458, %select_n3A : i32
          %select_n3A_478 = arith.select %lt3A_477, %get3A_470, %broadcast_in_dim3A_3 : vector<16xf32>
          %lt3A_479 = arith.cmpi slt, %while3A_458, %select_n3A_365 : i32
          %select_n3A_480 = arith.select %lt3A_479, %get3A_476, %broadcast_in_dim3A_3 : vector<16xf32>
          %masked_sort3A = arith.constant dense<true> : vector<16xi1>
          %masked_sort3A_481, %masked_sort3A_482, %masked_sort3A_483 = tpu.sort %select_n3A_478, %select_n3A_478 masked %masked_sort3A {descending = true} : (vector<16xf32>, vector<16xf32>, vector<16xi1>) -> (vector<16xi1>, vector<16xf32>, vector<16xf32>)
          %rev3A = arith.constant 15 : i32
          %rev3A_484 = vector.broadcast %rev3A : i32 to vector<16xi32>
          %rev3A_485 = tpu.iota {dimensions = array<i32: 0>} : vector<16xi32>
          %rev3A_486 = arith.subi %rev3A_484, %rev3A_485 : vector<16xi32>
          %rev3A_487 = tpu.dynamic_gather %masked_sort3A_482[%rev3A_486] in [0] : vector<16xf32>, vector<16xi32> -> vector<16xf32>
          %max3A_488 = arith.maximumf %while3A_459, %rev3A_487 : vector<16xf32>
          %min3A_489 = arith.minimumf %while3A_459, %rev3A_487 : vector<16xf32>
          %masked_sort3A_490 = arith.constant dense<true> : vector<16xi1>
          %masked_sort3A_491, %masked_sort3A_492, %masked_sort3A_493 = tpu.sort %max3A_488, %max3A_488 masked %masked_sort3A_490 {descending = true} : (vector<16xf32>, vector<16xf32>, vector<16xi1>) -> (vector<16xi1>, vector<16xf32>, vector<16xf32>)
          %masked_sort3A_494 = arith.constant dense<true> : vector<16xi1>
          %masked_sort3A_495, %masked_sort3A_496, %masked_sort3A_497 = tpu.sort %min3A_489, %min3A_489 masked %masked_sort3A_494 {descending = true} : (vector<16xf32>, vector<16xf32>, vector<16xi1>) -> (vector<16xi1>, vector<16xf32>, vector<16xf32>)
          %rev3A_498 = arith.constant 15 : i32
          %rev3A_499 = vector.broadcast %rev3A_498 : i32 to vector<16xi32>
          %rev3A_500 = tpu.iota {dimensions = array<i32: 0>} : vector<16xi32>
          %rev3A_501 = arith.subi %rev3A_499, %rev3A_500 : vector<16xi32>
          %rev3A_502 = tpu.dynamic_gather %masked_sort3A_496[%rev3A_501] in [0] : vector<16xf32>, vector<16xi32> -> vector<16xf32>
          %max3A_503 = arith.maximumf %while3A_460, %rev3A_502 : vector<16xf32>
          %min3A_504 = arith.minimumf %while3A_460, %rev3A_502 : vector<16xf32>
          %masked_sort3A_505 = arith.constant dense<true> : vector<16xi1>
          %masked_sort3A_506, %masked_sort3A_507, %masked_sort3A_508 = tpu.sort %max3A_503, %max3A_503 masked %masked_sort3A_505 {descending = true} : (vector<16xf32>, vector<16xf32>, vector<16xi1>) -> (vector<16xi1>, vector<16xf32>, vector<16xf32>)
          %masked_sort3A_509 = arith.constant dense<true> : vector<16xi1>
          %masked_sort3A_510, %masked_sort3A_511, %masked_sort3A_512 = tpu.sort %min3A_504, %min3A_504 masked %masked_sort3A_509 {descending = true} : (vector<16xf32>, vector<16xf32>, vector<16xi1>) -> (vector<16xi1>, vector<16xf32>, vector<16xf32>)
          %rev3A_513 = arith.constant 15 : i32
          %rev3A_514 = vector.broadcast %rev3A_513 : i32 to vector<16xi32>
          %rev3A_515 = tpu.iota {dimensions = array<i32: 0>} : vector<16xi32>
          %rev3A_516 = arith.subi %rev3A_514, %rev3A_515 : vector<16xi32>
          %rev3A_517 = tpu.dynamic_gather %masked_sort3A_511[%rev3A_516] in [0] : vector<16xf32>, vector<16xi32> -> vector<16xf32>
          %max3A_518 = arith.maximumf %while3A_461, %rev3A_517 : vector<16xf32>
          %min3A_519 = arith.minimumf %while3A_461, %rev3A_517 : vector<16xf32>
          %masked_sort3A_520 = arith.constant dense<true> : vector<16xi1>
          %masked_sort3A_521, %masked_sort3A_522, %masked_sort3A_523 = tpu.sort %max3A_518, %max3A_518 masked %masked_sort3A_520 {descending = true} : (vector<16xf32>, vector<16xf32>, vector<16xi1>) -> (vector<16xi1>, vector<16xf32>, vector<16xf32>)
          %masked_sort3A_524 = arith.constant dense<true> : vector<16xi1>
          %masked_sort3A_525, %masked_sort3A_526, %masked_sort3A_527 = tpu.sort %min3A_519, %min3A_519 masked %masked_sort3A_524 {descending = true} : (vector<16xf32>, vector<16xf32>, vector<16xi1>) -> (vector<16xi1>, vector<16xf32>, vector<16xf32>)
          %rev3A_528 = arith.constant 15 : i32
          %rev3A_529 = vector.broadcast %rev3A_528 : i32 to vector<16xi32>
          %rev3A_530 = tpu.iota {dimensions = array<i32: 0>} : vector<16xi32>
          %rev3A_531 = arith.subi %rev3A_529, %rev3A_530 : vector<16xi32>
          %rev3A_532 = tpu.dynamic_gather %masked_sort3A_526[%rev3A_531] in [0] : vector<16xf32>, vector<16xi32> -> vector<16xf32>
          %max3A_533 = arith.maximumf %while3A_462, %rev3A_532 : vector<16xf32>
          %min3A_534 = arith.minimumf %while3A_462, %rev3A_532 : vector<16xf32>
          %masked_sort3A_535 = arith.constant dense<true> : vector<16xi1>
          %masked_sort3A_536, %masked_sort3A_537, %masked_sort3A_538 = tpu.sort %max3A_533, %max3A_533 masked %masked_sort3A_535 {descending = true} : (vector<16xf32>, vector<16xf32>, vector<16xi1>) -> (vector<16xi1>, vector<16xf32>, vector<16xf32>)
          %masked_sort3A_539 = arith.constant dense<true> : vector<16xi1>
          %masked_sort3A_540, %masked_sort3A_541, %masked_sort3A_542 = tpu.sort %min3A_534, %min3A_534 masked %masked_sort3A_539 {descending = true} : (vector<16xf32>, vector<16xf32>, vector<16xi1>) -> (vector<16xi1>, vector<16xf32>, vector<16xf32>)
          %masked_sort3A_543 = arith.constant dense<true> : vector<16xi1>
          %masked_sort3A_544, %masked_sort3A_545, %masked_sort3A_546 = tpu.sort %select_n3A_480, %select_n3A_480 masked %masked_sort3A_543 {descending = true} : (vector<16xf32>, vector<16xf32>, vector<16xi1>) -> (vector<16xi1>, vector<16xf32>, vector<16xf32>)
          %rev3A_547 = arith.constant 15 : i32
          %rev3A_548 = vector.broadcast %rev3A_547 : i32 to vector<16xi32>
          %rev3A_549 = tpu.iota {dimensions = array<i32: 0>} : vector<16xi32>
          %rev3A_550 = arith.subi %rev3A_548, %rev3A_549 : vector<16xi32>
          %rev3A_551 = tpu.dynamic_gather %masked_sort3A_545[%rev3A_550] in [0] : vector<16xf32>, vector<16xi32> -> vector<16xf32>
          %max3A_552 = arith.maximumf %while3A_463, %rev3A_551 : vector<16xf32>
          %min3A_553 = arith.minimumf %while3A_463, %rev3A_551 : vector<16xf32>
          %masked_sort3A_554 = arith.constant dense<true> : vector<16xi1>
          %masked_sort3A_555, %masked_sort3A_556, %masked_sort3A_557 = tpu.sort %max3A_552, %max3A_552 masked %masked_sort3A_554 {descending = true} : (vector<16xf32>, vector<16xf32>, vector<16xi1>) -> (vector<16xi1>, vector<16xf32>, vector<16xf32>)
          %masked_sort3A_558 = arith.constant dense<true> : vector<16xi1>
          %masked_sort3A_559, %masked_sort3A_560, %masked_sort3A_561 = tpu.sort %min3A_553, %min3A_553 masked %masked_sort3A_558 {descending = true} : (vector<16xf32>, vector<16xf32>, vector<16xi1>) -> (vector<16xi1>, vector<16xf32>, vector<16xf32>)
          %rev3A_562 = arith.constant 15 : i32
          %rev3A_563 = vector.broadcast %rev3A_562 : i32 to vector<16xi32>
          %rev3A_564 = tpu.iota {dimensions = array<i32: 0>} : vector<16xi32>
          %rev3A_565 = arith.subi %rev3A_563, %rev3A_564 : vector<16xi32>
          %rev3A_566 = tpu.dynamic_gather %masked_sort3A_560[%rev3A_565] in [0] : vector<16xf32>, vector<16xi32> -> vector<16xf32>
          %max3A_567 = arith.maximumf %while3A_464, %rev3A_566 : vector<16xf32>
          %min3A_568 = arith.minimumf %while3A_464, %rev3A_566 : vector<16xf32>
          %masked_sort3A_569 = arith.constant dense<true> : vector<16xi1>
          %masked_sort3A_570, %masked_sort3A_571, %masked_sort3A_572 = tpu.sort %max3A_567, %max3A_567 masked %masked_sort3A_569 {descending = true} : (vector<16xf32>, vector<16xf32>, vector<16xi1>) -> (vector<16xi1>, vector<16xf32>, vector<16xf32>)
          %masked_sort3A_573 = arith.constant dense<true> : vector<16xi1>
          %masked_sort3A_574, %masked_sort3A_575, %masked_sort3A_576 = tpu.sort %min3A_568, %min3A_568 masked %masked_sort3A_573 {descending = true} : (vector<16xf32>, vector<16xf32>, vector<16xi1>) -> (vector<16xi1>, vector<16xf32>, vector<16xf32>)
          %rev3A_577 = arith.constant 15 : i32
          %rev3A_578 = vector.broadcast %rev3A_577 : i32 to vector<16xi32>
          %rev3A_579 = tpu.iota {dimensions = array<i32: 0>} : vector<16xi32>
          %rev3A_580 = arith.subi %rev3A_578, %rev3A_579 : vector<16xi32>
          %rev3A_581 = tpu.dynamic_gather %masked_sort3A_575[%rev3A_580] in [0] : vector<16xf32>, vector<16xi32> -> vector<16xf32>
          %max3A_582 = arith.maximumf %while3A_465, %rev3A_581 : vector<16xf32>
          %min3A_583 = arith.minimumf %while3A_465, %rev3A_581 : vector<16xf32>
          %masked_sort3A_584 = arith.constant dense<true> : vector<16xi1>
          %masked_sort3A_585, %masked_sort3A_586, %masked_sort3A_587 = tpu.sort %max3A_582, %max3A_582 masked %masked_sort3A_584 {descending = true} : (vector<16xf32>, vector<16xf32>, vector<16xi1>) -> (vector<16xi1>, vector<16xf32>, vector<16xf32>)
          %masked_sort3A_588 = arith.constant dense<true> : vector<16xi1>
          %masked_sort3A_589, %masked_sort3A_590, %masked_sort3A_591 = tpu.sort %min3A_583, %min3A_583 masked %masked_sort3A_588 {descending = true} : (vector<16xf32>, vector<16xf32>, vector<16xi1>) -> (vector<16xi1>, vector<16xf32>, vector<16xf32>)
          %rev3A_592 = arith.constant 15 : i32
          %rev3A_593 = vector.broadcast %rev3A_592 : i32 to vector<16xi32>
          %rev3A_594 = tpu.iota {dimensions = array<i32: 0>} : vector<16xi32>
          %rev3A_595 = arith.subi %rev3A_593, %rev3A_594 : vector<16xi32>
          %rev3A_596 = tpu.dynamic_gather %masked_sort3A_590[%rev3A_595] in [0] : vector<16xf32>, vector<16xi32> -> vector<16xf32>
          %max3A_597 = arith.maximumf %while3A_466, %rev3A_596 : vector<16xf32>
          %min3A_598 = arith.minimumf %while3A_466, %rev3A_596 : vector<16xf32>
          %masked_sort3A_599 = arith.constant dense<true> : vector<16xi1>
          %masked_sort3A_600, %masked_sort3A_601, %masked_sort3A_602 = tpu.sort %max3A_597, %max3A_597 masked %masked_sort3A_599 {descending = true} : (vector<16xf32>, vector<16xf32>, vector<16xi1>) -> (vector<16xi1>, vector<16xf32>, vector<16xf32>)
          %masked_sort3A_603 = arith.constant dense<true> : vector<16xi1>
          %masked_sort3A_604, %masked_sort3A_605, %masked_sort3A_606 = tpu.sort %min3A_598, %min3A_598 masked %masked_sort3A_603 {descending = true} : (vector<16xf32>, vector<16xf32>, vector<16xi1>) -> (vector<16xi1>, vector<16xf32>, vector<16xf32>)
          scf.yield %masked_sort3A_492, %masked_sort3A_507, %masked_sort3A_522, %masked_sort3A_537, %masked_sort3A_556, %masked_sort3A_571, %masked_sort3A_586, %masked_sort3A_601 : vector<16xf32>, vector<16xf32>, vector<16xf32>, vector<16xf32>, vector<16xf32>, vector<16xf32>, vector<16xf32>, vector<16xf32>
        }
        %mul3A_377 = arith.constant 2 : i32
        %mul3A_378 = arith.muli %mul3A_377, %scan3A_74 : i32
        %add3A_379 = arith.constant 0 : i32
        %add3A_380 = arith.addi %mul3A_378, %add3A_379 : i32
        %mul3A_381 = arith.constant 64 : i32
        %mul3A_382 = arith.muli %add3A_380, %mul3A_381 : i32
        %add3A_383 = arith.constant 0 : i32
        %add3A_384 = arith.addi %mul3A_382, %add3A_383 : i32
        %swap3A_385 = arith.index_cast %add3A_384 : i32 to index
        %swap3A_386 = tpu.vector_load %arg8[%swap3A_385] {strides = array<i32>} : memref<1024xf32, #tpu.memory_space<vmem>>, vector<16xf32>,
        tpu.vector_store %arg8[%swap3A_385], %while3A_376#0 {strides = array<i32>} : memref<1024xf32, #tpu.memory_space<vmem>>, vector<16xf32>,
        %mul3A_387 = arith.constant 2 : i32
        %mul3A_388 = arith.muli %mul3A_387, %scan3A_74 : i32
        %add3A_389 = arith.constant 0 : i32
        %add3A_390 = arith.addi %mul3A_388, %add3A_389 : i32
        %mul3A_391 = arith.constant 64 : i32
        %mul3A_392 = arith.muli %add3A_390, %mul3A_391 : i32
        %add3A_393 = arith.constant 16 : i32
        %add3A_394 = arith.addi %mul3A_392, %add3A_393 : i32
        %swap3A_395 = arith.index_cast %add3A_394 : i32 to index
        %swap3A_396 = tpu.vector_load %arg8[%swap3A_395] {strides = array<i32>} : memref<1024xf32, #tpu.memory_space<vmem>>, vector<16xf32>,
        tpu.vector_store %arg8[%swap3A_395], %while3A_376#1 {strides = array<i32>} : memref<1024xf32, #tpu.memory_space<vmem>>, vector<16xf32>,
        %mul3A_397 = arith.constant 2 : i32
        %mul3A_398 = arith.muli %mul3A_397, %scan3A_74 : i32
        %add3A_399 = arith.constant 0 : i32
        %add3A_400 = arith.addi %mul3A_398, %add3A_399 : i32
        %mul3A_401 = arith.constant 64 : i32
        %mul3A_402 = arith.muli %add3A_400, %mul3A_401 : i32
        %add3A_403 = arith.constant 32 : i32
        %add3A_404 = arith.addi %mul3A_402, %add3A_403 : i32
        %swap3A_405 = arith.index_cast %add3A_404 : i32 to index
        %swap3A_406 = tpu.vector_load %arg8[%swap3A_405] {strides = array<i32>} : memref<1024xf32, #tpu.memory_space<vmem>>, vector<16xf32>,
        tpu.vector_store %arg8[%swap3A_405], %while3A_376#2 {strides = array<i32>} : memref<1024xf32, #tpu.memory_space<vmem>>, vector<16xf32>,
        %mul3A_407 = arith.constant 2 : i32
        %mul3A_408 = arith.muli %mul3A_407, %scan3A_74 : i32
        %add3A_409 = arith.constant 0 : i32
        %add3A_410 = arith.addi %mul3A_408, %add3A_409 : i32
        %mul3A_411 = arith.constant 64 : i32
        %mul3A_412 = arith.muli %add3A_410, %mul3A_411 : i32
        %add3A_413 = arith.constant 48 : i32
        %add3A_414 = arith.addi %mul3A_412, %add3A_413 : i32
        %swap3A_415 = arith.index_cast %add3A_414 : i32 to index
        %swap3A_416 = tpu.vector_load %arg8[%swap3A_415] {strides = array<i32>} : memref<1024xf32, #tpu.memory_space<vmem>>, vector<16xf32>,
        tpu.vector_store %arg8[%swap3A_415], %while3A_376#3 {strides = array<i32>} : memref<1024xf32, #tpu.memory_space<vmem>>, vector<16xf32>,
        %mul3A_417 = arith.constant 2 : i32
        %mul3A_418 = arith.muli %mul3A_417, %scan3A_74 : i32
        %add3A_419 = arith.constant 1 : i32
        %add3A_420 = arith.addi %mul3A_418, %add3A_419 : i32
        %mul3A_421 = arith.constant 64 : i32
        %mul3A_422 = arith.muli %add3A_420, %mul3A_421 : i32
        %add3A_423 = arith.constant 0 : i32
        %add3A_424 = arith.addi %mul3A_422, %add3A_423 : i32
        %swap3A_425 = arith.index_cast %add3A_424 : i32 to index
        %swap3A_426 = tpu.vector_load %arg8[%swap3A_425] {strides = array<i32>} : memref<1024xf32, #tpu.memory_space<vmem>>, vector<16xf32>,
        tpu.vector_store %arg8[%swap3A_425], %while3A_376#4 {strides = array<i32>} : memref<1024xf32, #tpu.memory_space<vmem>>, vector<16xf32>,
        %mul3A_427 = arith.constant 2 : i32
        %mul3A_428 = arith.muli %mul3A_427, %scan3A_74 : i32
        %add3A_429 = arith.constant 1 : i32
        %add3A_430 = arith.addi %mul3A_428, %add3A_429 : i32
        %mul3A_431 = arith.constant 64 : i32
        %mul3A_432 = arith.muli %add3A_430, %mul3A_431 : i32
        %add3A_433 = arith.constant 16 : i32
        %add3A_434 = arith.addi %mul3A_432, %add3A_433 : i32
        %swap3A_435 = arith.index_cast %add3A_434 : i32 to index
        %swap3A_436 = tpu.vector_load %arg8[%swap3A_435] {strides = array<i32>} : memref<1024xf32, #tpu.memory_space<vmem>>, vector<16xf32>,
        tpu.vector_store %arg8[%swap3A_435], %while3A_376#5 {strides = array<i32>} : memref<1024xf32, #tpu.memory_space<vmem>>, vector<16xf32>,
        %mul3A_437 = arith.constant 2 : i32
        %mul3A_438 = arith.muli %mul3A_437, %scan3A_74 : i32
        %add3A_439 = arith.constant 1 : i32
        %add3A_440 = arith.addi %mul3A_438, %add3A_439 : i32
        %mul3A_441 = arith.constant 64 : i32
        %mul3A_442 = arith.muli %add3A_440, %mul3A_441 : i32
        %add3A_443 = arith.constant 32 : i32
        %add3A_444 = arith.addi %mul3A_442, %add3A_443 : i32
        %swap3A_445 = arith.index_cast %add3A_444 : i32 to index
        %swap3A_446 = tpu.vector_load %arg8[%swap3A_445] {strides = array<i32>} : memref<1024xf32, #tpu.memory_space<vmem>>, vector<16xf32>,
        tpu.vector_store %arg8[%swap3A_445], %while3A_376#6 {strides = array<i32>} : memref<1024xf32, #tpu.memory_space<vmem>>, vector<16xf32>,
        %mul3A_447 = arith.constant 2 : i32
        %mul3A_448 = arith.muli %mul3A_447, %scan3A_74 : i32
        %add3A_449 = arith.constant 1 : i32
        %add3A_450 = arith.addi %mul3A_448, %add3A_449 : i32
        %mul3A_451 = arith.constant 64 : i32
        %mul3A_452 = arith.muli %add3A_450, %mul3A_451 : i32
        %add3A_453 = arith.constant 48 : i32
        %add3A_454 = arith.addi %mul3A_452, %add3A_453 : i32
        %swap3A_455 = arith.index_cast %add3A_454 : i32 to index
        %swap3A_456 = tpu.vector_load %arg8[%swap3A_455] {strides = array<i32>} : memref<1024xf32, #tpu.memory_space<vmem>>, vector<16xf32>,
        tpu.vector_store %arg8[%swap3A_455], %while3A_376#7 {strides = array<i32>} : memref<1024xf32, #tpu.memory_space<vmem>>, vector<16xf32>,
        %scan3A_457 = arith.constant 0 : i32
        scf.yield %scan3A_457 : i32
      }
      %scan3A_70 = arith.constant 8 : i32
      %mul3A_71 = arith.constant 64 : i32
      %mul3A_72 = arith.muli %add3A_63, %mul3A_71 : i32
      "tpu.region"() ({
        %run_scoped3A = tpu.sem_alloc : memref<!tpu.dma_semaphore, #tpu.memory_space<semaphore_mem>>
        %dma_start3A_74 = tpu.memref_slice %arg3[%mul3A_72] : memref<1572864xf32, #tpu.memory_space<hbm>> -> memref<1024xf32, #tpu.memory_space<hbm>>
        %dma_start3A_75 = tpu.memref_slice %arg3[%mul3A_72] : memref<1572864xf32, #tpu.memory_space<hbm>> -> memref<1024xf32, #tpu.memory_space<hbm>>
        tpu.enqueue_dma source(%arg8 : memref<1024xf32, #tpu.memory_space<vmem>>) target(%dma_start3A_75 : memref<1024xf32, #tpu.memory_space<hbm>>) target_semaphore(%run_scoped3A : memref<!tpu.dma_semaphore, #tpu.memory_space<semaphore_mem>>)
        %dma_wait3A_76 = tpu.memref_slice %arg3[%mul3A_72] : memref<1572864xf32, #tpu.memory_space<hbm>> -> memref<1024xf32, #tpu.memory_space<hbm>>
        %dma_wait3A_77 = tpu.memref_slice %arg3[%mul3A_72] : memref<1572864xf32, #tpu.memory_space<hbm>> -> memref<1024xf32, #tpu.memory_space<hbm>>
        tpu.wait_dma2 semaphore(%run_scoped3A : memref<!tpu.dma_semaphore, #tpu.memory_space<semaphore_mem>>) src(%arg8 : memref<1024xf32, #tpu.memory_space<vmem>>) dst(%dma_wait3A_77 : memref<1024xf32, #tpu.memory_space<hbm>>)
        tpu.yield
      }) : () -> ()
      %scan3A_73 = arith.constant 0 : i32
      scf.yield %scan3A_73 : i32
    }
    %scan3A_14 = arith.constant 24 : i32
    return
  }
}

</mosaic_0001>

<sc_bundles>
// kernel: kernel.3.cloned.1.call-start
scs
__scs_entry_jumppad:
0x0: {  	(pc) =	sbr.rel $0x88, $3  }
0x1: {  	(tag) =	ssettag $0x0;
	lr =	simm.s32 $0x1  }
0x2: {  	[smem:$0x3FA0] =	sst lr;
	_ =	strace $0xD0000000  }
0x3: {  	_ = 	snop  }
0x4: {  	_ = 	snop  }
0x5: {  	_ = 	snop  }
0x6: {  	_ = 	snop  }
0x7: {  	_ = 	snop  }
__scs_overlays_trampoline_lowered:
0x8: {  	[smem:$0x3FAF] =	sst s0  }
0x9: {  	[smem:$0x3FB0] =	sst s1  }
0xa: {  	[smem:$0x3FB1] =	sst s2  }
0xb: {  	[smem:$0x3FB2] =	sst s3  }
0xc: {  	[smem:$0x3FB3] =	sst s4  }
0xd: {  	[smem:$0x3FB4] =	sst s5  }
0xe: {  	[smem:$0x3FB5] =	sst s6  }
0xf: {  	[smem:$0x3FB6] =	sst s7  }
0x10: {  	[smem:$0x3FB7] =	sst s8  }
0x11: {  	[smem:$0x3FB8] =	sst s9;
	s0 =	simm.s32 @!p0 $0x0  }
0x12: {  	s1 =	sld [smem:$0x3F9E];
	s0 =	simm.s32 @p0 $0x1  }
0x13: {  	[smem:$0x3FB9] =	sst s0;
	s0 =	simm.s32 @!p1 $0x0  }
0x14: {  	s2 =	sld [smem:$0x3F9D];
	s0 =	simm.s32 @p1 $0x1  }
0x15: {  	[smem:$0x3FBA] =	sst s0;
	s0 =	simm.s32 @!p2 $0x0  }
0x16: {  	s3 =	sld [smem:$0x3FDB];
	s0 =	simm.s32 @p2 $0x1  }
0x17: {  	s4 =	simm.s32 $0x1BF5;
	[smem:$0x3FBC] =	sst s0  }
0x18: {  	s0 =	sld [smem:$0x3F9F];
	_ =	swait.ge [sflag:s4], $0x0  }
0x19: {  	s7 =	sld [smem:$0x3FA0]  }
0x1a: {  	s8 =	sadd.s32 $0xFFFFE003, lr  }
0x1b: {  	s9 =	sadd.s32 $0xFFFFFEF7, lr;
	s5 =	simm.s32 $0xFFFFFFFF;
	p2 =	slt.u32 s8, $0xFFFFF086  }
0x1c: {  	p1 =	slt.u32 s9, $0xF7A;
	s5 =	simm.s32 @!p2 $0x0  }
0x1d: {  	s5 =	simm.s32 @p1 $0x1;
	p0 =	seq.s32 s7, s2  }
0x1e: {  	s7 =	smul.u32 @!p0 $0xF7A, s2;
	p2 =	seq.s32 @!p0 s5, $0x0  }
0x1f: {  	s9 =	smul.u32 $0xF7A, s1;
	s8 =	simm.s32 @!p0 $0x1BF5;
	p2 =	por !p2, p0  }
0x20: {  	[sflag:s8] =	ssyncset.s32 @!p0 $0xFFFFF086;
	s6 =	sadd.s32 @!p0 s3, s7;
	s7 =	simm.s32 @!p0 $0x108  }
0x21: {  	s3 =	sadd.s32 s3, s9;
	s6 =	sadd.s32 @!p0 $0x88, s6;
	s7 =	simm.s32 @p2 $0x1082  }
0x22: {  	[simem:s7], [sflag:s8] =	dma.local @!p0 [hbm:s6], $0xF7A  }
0x23: {  	s9 =	sor.u32 $0xD0000000, s2;
	s6 =	simm.s32 $0x108;
	_ =	swait.ge @!p0 [sflag:s8], $0x0  }
0x24: {  	s3 =	sadd.s32 $0x88, s3;
	s6 =	simm.s32 @!p1 $0x1082;
	[sflag:s4] =	ssyncset.s32 $0xFFFFF086  }
0x25: {  	[simem:s6], [sflag:s4] =	dma.local [hbm:s3], $0xF7A  }
0x26: {  	[smem:$0x3FA0] =	sst s1;
	(tag) =	ssettag s2;
	_ =	strace s9  }
0x27: {  	s1 =	sld [smem:$0x3FB0]  }
0x28: {  	s2 =	sld [smem:$0x3FB1]  }
0x29: {  	s4 =	sld [smem:$0x3FB3]  }
0x2a: {  	p0 =	seq.s32 s5, $0x0;
	s5 =	sld [smem:$0x3FB4]  }
0x2b: {  	s6 =	sld [smem:$0x3FB5]  }
0x2c: {  	s7 =	sld [smem:$0x3FB6]  }
0x2d: {  	s3 =	simm.s32 $0x108;
	s8 =	sld [smem:$0x3FB7]  }
0x2e: {  	s3 =	simm.s32 @!p0 $0x1082;
	s9 =	sld [smem:$0x3FB8]  }
0x2f: {  	lr =	sadd.s32 s0, s3;
	s0 =	sld [smem:$0x3FAF]  }
0x30: {  	s3 =	sld [smem:$0x3FB2]  }
0x31: {  	[smem:$0x3FBB] =	sst s10  }
0x32: {  	s10 =	sld [smem:$0x3FB9];
	_ =	sdelay $0x3  }
0x33: {  	p0 =	seq.s32 s10, $0x1;
	s10 =	sld [smem:$0x3FBB];
	_ =	sdelay $0x3  }
0x34: {  	[smem:$0x3FBB] =	sst s10  }
0x35: {  	s10 =	sld [smem:$0x3FBA];
	_ =	sdelay $0x3  }
0x36: {  	p1 =	seq.s32 s10, $0x1;
	s10 =	sld [smem:$0x3FBB];
	_ =	sdelay $0x3  }
0x37: {  	[smem:$0x3FBB] =	sst s10  }
0x38: {  	s10 =	sld [smem:$0x3FBC]  }
0x39: {  	_ = 	snop;
	(pc) =	sbr.ind lr, $3  }
0x3a: {  	_ = 	snop  }
0x3b: {  	_ = 	snop  }
0x3c: {  	p2 =	seq.s32 s10, $0x1;
	s10 =	sld [smem:$0x3FBB]  }
0x3d: {  	_ =	shalt  }
0x3e: {  	_ =	shalt  }
0x3f: {  	_ =	shalt  }
0x40: {  	_ =	shalt  }
0x41: {  	_ =	shalt  }
0x42: {  	_ =	shalt  }
0x43: {  	_ =	shalt  }
0x44: {  	_ =	shalt  }
0x45: {  	_ =	shalt  }
0x46: {  	_ =	shalt  }
0x47: {  	_ =	shalt  }
0x48: {  	_ =	shalt  }
0x49: {  	_ =	shalt  }
0x4a: {  	_ =	shalt  }
0x4b: {  	_ =	shalt  }
0x4c: {  	_ =	shalt  }
0x4d: {  	_ =	shalt  }
0x4e: {  	_ =	shalt  }
0x4f: {  	_ =	shalt  }
0x50: {  	_ =	shalt  }
0x51: {  	_ =	shalt  }
0x52: {  	_ =	shalt  }
0x53: {  	_ =	shalt  }
0x54: {  	_ =	shalt  }
0x55: {  	_ =	shalt  }
0x56: {  	_ =	shalt  }
0x57: {  	_ =	shalt  }
0x58: {  	_ =	shalt  }
0x59: {  	_ =	shalt  }
0x5a: {  	_ =	shalt  }
0x5b: {  	_ =	shalt  }
0x5c: {  	_ =	shalt  }
0x5d: {  	_ =	shalt  }
0x5e: {  	_ =	shalt  }
0x5f: {  	_ =	shalt  }
0x60: {  	_ =	shalt  }
0x61: {  	_ =	shalt  }
0x62: {  	_ =	shalt  }
0x63: {  	_ =	shalt  }
0x64: {  	_ =	shalt  }
0x65: {  	_ =	shalt  }
0x66: {  	_ =	shalt  }
0x67: {  	_ =	shalt  }
0x68: {  	_ =	shalt  }
0x69: {  	_ =	shalt  }
0x6a: {  	_ =	shalt  }
0x6b: {  	_ =	shalt  }
0x6c: {  	_ =	shalt  }
0x6d: {  	_ =	shalt  }
0x6e: {  	_ =	shalt  }
0x6f: {  	_ =	shalt  }
0x70: {  	_ =	shalt  }
0x71: {  	_ =	shalt  }
0x72: {  	_ =	shalt  }
0x73: {  	_ =	shalt  }
0x74: {  	_ =	shalt  }
0x75: {  	_ =	shalt  }
0x76: {  	_ =	shalt  }
0x77: {  	_ =	shalt  }
0x78: {  	_ =	shalt  }
0x79: {  	_ =	shalt  }
0x7a: {  	_ =	shalt  }
0x7b: {  	_ =	shalt  }
0x7c: {  	_ =	shalt  }
0x7d: {  	_ =	shalt  }
0x7e: {  	_ =	shalt  }
0x7f: {  	_ =	shalt  }
0x80: {  	_ =	shalt  }
0x81: {  	_ =	shalt  }
0x82: {  	_ =	shalt  }
0x83: {  	_ =	shalt  }
0x84: {  	_ =	shalt  }
0x85: {  	_ =	shalt  }
0x86: {  	_ =	shalt  }
0x87: {  	_ =	shalt  }
.Lfunc_end0:
.L_simem_size_0:
called_computation.1_lowered:
.L_overlay_start_0:
0x88: {  	s2 =	sld [smem:$0x3FD9]  }
0x89: {  	s3 =	sld [smem:$0x3FFE];
	_ =	sdelay $0x1  }
0x8a: {  	s1 =	srdreg.scid  }
0x8b: {  	s0 =	sand.u32 $0x1, s1  }
0x8c: {  	s17 =	sshll.u32 s0, $0xA;
	s2 =	sadd.s32 s3, s2  }
0x8d: {  	s2 =	sadd.s32 s2, s17  }
0x8e: {  	[smem:$0x3FC7] =	sst s2  }
0x8f: {  	_ = 	snop  }
0x90: {  	s2 =	sld [smem:$0x3FD0];
	(tm) =	ssettm $0x1  }
0x91: {  	s18 =	sld [smem:$0x3FFB];
	_ =	sdelay $0x3  }
0x92: {  	_ =	strace s18  }
0x93: {  	s3 =	sld [smem:$0x3FFC];
	_ =	sdelay $0x3  }
0x94: {  	_ =	strace s3  }
0x95: {  	s3 =	sld [smem:$0x3FFD];
	_ =	sdelay $0x3  }
0x96: {  	_ =	strace s3  }
0x97: {  	_ =	strace $0x8FFFFFFF  }
0x98: {  	s19 =	sld [smem:$0x3FDB];
	_ =	sdelay $0x1  }
0x99: {  	s4 =	simm.s32 $_scs_section_size  }
0x9a: {  	s5 =	simm.s32 $_size__tile_overlayer_lowered;
	s6 =	simm.s32 $_tile_overlayer_lowered  }
0x9b: {  	s22 =	simm.s32 $0x1BFF;
	s21 =	sshll.u32 s6, $0x1;
	s3 =	sadd.s32 s4, s19  }
0x9c: {  	s7 =	simm.s32 $0x0;
	s20 =	sshll.u32 s5, $0x1;
	s5 =	sadd.s32 s21, s3  }
0x9d: {  	[timem:s7], [sflag:s22] =	dma.local [hbm:s5], s20  }
0x9e: {  	_ =	swait.ge [sflag:s22], s20  }
0x9f: {  	s4 =	ssub.s32 $0x0, s20;
	[sflag:s22] =	ssyncset.done $0x0  }
0xa0: {  	[sflag:s22] =	ssyncadd.s32 s4;
	_ =	sdelay $0x1  }
0xa1: {  	s23 =	simm.s32 $0x1B8B  }
0xa2: {  	_ =	swait.ge [sflag:s23], $0x1  }
0xa3: {  	[sflag:s23] =	ssyncset.done $0x0  }
0xa4: {  	s25 =	simm.s32 $0x1B8E;
	s24 =	sld [smem:$0x3FFE];
	[sflag:s23] =	ssyncadd.s32 $0xFFFFFFFF  }
0xa5: {  	s26 =	simm.s32 $execute0_lowered;
	[smem:$0x3FD2] =	sst s25  }
0xa6: {  	s5 =	sshll.u32 s26, $0x1;
	_ =	strace $0x80000049;
	[dreg:$0x1] =	wrdreg $0xFFFFFFFF  }
0xa7: {  	s28 =	simm.s32 $_size_execute0_lowered;
	s3 =	sadd.s32 s3, s5;
	[dreg:$0x0] =	wrdreg $0x0  }
0xa8: {  	s5 =	sshll.u32 s28, $0x1;
	[dreg:$0x2] =	wrdreg s3  }
0xa9: {  	[dreg:$0x3] =	wrdreg s5  }
0xaa: {  	[dreg:$0x4] =	wrdreg $0xC0  }
0xab: {  	_ =	task [dreg:s7], $0x5FFFF  }
0xac: {  	[dreg:$0x1] =	wrdreg $0xFFFFFFFF  }
0xad: {  	[dreg:$0x0] =	wrdreg $0x60  }
0xae: {  	[dreg:$0x2] =	wrdreg s24  }
0xaf: {  	[dreg:$0x3] =	wrdreg s2  }
0xb0: {  	[dreg:$0x4] =	wrdreg $0x9  }
0xb1: {  	_ =	task.clear_ibuf [dreg:s7], $0x5FFFF;
	_ =	strace $0x90000049  }
0xb2: {  	s29 =	simm.s32 $0x9;
	_ =	strace $0x8000004B  }
0xb3: {  	_ =	swait.ge [sflag:s29], $0x1  }
0xb4: {  	[sflag:s29] =	ssyncadd.s32 $0xFFFFFFFF  }
0xb5: {  	_ =	strace $0x9000004B  }
0xb6: {  	_ =	sfence  }
0xb7: {  	s30 =	sld [smem:$0x0];
	_ =	sdelay $0x2  }
0xb8: {  	s31 =	sshll.u32 s1, $0xD;
	s1 =	sshrl.u32 s1, $0x2  }
0xb9: {  	s3 =	sand.u32 $0x4000, s31;
	s1 =	sadd.s32 s1, s30  }
0xba: {  	s0 =	sor.u32 s3, s0;
	s1 =	sshll.u32 s1, $0x11  }
0xbb: {  	s0 =	sor.u32 s1, s0  }
0xbc: {  	s0 =	sadd.s32 $0x8F2B, s0  }
0xbd: {  	[sflag:s0] =	ssyncadd.remote.s32 $0x1  }
0xbe: {  	_ =	sfence.sel $0xFFFF  }
0xbf: {  	[dreg:$0x0] =	wrdreg $0xFFFFFFFF;
	(pc) =	sbr.abs _section_cstart, $3  }
0xc0: {  	[dreg:$0x1] =	wrdreg $0xFFFFFFFF  }
0xc1: {  	_ =	task.clear_ibuf [dreg:s7], $0x2FFFF;
	_ =	strace $0x9FFFFFFF  }
0xc2: {  	(tm) =	ssettm $0x7FFFFFFF  }
0xc3: {  	_ =	shalt  }
tec
execute0_lowered:
.L_overlay_start_1:
0x0: {  	(tag) =	ssettag $0x1  }
0x1: {  	s4 =	rddreg [dreg:$0x0];
	s1 =	srdreg.scid  }
0x2: {  	s0 =	stileid.u32;
	s2 =	rddreg [dreg:$0x1]  }
0x3: {  	s3 =	simm.s32 $0x0;
	s10 =	simm.s32 $0x8000;
	s11 =	simm.s32 $0x1  }
0x4: {  	s12 =	simm.s32 $0x11280;
	s13 =	simm.s32 $0x3;
	s14 =	simm.s32 $0x2  }
0x5: {  	s15 =	simm.s32 $0x0;
	s5 =	sand.u32 $0x1, s1;
	s6 =	sshll.u32 s0, $0x1  }
.Ltmp0:
0x6: {  	s1 =	rddreg [dreg:$0x2];
	s7 =	sor.u32 s5, s6;
	(pc) =	sbr.rel .LBB2_1-.Ltmp0, $4  }
0x7: {  	v0 =	vlaneseq.u32;
	[smem:$0x7FF] =	sst s3;
	s31 =	ssub.s32 $0x2, s5;
	s8 =	smul.u32 $0x30000, s7  }
0x8: {  	s4 =	sadd.s32 $0x800, s4;
	v1 =	vmul.u32 $0xFFFFFFFF, v0;
	s9 =	sshrl.u32 s31, $0x1;
	s5 =	smul.u32 $0x180000, s7  }
0x9: {  	_ =	strace $0x8000004A;
	s7 =	smul.u32 $0xC000, s7;
	s9 =	ssub.s32 s31, s9  }
0xa: {  	v0 =	vimm.s32 $0x0;
	v1 =	vadd.s32 $0xF, v1;
	s6 =	sadd.s32 s4, s8;
	s8 =	sor.u32 $0x10000, s5;
	s9 =	smax.u32 s9, $0x1  }
.LBB2_45:
0xb: {  	s15 =	sadd.s32 $0x1, s15  }
0xc: {  	p0 =	sne.s32 s15, s9  }
.Ltmp1:
0xd: {  	_ = 	snop;
	(pc) =	sbr.rel @!p0 .LBB2_46-.Ltmp1, $1  }
0xe: {  	_ =	sdelay $0x3  }
.LBB2_1:
.Ltmp2:
0xf: {  	(pc) =	sbr.rel .LBB2_2-.Ltmp2, $3  }
0x10: {  	_ =	sdelay $0x1  }
0x11: {  	[tilespmem:s3], [sflag:$0x1] =	stream.linear.gather [hbm4b:s6+s3], $0x8000, $0x38;
	[tilespmem:$0x11680] =	vst v63  }
0x12: {  	s16 =	simm.s32 $0x0  }
.LBB2_44:
0x13: {  	s17 =	sshll.u32 s17, $0xA  }
0x14: {  	s16 =	sadd.s32 $0x1, s16;
	s17 =	sadd.s32 s7, s17  }
0x15: {  	p0 =	sne.s32 s16, $0x18;
	s17 =	sshrl.u32 s17, $0x3  }
.Ltmp3:
0x16: {  	s17 =	sadd.s32 s2, s17;
	(pc) =	sbr.rel @!p0 .LBB2_45-.Ltmp3, $4  }
0x17: {  	[hbm4b:s17+s3] =	stream.linear.scatter [tilespmem:s12], [sflag:$0x3], $0x400, $0x38;
	[tilespmem:$0x11680] =	vst v63  }
0x18: {  	_ =	swait.ge [sflag:s13], $0x400  }
0x19: {  	[sflag:s13] =	ssyncset.done $0x0  }
0x1a: {  	[sflag:s13] =	ssyncadd.s32 $0xFFFFFC00  }
.LBB2_2:
0x1b: {  	s17 =	sshllo.u32 s16, $0x1  }
0x1c: {  	s18 =	sshll.u32 s17, $0xF  }
0x1d: {  	s18 =	sadd.s32 s5, s18  }
0x1e: {  	s18 =	sshrl.u32 s18, $0x3  }
.Ltmp4:
0x1f: {  	s19 =	sadd.s32 s4, s18;
	s18 =	simm.s32 $0x0;
	(pc) =	sbr.rel .LBB2_3-.Ltmp4, $4  }
0x20: {  	[tilespmem:s10], [sflag:$0x2] =	stream.linear.gather [hbm4b:s19+s18], $0x8000, $0x38;
	[tilespmem:$0x11680] =	vst v63  }
0x21: {  	_ =	swait.ge [sflag:s11], $0x8000  }
0x22: {  	[sflag:s11] =	ssyncset.done $0x0  }
0x23: {  	s19 =	simm.s32 $0x800;
	[sflag:s11] =	ssyncadd.s32 $0xFFFF8000  }
.LBB2_8:
0x24: {  	v4 =	vimm.f32 $-Inf  }
0x25: {  	v7 =	vimm.f32 $-Inf;
	v9 =	vimm.f32 $-Inf;
	v5 =	vimm.f32 $-Inf  }
0x26: {  	v3 =	vimm.f32 $-Inf;
	v6 =	vimm.f32 $-Inf;
	v8 =	vimm.f32 $-Inf  }
.LBB2_22:
0x27: {  	s21 =	sshll.u32 s18, $0x7  }
0x28: {  	s21 =	sand.u32 $0x3FFFFF80, s21  }
0x29: {  	[tilespmem:s21+$0x11280] =	vst v2  }
0x2a: {  	s18 =	sadd.s32 $0x1, s18;
	[tilespmem:s21+$0x11290] =	vst v4  }
0x2b: {  	p0 =	sne.s32 s18, $0x8;
	[tilespmem:s21+$0x112A0] =	vst v7  }
.Ltmp5:
0x2c: {  	s20 =	sshll.u32 s20, $0x6;
	[tilespmem:s21+$0x112B0] =	vst v9;
	(pc) =	sbr.rel @!p0 .LBB2_23-.Ltmp5, $4  }
0x2d: {  	s30 =	sor.u32 $0x50, s20;
	[tilespmem:s20+$0x11280] =	vst v5  }
0x2e: {  	s31 =	sor.u32 $0x60, s20;
	[tilespmem:s30+$0x11280] =	vst v3  }
0x2f: {  	s20 =	sor.u32 $0x70, s20;
	[tilespmem:s31+$0x11280] =	vst v6  }
0x30: {  	s19 =	sadd.s32 $0x1000, s19;
	[tilespmem:s20+$0x11280] =	vst v8  }
.LBB2_3:
0x31: {  	s20 =	sshllo.u32 s18, $0x1;
	s21 =	sshll.u32 s18, $0xE  }
0x32: {  	s23 =	simm.s32 $0x11090;
	s24 =	smov.u32 s19;
	s22 =	sshll.u32 s20, $0xD  }
0x33: {  	s25 =	simm.s32 $0x0;
	s21 =	sshra.s32 s21, $0x2;
	s22 =	sshra.s32 s22, $0x2  }
.LBB2_4:
0x34: {  	v2 =	vld [tilespmem:s24+$0xFFFFF800]  }
0x35: {  	v3 =	vld [tilespmem:s24+$0xFFFFF810]  }
0x36: {  	v4 =	vld [tilespmem:s24+$0xFFFFF820]  }
0x37: {  	v5 =	vld [tilespmem:s24+$0xFFFFF830]  }
0x38: {  	v6 =	vld [tilespmem:s24+$0xFFFFF840]  }
0x39: {  	v7 =	vld [tilespmem:s24+$0xFFFFF850]  }
0x3a: {  	v8 =	vld [tilespmem:s24+$0xFFFFF860]  }
0x3b: {  	v9 =	vld [tilespmem:s24+$0xFFFFF870];
	_ =	sdelay $0x3  }
0x3c: {  	v2 =	vmax.f32 v2, v3  }
0x3d: {  	v3 =	vmax.f32 v4, v5;
	v38 =	vmax.f32 v6, v7;
	v39 =	vmax.f32 v8, v9  }
0x3e: {  	v2 =	vmax.f32 v2, v3;
	v3 =	vmax.f32 v38, v39  }
0x3f: {  	v2 =	vmax.f32 v2, v3  }
0x40: {  	[tilespmem:s23+$0xFFFFFFF0] =	vst v2  }
0x41: {  	v2 =	vld [tilespmem:s24+$0x0]  }
0x42: {  	v3 =	vld [tilespmem:s24+$0x10]  }
0x43: {  	v40 =	vld [tilespmem:s24+$0x20]  }
0x44: {  	v41 =	vld [tilespmem:s24+$0x30]  }
0x45: {  	v42 =	vld [tilespmem:s24+$0x40]  }
0x46: {  	v43 =	vld [tilespmem:s24+$0x50]  }
0x47: {  	v44 =	vld [tilespmem:s24+$0x60]  }
0x48: {  	v45 =	vld [tilespmem:s24+$0x70];
	_ =	sdelay $0x3  }
0x49: {  	v2 =	vmax.f32 v2, v3  }
0x4a: {  	v3 =	vmax.f32 v40, v41;
	v46 =	vmax.f32 v42, v43;
	v47 =	vmax.f32 v44, v45  }
0x4b: {  	v2 =	vmax.f32 v2, v3;
	v3 =	vmax.f32 v46, v47  }
0x4c: {  	s26 =	sand.u32 $0xE0, s25;
	v2 =	vmax.f32 v2, v3  }
0x4d: {  	[tilespmem:s26+$0x11180] =	vst v2  }
0x4e: {  	v2 =	vld [tilespmem:s24+$0xFFFFF880]  }
0x4f: {  	v3 =	vld [tilespmem:s24+$0xFFFFF890]  }
0x50: {  	v48 =	vld [tilespmem:s24+$0xFFFFF8A0]  }
0x51: {  	v49 =	vld [tilespmem:s24+$0xFFFFF8B0]  }
0x52: {  	v50 =	vld [tilespmem:s24+$0xFFFFF8C0]  }
0x53: {  	v51 =	vld [tilespmem:s24+$0xFFFFF8D0]  }
0x54: {  	v52 =	vld [tilespmem:s24+$0xFFFFF8E0]  }
0x55: {  	v53 =	vld [tilespmem:s24+$0xFFFFF8F0];
	_ =	sdelay $0x3  }
0x56: {  	v2 =	vmax.f32 v2, v3  }
0x57: {  	v3 =	vmax.f32 v48, v49;
	v54 =	vmax.f32 v50, v51;
	v55 =	vmax.f32 v52, v53  }
0x58: {  	v2 =	vmax.f32 v2, v3;
	v3 =	vmax.f32 v54, v55  }
0x59: {  	v2 =	vmax.f32 v2, v3  }
0x5a: {  	[tilespmem:s23+$0x0] =	vst v2  }
0x5b: {  	v2 =	vld [tilespmem:s24+$0x80]  }
0x5c: {  	v3 =	vld [tilespmem:s24+$0x90]  }
0x5d: {  	v56 =	vld [tilespmem:s24+$0xA0]  }
0x5e: {  	v57 =	vld [tilespmem:s24+$0xB0]  }
0x5f: {  	v58 =	vld [tilespmem:s24+$0xC0]  }
0x60: {  	v59 =	vld [tilespmem:s24+$0xD0]  }
0x61: {  	v60 =	vld [tilespmem:s24+$0xE0]  }
0x62: {  	v61 =	vld [tilespmem:s24+$0xF0];
	_ =	sdelay $0x2  }
0x63: {  	p0 =	sne.s32 s25, $0xE0  }
.Ltmp6:
0x64: {  	v2 =	vmax.f32 v2, v3;
	(pc) =	sbr.rel @p0 .LBB2_4-.Ltmp6, $4  }
0x65: {  	v3 =	vmax.f32 v56, v57;
	v62 =	vmax.f32 v58, v59;
	v63 =	vmax.f32 v60, v61  }
0x66: {  	s31 =	sadd.s32 $0x10, s25;
	v2 =	vmax.f32 v2, v3;
	v3 =	vmax.f32 v62, v63  }
0x67: {  	s26 =	sand.u32 $0xF0, s31;
	v2 =	vmax.f32 v2, v3  }
0x68: {  	s25 =	sadd.s32 $0x20, s25;
	s23 =	sadd.s32 $0x20, s23;
	s24 =	sadd.s32 $0x100, s24;
	[tilespmem:s26+$0x11180] =	vst v2  }
0x69: {  	v2 =	vld [tilespmem:$0x11080]  }
0x6a: {  	v3 =	vld [tilespmem:$0x11090]  }
0x6b: {  	v4 =	vld [tilespmem:$0x110A0]  }
0x6c: {  	v5 =	vld [tilespmem:$0x110B0]  }
0x6d: {  	v6 =	vld [tilespmem:$0x110C0]  }
0x6e: {  	v7 =	vld [tilespmem:$0x110D0]  }
0x6f: {  	v8 =	vld [tilespmem:$0x110E0]  }
0x70: {  	v9 =	vld [tilespmem:$0x110F0]  }
0x71: {  	v10 =	vld [tilespmem:$0x11100]  }
0x72: {  	v11 =	vld [tilespmem:$0x11110]  }
0x73: {  	v12 =	vld [tilespmem:$0x11120]  }
0x74: {  	v13 =	vld [tilespmem:$0x11130]  }
0x75: {  	v14 =	vld [tilespmem:$0x11140]  }
0x76: {  	v15 =	vld [tilespmem:$0x11150]  }
0x77: {  	v16 =	vld [tilespmem:$0x11160]  }
0x78: {  	v17 =	vld [tilespmem:$0x11170]  }
0x79: {  	v31 =	vld [tilespmem:$0x11180]  }
0x7a: {  	v33 =	vld [tilespmem:$0x11190]  }
0x7b: {  	v35 =	vld [tilespmem:$0x111A0]  }
0x7c: {  	v37 =	vld [tilespmem:$0x111B0]  }
0x7d: {  	v41 =	vld [tilespmem:$0x11240]  }
0x7e: {  	v42 =	vld [tilespmem:$0x11250]  }
0x7f: {  	v43 =	vld [tilespmem:$0x11260];
	v18 =	vmax.f32 v2, v3;
	v2 =	vmin.f32 v2, v3  }
0x80: {  	v44 =	vld [tilespmem:$0x11270];
	v3 =	vmax.f32 v4, v5;
	v4 =	vmin.f32 v4, v5;
	v5 =	vmax.f32 v6, v7  }
0x81: {  	v6 =	vmin.f32 v6, v7;
	v7 =	vmax.f32 v8, v9;
	v8 =	vmin.f32 v8, v9  }
0x82: {  	v21 =	vmax.f32 v10, v11;
	v10 =	vmin.f32 v10, v11;
	v22 =	vmax.f32 v12, v13  }
0x83: {  	v12 =	vmin.f32 v12, v13;
	v23 =	vmax.f32 v14, v15;
	v14 =	vmin.f32 v14, v15  }
0x84: {  	v24 =	vmax.f32 v16, v17;
	v16 =	vmin.f32 v16, v17;
	v45 =	vmax.f32 v31, v33  }
0x85: {  	v46 =	vmax.f32 v35, v37;
	v49 =	vmax.f32 v41, v42;
	v50 =	vmax.f32 v43, v44  }
0x86: {  	v17 =	vmin.f32 v43, v44;
	v25 =	vmax.f32 v18, v3;
	v19 =	vmin.f32 v2, v4  }
0x87: {  	v3 =	vmin.f32 v18, v3;
	v2 =	vmax.f32 v2, v4;
	v26 =	vmin.f32 v6, v8  }
0x88: {  	v6 =	vmax.f32 v6, v8;
	v27 =	vmin.f32 v10, v12;
	v9 =	vmin.f32 v21, v22  }
0x89: {  	v10 =	vmax.f32 v10, v12;
	v28 =	vmax.f32 v23, v24;
	v29 =	vmin.f32 v14, v16  }
0x8a: {  	v13 =	vmin.f32 v23, v24;
	v14 =	vmax.f32 v14, v16;
	v12 =	vmin.f32 v31, v33  }
0x8b: {  	v4 =	vmax.f32 v3, v2;
	v2 =	vmin.f32 v3, v2;
	v3 =	vmax.f32 v5, v7  }
0x8c: {  	v5 =	vmin.f32 v5, v7;
	v11 =	vmax.f32 v9, v10;
	v9 =	vmin.f32 v9, v10  }
0x8d: {  	v15 =	vmax.f32 v13, v14;
	v13 =	vmin.f32 v13, v14;
	v30 =	vmax.f32 v25, v26  }
0x8e: {  	v8 =	vmax.f32 v27, v28;
	v7 =	vmax.f32 v5, v6;
	v5 =	vmin.f32 v5, v6  }
0x8f: {  	v6 =	vmax.f32 v21, v22;
	v3 =	vmax.f32 v19, v3;
	v9 =	vmax.f32 v9, v15  }
0x90: {  	v11 =	vmax.f32 v11, v13;
	v4 =	vmax.f32 v4, v5;
	v2 =	vmax.f32 v2, v7  }
0x91: {  	v6 =	vmax.f32 v6, v29;
	v34 =	vmax.f32 v11, v8;
	v8 =	vmin.f32 v11, v8  }
0x92: {  	v5 =	vmax.f32 v30, v2;
	v2 =	vmin.f32 v30, v2;
	v7 =	vmax.f32 v4, v3  }
0x93: {  	v38 =	vld [tilespmem:$0x111C0];
	v3 =	vmin.f32 v4, v3;
	v32 =	vmax.f32 v6, v9;
	v6 =	vmin.f32 v6, v9  }
0x94: {  	v39 =	vld [tilespmem:$0x11220];
	v4 =	vmax.f32 v5, v7;
	v5 =	vmin.f32 v5, v7;
	v7 =	vmax.f32 v2, v3  }
0x95: {  	v40 =	vld [tilespmem:$0x11230];
	v2 =	vmin.f32 v2, v3;
	v3 =	vmax.f32 v32, v34;
	v36 =	vmin.f32 v6, v8  }
0x96: {  	v9 =	vmin.f32 v32, v34;
	v6 =	vmax.f32 v6, v8;
	v2 =	vmax.f32 v2, v3;
	v3 =	vld [tilespmem:$0x111D0]  }
0x97: {  	v4 =	vmax.f32 v4, v36;
	v5 =	vmax.f32 v5, v6;
	v6 =	vmax.f32 v7, v9;
	v7 =	vld [tilespmem:$0x11210]  }
0x98: {  	v51 =	vmax.f32 v45, v46;
	v4 =	vmin.f32 v4, v5;
	v2 =	vmin.f32 v6, v2;
	v5 =	vld [tilespmem:$0x111E0]  }
0x99: {  	v14 =	vmin.f32 v41, v42;
	v10 =	vmin.f32 v49, v50;
	v2 =	vmin.f32 v4, v2;
	v4 =	vld [tilespmem:$0x111F0]  }
0x9a: {  	v13 =	vmin.f32 v45, v46;
	v56 =	vmin.f32 v14, v17;
	v11 =	vmin.f32 v35, v37;
	v6 =	vld [tilespmem:$0x11200]  }
0x9b: {  	v14 =	vmax.f32 v14, v17;
	v20 =	vmin.f32 v12, v11;
	v11 =	vmax.f32 v12, v11  }
0x9c: {  	v16 =	vmax.f32 v10, v14;
	v10 =	vmin.f32 v10, v14;
	v12 =	vmax.f32 v13, v11  }
0x9d: {  	v11 =	vmin.f32 v13, v11;
	v9 =	vmin.f32 v39, v40;
	v47 =	vmax.f32 v38, v3  }
0x9e: {  	(xrf0) =	vmin.scan.msk.f32 $0xffff, v2;
	v3 =	vmin.f32 v38, v3;
	v48 =	vmax.f32 v5, v4;
	v4 =	vmin.f32 v5, v4  }
0x9f: {  	v5 =	vmax.f32 v6, v7;
	v6 =	vmin.f32 v6, v7;
	v7 =	vmax.f32 v39, v40  }
0xa0: {  	v52 =	vmax.f32 v47, v48;
	v53 =	vmin.f32 v3, v4;
	v8 =	vmin.f32 v47, v48  }
0xa1: {  	v3 =	vmax.f32 v3, v4;
	v54 =	vmax.f32 v5, v7;
	v55 =	vmin.f32 v6, v9  }
0xa2: {  	v5 =	vmin.f32 v5, v7;
	v6 =	vmax.f32 v6, v9;
	v4 =	vmax.f32 v8, v3  }
0xa3: {  	v3 =	vmin.f32 v8, v3;
	v7 =	vmax.f32 v5, v6;
	v5 =	vmin.f32 v5, v6  }
0xa4: {  	v2, _, _ =	vpop (xrf0);
	v6 =	vmax.f32 v49, v50;
	v57 =	vmax.f32 v51, v53;
	v58 =	vmax.f32 v20, v52  }
0xa5: {  	v8 =	vmax.f32 v54, v56;
	v2 =	vbroadcast v2, $0xF;
	v3 =	vmax.f32 v12, v3  }
0xa6: {  	s23 =	simm.s32 $0x0;
	v4 =	vmax.f32 v11, v4;
	v5 =	vmax.f32 v5, v16;
	v7 =	vmax.f32 v7, v10  }
0xa7: {  	s24 =	sand.u32 $0x780, s23;
	v6 =	vmax.f32 v55, v6;
	v59 =	vmax.f32 v57, v4;
	v4 =	vmin.f32 v57, v4  }
0xa8: {  	s25 =	sand.u32 $0x70, s23;
	s26 =	sadd.s32 s24, s21;
	v13 =	vmax.f32 v3, v58;
	v3 =	vmin.f32 v3, v58;
	v9 =	vmax.f32 v8, v5  }
0xa9: {  	s26 =	sadd.s32 s25, s26;
	v5 =	vmin.f32 v8, v5;
	v62 =	vmax.f32 v7, v6;
	v6 =	vmin.f32 v7, v6  }
0xaa: {  	v7 =	vld [tilespmem:s26+$0x0];
	v60 =	vmax.f32 v59, v13;
	v12 =	vmin.f32 v59, v13;
	v61 =	vmax.f32 v4, v3  }
0xab: {  	v3 =	vmin.f32 v4, v3;
	v4 =	vmax.f32 v9, v62;
	v63 =	vmin.f32 v5, v6  }
0xac: {  	v8 =	vmin.f32 v9, v62;
	v5 =	vmax.f32 v5, v6;
	v6 =	vmax.f32 v60, v63  }
0xad: {  	v5 =	vmax.f32 v12, v5;
	v8 =	vmax.f32 v61, v8;
	v3 =	vmax.f32 v3, v4  }
0xae: {  	v4 =	vmin.f32 v6, v5;
	v3 =	vmin.f32 v8, v3  }
0xaf: {  	v3 =	vmin.f32 v4, v3;
	vm0 =	vge.f32 v7, v2  }
0xb0: {  	(xrf0) =	vmin.scan.msk.f32 $0xffff, v3;
	v3 =	vsel vm0, $0x1, v0  }
0xb1: {  	(xrf0) =	vadd.scan.msk.s32 $0xffff, v3  }
0xb2: {  	s24 =	sadd.s32 s24, s22  }
0xb3: {  	s24 =	sadd.s32 s25, s24;
	[tilespmem:s23+$0x10000] =	vst.msk vm0, v7  }
0xb4: {  	v4 =	vld [tilespmem:s24+$0x0];
	_ =	sdelay $0x1  }
0xb5: {  	v3, _, _ =	vpop (xrf0)  }
0xb6: {  	v3 =	vbroadcast v3, $0xF;
	v5, _, _ =	vpop (xrf0)  }
0xb7: {  	(v2sf) =	vpush v5, $0xF  }
0xb8: {  	vm0 =	vge.f32 v4, v3  }
0xb9: {  	v5 =	vsel vm0, $0x1, v0  }
0xba: {  	(xrf0) =	vadd.scan.msk.s32 $0xffff, v5;
	_ =	sdelay $0x1  }
0xbb: {  	s26 =	simm.s32 $0x10  }
0xbc: {  	s28 =	sand.u32 $0x780, s26  }
0xbd: {  	s29 =	sand.u32 $0x70, s26;
	s30 =	sadd.s32 s28, s21  }
0xbe: {  	s24 =	sadd.s32 s29, s30;
	[tilespmem:s23+$0x10810] =	vst.msk vm0, v4  }
0xbf: {  	v4 =	vld [tilespmem:s24+$0x0];
	v5, _, _ =	vpop (xrf0)  }
0xc0: {  	(v2sf) =	vpush v5, $0xF;
	_ =	sdelay $0x3  }
0xc1: {  	vm0 =	vge.f32 v4, v2  }
0xc2: {  	v5 =	vsel vm0, $0x1, v0;
	s31 =	spop (v2sf)  }
0xc3: {  	s25 =	sadd.s32 s28, s22;
	(xrf0) =	vadd.scan.msk.s32 $0xffff, v5;
	s24 =	sadd.s32 $0x0, s31  }
0xc4: {  	s25 =	sadd.s32 s29, s25;
	[tilespmem:s24+$0x10000] =	vst.msk vm0, v4  }
0xc5: {  	v4 =	vld [tilespmem:s25+$0x0];
	_ =	sdelay $0x3  }
0xc6: {  	v5, _, _ =	vpop (xrf0)  }
0xc7: {  	(v2sf) =	vpush v5, $0xF;
	vm0 =	vge.f32 v4, v3  }
0xc8: {  	v6 =	vsel vm0, $0x1, v0  }
0xc9: {  	s25 =	simm.s32 $0x20;
	s26 =	spop (v2sf);
	(xrf0) =	vadd.scan.msk.s32 $0xffff, v6  }
.LBB2_6:
0xca: {  	p0 =	sne.s32 s25, $0x7F0  }
0xcb: {  	s23 =	sadd.s32 s23, s26;
	s26 =	smov.u32 s25;
	s25 =	sadd.s32 $0x10, s25  }
0xcc: {  	s28 =	sand.u32 $0x780, s26;
	[tilespmem:s23+$0x10810] =	vst.msk vm0, v4  }
0xcd: {  	s26 =	sand.u32 $0x70, s26;
	s29 =	sadd.s32 s28, s21;
	s28 =	sadd.s32 s28, s22  }
0xce: {  	s29 =	sadd.s32 s26, s29;
	s26 =	sadd.s32 s26, s28  }
0xcf: {  	v4 =	vld [tilespmem:s29+$0x0]  }
0xd0: {  	v5, _, _ =	vpop (xrf0)  }
0xd1: {  	(v2sf) =	vpush v5, $0xF;
	_ =	sdelay $0x2  }
0xd2: {  	vm0 =	vge.f32 v4, v2  }
0xd3: {  	v5 =	vsel vm0, $0x1, v0  }
0xd4: {  	(xrf0) =	vadd.scan.msk.s32 $0xffff, v5;
	s28 =	spop (v2sf)  }
0xd5: {  	s24 =	sadd.s32 s24, s28  }
0xd6: {  	[tilespmem:s24+$0x10000] =	vst.msk vm0, v4  }
0xd7: {  	v4 =	vld [tilespmem:s26+$0x0];
	_ =	sdelay $0x2  }
.Ltmp7:
0xd8: {  	v5, _, _ =	vpop (xrf0);
	(pc) =	sbr.rel @p0 .LBB2_6-.Ltmp7, $4  }
0xd9: {  	(v2sf) =	vpush v5, $0xF  }
0xda: {  	vm0 =	vge.f32 v4, v3  }
0xdb: {  	v5 =	vsel vm0, $0x1, v0  }
0xdc: {  	(xrf0) =	vadd.scan.msk.s32 $0xffff, v5;
	s26 =	spop (v2sf)  }
0xdd: {  	_ =	sdelay $0x4  }
0xde: {  	v2, _, _ =	vpop (xrf0)  }
0xdf: {  	(v2sf) =	vpush v2, $0xF;
	_ =	sdelay $0xb  }
0xe0: {  	s21 =	spop (v2sf)  }
0xe1: {  	s24 =	sadd.s32 s24, s21  }
0xe2: {  	s25 =	sadd.s32 s23, s26;
	s23 =	simm.s32 $0x1;
	s21 =	sadd.s32 $0xF, s24  }
0xe3: {  	s29 =	sshra.s32 s21, $0x1F;
	s31 =	sand.u32 $0xF, s21;
	s22 =	spop (v2sf)  }
0xe4: {  	p0 =	slt.s32 s21, $0x1;
	p1 =	sne.s32 s31, $0x0;
	s26 =	sadd.s32 s25, s22  }
0xe5: {  	s30 =	sshrl.u32 s29, $0x1C;
	p0 =	por !p0, !p1;
	s28 =	sadd.s32 $0xF, s26  }
0xe6: {  	p0 =	por !p0, !p0;
	s22 =	sadd.s32 s30, s21;
	s29 =	sand.u32 $0xF, s28  }
0xe7: {  	p6 =	slt.s32 s28, $0x1;
	s31 =	sshra.s32 s28, $0x1F;
	p2 =	sne.s32 s29, $0x0  }
0xe8: {  	s30 =	sshra.s32 s22, $0x4;
	s22 =	sshrl.u32 s31, $0x1C;
	p1 =	por !p6, !p2  }
0xe9: {  	s22 =	sadd.s32 s22, s28;
	s28 =	simm.s32 $0x1;
	p1 =	por !p1, !p1  }
0xea: {  	s23 =	simm.s32 @!p0 $0x0;
	s22 =	sshra.s32 s22, $0x4;
	s28 =	simm.s32 @!p1 $0x0  }
0xeb: {  	s21 =	ssub.s32 s30, s23;
	s22 =	ssub.s32 s22, s28  }
0xec: {  	p0 =	sgt.s32 s21, s22;
	s23 =	smov.u32 s22  }
0xed: {  	s23 =	smov.u32 @p0 s21  }
0xee: {  	p0 =	slt.s32 s23, $0x1  }
.Ltmp8:
0xef: {  	_ = 	snop;
	(pc) =	sbr.rel @p0 .LBB2_8-.Ltmp8, $4  }
0xf0: {  	_ = 	snop  }
0xf1: {  	[tilespmem:s25+$0x10810] =	vst.msk vm0, v4;
	v2 =	vimm.f32 $-Inf  }
0xf2: {  	[tilespmem:s24+$0x10000] =	vst v2  }
0xf3: {  	[tilespmem:s26+$0x10810] =	vst v2  }
0xf4: {  	s24 =	simm.s32 $0x10000  }
0xf5: {  	v3 =	vld [tilespmem:s24+$0x0]  }
0xf6: {  	v4 =	vld [tilespmem:s24+$0x810]  }
0xf7: {  	p5 =	sne.s32 s23, $0x1  }
.Ltmp9:
0xf8: {  	_ = 	snop;
	(pc) =	sbr.rel @!p5 .LBB2_10-.Ltmp9, $4  }
0xf9: {  	p0 =	sgt.s32 s21, $0x0  }
0xfa: {  	p6 =	sgt.s32 s22, $0x0;
	v3 =	vpsel !p0, $0xFF800000, v3  }
0xfb: {  	p1 =	por $0x0, $0x0;
	p2 =	por $0x0, $0x0;
	p3 =	por $0x0, $0x0;
	v4 =	vpsel !p6, $0xFF800000, v4;
	(xrf1) =	vsort.dscd.msk.f32 $0xffff, v3, v3  }
0xfc: {  	p4 =	por $0x0, $0x0;
	s24 =	simm.s32 $0x10010;
	p0 =	por $0x0, $0x0;
	(xrf1) =	vsort.dscd.msk.f32 $0xffff, v4, v4  }
0xfd: {  	_ =	sdelay $0x7  }
0xfe: {  	v3 =	vld [tilespmem:s24+$0x0]  }
0xff: {  	v4 =	vld [tilespmem:s24+$0x810];
	_ =	sdelay $0x2  }
0x100: {  	p0 =	sgt.s32 s21, $0x1;
	v5, _, _ =	vpop (xrf1)  }
0x101: {  	p6 =	sgt.s32 s22, $0x1;
	v3 =	vpsel !p0, $0xFF800000, v3;
	v5 =	vperm.xlane v5, v1  }
0x102: {  	p5 =	sne.s32 s23, $0x2;
	v4 =	vpsel !p6, $0xFF800000, v4;
	(xrf1) =	vsort.dscd.msk.f32 $0xffff, v3, v3;
	v6, _, _ =	vpop (xrf1)  }
.Ltmp10:
0x103: {  	(xrf1) =	vsort.dscd.msk.f32 $0xffff, v4, v4;
	v63 =	vperm.xlane v6, v1;
	v3 =	vmax.f32 v2, v5;
	(pc) =	sbr.rel @!p5 .LBB2_12-.Ltmp10, $4  }
0x104: {  	v5 =	vmin.f32 v2, v5;
	(xrf1) =	vsort.dscd.msk.f32 $0xffff, v3, v3  }
0x105: {  	v3 =	vmax.f32 v2, v63;
	(xrf1) =	vsort.dscd.msk.f32 $0xffff, v5, v5  }
0x106: {  	v4 =	vmin.f32 v2, v63;
	(xrf1) =	vsort.dscd.msk.f32 $0xffff, v3, v3  }
0x107: {  	s24 =	simm.s32 $0x10020;
	p0 =	por $0x1, $0x1;
	(xrf1) =	vsort.dscd.msk.f32 $0xffff, v4, v4  }
0x108: {  	_ =	sdelay $0x1  }
0x109: {  	v3 =	vld [tilespmem:s24+$0x0];
	_ =	sdelay $0x2  }
0x10a: {  	v4 =	vld [tilespmem:s24+$0x810]  }
0x10b: {  	p1 =	sgt.s32 s21, $0x2  }
0x10c: {  	v3 =	vpsel !p1, $0xFF800000, v3  }
0x10d: {  	v5, _, _ =	vpop (xrf1)  }
0x10e: {  	p6 =	sgt.s32 s22, $0x2;
	v6, _, _ =	vpop (xrf1);
	v5 =	vperm.xlane v5, v1  }
0x10f: {  	v4 =	vpsel !p6, $0xFF800000, v4;
	(xrf1) =	vsort.dscd.msk.f32 $0xffff, v3, v3;
	v3, _, _ =	vpop (xrf1)  }
0x110: {  	(xrf1) =	vsort.dscd.msk.f32 $0xffff, v4, v4;
	v6 =	vperm.xlane v6, v1;
	v57 =	vmax.f32 v3, v5;
	v7, _, _ =	vpop (xrf1)  }
0x111: {  	p5 =	sne.s32 s23, $0x3;
	v3 =	vmin.f32 v3, v5;
	(xrf1) =	vsort.dscd.msk.f32 $0xffff, v57, v57;
	v58, _, _ =	vpop (xrf1)  }
.Ltmp11:
0x112: {  	v59 =	vmax.f32 v58, v6;
	(xrf1) =	vsort.dscd.msk.f32 $0xffff, v3, v3;
	v3 =	vperm.xlane v7, v1;
	v60, _, _ =	vpop (xrf1);
	(pc) =	sbr.rel @!p5 .LBB2_14-.Ltmp11, $4  }
0x113: {  	v4 =	vmin.f32 v58, v6;
	(xrf1) =	vsort.dscd.msk.f32 $0xffff, v59, v59;
	v61 =	vperm.xlane v60, v1  }
0x114: {  	(xrf1) =	vsort.dscd.msk.f32 $0xffff, v4, v4;
	v62 =	vmax.f32 v2, v3  }
0x115: {  	v63 =	vmax.f32 v2, v61;
	(xrf1) =	vsort.dscd.msk.f32 $0xffff, v62, v62  }
0x116: {  	s24 =	simm.s32 $0x10030;
	p1 =	por $0x1, $0x1;
	v9 =	vmin.f32 v2, v3;
	v10 =	vmin.f32 v2, v61;
	(xrf1) =	vsort.dscd.msk.f32 $0xffff, v63, v63  }
0x117: {  	v3 =	vld [tilespmem:s24+$0x0];
	_ =	sdelay $0x2  }
0x118: {  	v4 =	vld [tilespmem:s24+$0x810]  }
0x119: {  	(xrf1) =	vsort.dscd.msk.f32 $0xffff, v10, v10;
	p2 =	sgt.s32 s21, $0x3  }
0x11a: {  	(xrf1) =	vsort.dscd.msk.f32 $0xffff, v9, v9;
	v3 =	vpsel !p2, $0xFF800000, v3  }
0x11b: {  	v5, _, _ =	vpop (xrf1)  }
0x11c: {  	p6 =	sgt.s32 s22, $0x3;
	v6, _, _ =	vpop (xrf1);
	v5 =	vperm.xlane v5, v1  }
0x11d: {  	v4 =	vpsel !p6, $0xFF800000, v4;
	(xrf1) =	vsort.dscd.msk.f32 $0xffff, v3, v3;
	v3, _, _ =	vpop (xrf1)  }
0x11e: {  	(xrf1) =	vsort.dscd.msk.f32 $0xffff, v4, v4;
	v4 =	vmax.f32 v3, v5  }
0x11f: {  	v6 =	vperm.xlane v6, v1  }
0x120: {  	v7, _, _ =	vpop (xrf1)  }
0x121: {  	v3 =	vmin.f32 v3, v5;
	(xrf1) =	vsort.dscd.msk.f32 $0xffff, v4, v4;
	v4, _, _ =	vpop (xrf1)  }
0x122: {  	(xrf1) =	vsort.dscd.msk.f32 $0xffff, v3, v3;
	v3 =	vperm.xlane v7, v1;
	v5 =	vmax.f32 v4, v6;
	v7, _, _ =	vpop (xrf1)  }
0x123: {  	p5 =	sne.s32 s23, $0x4;
	v4 =	vmin.f32 v4, v6;
	(xrf1) =	vsort.dscd.msk.f32 $0xffff, v5, v5;
	v6, _, _ =	vpop (xrf1)  }
.Ltmp12:
0x124: {  	(xrf1) =	vsort.dscd.msk.f32 $0xffff, v4, v4;
	v4 =	vmax.f32 v6, v3;
	(pc) =	sbr.rel @!p5 .LBB2_16-.Ltmp12, $4  }
0x125: {  	v5 =	vperm.xlane v7, v1  }
0x126: {  	v7, _, _ =	vpop (xrf1)  }
0x127: {  	v9 =	vmin.f32 v6, v3;
	v3 =	vmax.f32 v7, v5;
	(xrf1) =	vsort.dscd.msk.f32 $0xffff, v4, v4;
	v4, _, _ =	vpop (xrf1)  }
0x128: {  	s24 =	simm.s32 $0x10040;
	p2 =	por $0x1, $0x1;
	v10 =	vmin.f32 v7, v5;
	(xrf1) =	vsort.dscd.msk.f32 $0xffff, v3, v3;
	v3 =	vperm.xlane v4, v1;
	v4, _, _ =	vpop (xrf1)  }
0x129: {  	v6 =	vld [tilespmem:s24+$0x810]  }
0x12a: {  	(xrf1) =	vsort.dscd.msk.f32 $0xffff, v10, v10;
	v5 =	vld [tilespmem:s24+$0x0]  }
0x12b: {  	v7 =	vperm.xlane v4, v1;
	(xrf1) =	vsort.dscd.msk.f32 $0xffff, v9, v9  }
0x12c: {  	v8 =	vmax.f32 v2, v3;
	v9 =	vmin.f32 v2, v3  }
0x12d: {  	p6 =	sgt.s32 s22, $0x4;
	(xrf1) =	vsort.dscd.msk.f32 $0xffff, v8, v8;
	v8 =	vmax.f32 v2, v7  }
0x12e: {  	p3 =	sgt.s32 s21, $0x4;
	(xrf1) =	vsort.dscd.msk.f32 $0xffff, v9, v9;
	v6 =	vpsel !p6, $0xFF800000, v6  }
0x12f: {  	v9, _, _ =	vpop (xrf1);
	(xrf1) =	vsort.dscd.msk.f32 $0xffff, v8, v8;
	v5 =	vpsel !p3, $0xFF800000, v5  }
0x130: {  	v8, _, _ =	vpop (xrf1);
	(xrf1) =	vsort.dscd.msk.f32 $0xffff, v5, v5;
	v5 =	vperm.xlane v9, v1  }
0x131: {  	v7 =	vmin.f32 v2, v7;
	(xrf1) =	vsort.dscd.msk.f32 $0xffff, v6, v6;
	v6, _, _ =	vpop (xrf1)  }
0x132: {  	(xrf1) =	vsort.dscd.msk.f32 $0xffff, v7, v7;
	v7 =	vperm.xlane v8, v1;
	v9 =	vmax.f32 v6, v5;
	v8, _, _ =	vpop (xrf1)  }
0x133: {  	v5 =	vmin.f32 v6, v5;
	(xrf1) =	vsort.dscd.msk.f32 $0xffff, v9, v9;
	v6, _, _ =	vpop (xrf1)  }
0x134: {  	p5 =	sne.s32 s23, $0x5;
	v9 =	vmax.f32 v6, v7;
	(xrf1) =	vsort.dscd.msk.f32 $0xffff, v5, v5;
	v5 =	vperm.xlane v8, v1;
	v8, _, _ =	vpop (xrf1)  }
.Ltmp13:
0x135: {  	v6 =	vmin.f32 v6, v7;
	v7 =	vperm.xlane v8, v1;
	(pc) =	sbr.rel @!p5 .LBB2_18-.Ltmp13, $4  }
0x136: {  	(xrf1) =	vsort.dscd.msk.f32 $0xffff, v9, v9;
	v8, _, _ =	vpop (xrf1)  }
0x137: {  	(xrf1) =	vsort.dscd.msk.f32 $0xffff, v6, v6;
	v6 =	vmax.f32 v8, v5;
	v9, _, _ =	vpop (xrf1)  }
0x138: {  	v5 =	vmin.f32 v8, v5;
	(xrf1) =	vsort.dscd.msk.f32 $0xffff, v6, v6;
	v8 =	vmax.f32 v9, v7;
	v10, _, _ =	vpop (xrf1)  }
0x139: {  	s24 =	simm.s32 $0x10050;
	p3 =	por $0x1, $0x1;
	v6 =	vmin.f32 v9, v7;
	(xrf1) =	vsort.dscd.msk.f32 $0xffff, v8, v8;
	v8 =	vperm.xlane v10, v1;
	v7, _, _ =	vpop (xrf1)  }
0x13a: {  	_ = 	snop  }
0x13b: {  	(xrf1) =	vsort.dscd.msk.f32 $0xffff, v6, v6;
	v11 =	vld [tilespmem:s24+$0x810];
	v10, _, _ =	vpop (xrf1)  }
0x13c: {  	v9 =	vld [tilespmem:s24+$0x0];
	v12 =	vperm.xlane v7, v1;
	(xrf1) =	vsort.dscd.msk.f32 $0xffff, v5, v5;
	v13 =	vmax.f32 v10, v8;
	v14, _, _ =	vpop (xrf1)  }
0x13d: {  	v10 =	vmin.f32 v10, v8;
	(xrf1) =	vsort.dscd.msk.f32 $0xffff, v13, v13;
	v13 =	vperm.xlane v14, v1;
	v14, _, _ =	vpop (xrf1)  }
0x13e: {  	v15 =	vmax.f32 v14, v12  }
0x13f: {  	p6 =	sgt.s32 s22, $0x5;
	(xrf1) =	vsort.dscd.msk.f32 $0xffff, v10, v10  }
0x140: {  	p4 =	sgt.s32 s21, $0x5;
	v10, _, _ =	vpop (xrf1);
	(xrf1) =	vsort.dscd.msk.f32 $0xffff, v15, v15;
	v13 =	vmax.f32 v2, v13;
	v11 =	vpsel !p6, $0xFF800000, v11  }
0x141: {  	v9 =	vpsel !p4, $0xFF800000, v9;
	(xrf1) =	vsort.dscd.msk.f32 $0xffff, v13, v13;
	v15, _, _ =	vpop (xrf1)  }
0x142: {  	(xrf1) =	vsort.dscd.msk.f32 $0xffff, v9, v9;
	v9 =	vperm.xlane v10, v1;
	v10, _, _ =	vpop (xrf1)  }
0x143: {  	(xrf1) =	vsort.dscd.msk.f32 $0xffff, v11, v11;
	v11, _, _ =	vpop (xrf1)  }
0x144: {  	v13 =	vmax.f32 v11, v9  }
0x145: {  	v12 =	vmin.f32 v14, v12;
	v10 =	vperm.xlane v10, v1  }
0x146: {  	(xrf1) =	vsort.dscd.msk.f32 $0xffff, v12, v12;
	v12 =	vperm.xlane v15, v1  }
0x147: {  	(xrf1) =	vsort.dscd.msk.f32 $0xffff, v13, v13;
	v10 =	vmax.f32 v2, v10;
	v13, _, _ =	vpop (xrf1)  }
0x148: {  	v9 =	vmin.f32 v11, v9;
	(xrf1) =	vsort.dscd.msk.f32 $0xffff, v10, v10;
	v11, _, _ =	vpop (xrf1)  }
0x149: {  	(xrf1) =	vsort.dscd.msk.f32 $0xffff, v9, v9;
	v9 =	vperm.xlane v13, v1;
	v10 =	vmax.f32 v11, v12;
	v13, _, _ =	vpop (xrf1)  }
0x14a: {  	p5 =	sne.s32 s23, $0x6;
	v11 =	vmin.f32 v11, v12;
	(xrf1) =	vsort.dscd.msk.f32 $0xffff, v10, v10;
	v10 =	vperm.xlane v13, v1;
	v12, _, _ =	vpop (xrf1)  }
.Ltmp14:
0x14b: {  	(xrf1) =	vsort.dscd.msk.f32 $0xffff, v11, v11;
	v11 =	vmax.f32 v12, v9;
	v13, _, _ =	vpop (xrf1);
	(pc) =	sbr.rel @!p5 .LBB2_21-.Ltmp14, $3  }
0x14c: {  	v9 =	vmin.f32 v12, v9;
	v12 =	vmax.f32 v13, v10;
	_ =	sdelay $0x1  }
0x14d: {  	(xrf1) =	vsort.dscd.msk.f32 $0xffff, v11, v11;
	v11, _, _ =	vpop (xrf1)  }
0x14e: {  	s24 =	simm.s32 $0x6;
	s25 =	simm.s32 $0x10060;
	p4 =	por $0x1, $0x1;
	v10 =	vmin.f32 v13, v10;
	(xrf1) =	vsort.dscd.msk.f32 $0xffff, v12, v12;
	v11 =	vperm.xlane v11, v1;
	v12, _, _ =	vpop (xrf1)  }
.LBB2_20:
0x14f: {  	v13 =	vld [tilespmem:s25+$0x0];
	(xrf1) =	vsort.dscd.msk.f32 $0xffff, v10, v10;
	v10, _, _ =	vpop (xrf1);
	s26 =	smov.u32 s24;
	s24 =	sadd.s32 $0x1, s24  }
0x150: {  	v14 =	vld [tilespmem:s25+$0x810];
	p5 =	sne.s32 s23, s24;
	(xrf1) =	vsort.dscd.msk.f32 $0xffff, v9, v9;
	v9 =	vperm.xlane v12, v1;
	v16 =	vmax.f32 v10, v11;
	v15, _, _ =	vpop (xrf1)  }
0x151: {  	v17 =	vmin.f32 v10, v11;
	(xrf1) =	vsort.dscd.msk.f32 $0xffff, v16, v16;
	v11 =	vperm.xlane v15, v1;
	v12, _, _ =	vpop (xrf1)  }
0x152: {  	v15 =	vmax.f32 v12, v9;
	(xrf1) =	vsort.dscd.msk.f32 $0xffff, v17, v17;
	v10, _, _ =	vpop (xrf1)  }
0x153: {  	p6 =	slt.s32 s26, s21;
	v16, _, _ =	vpop (xrf1);
	(xrf1) =	vsort.dscd.msk.f32 $0xffff, v15, v15;
	v10 =	vmax.f32 v10, v11  }
0x154: {  	v11 =	vpsel !p6, $0xFF800000, v13;
	p6 =	slt.s32 s26, s22;
	v13, _, _ =	vpop (xrf1);
	(xrf1) =	vsort.dscd.msk.f32 $0xffff, v10, v10  }
0x155: {  	v15 =	vpsel !p6, $0xFF800000, v14;
	(xrf1) =	vsort.dscd.msk.f32 $0xffff, v11, v11;
	v11 =	vperm.xlane v16, v1;
	v14, _, _ =	vpop (xrf1)  }
0x156: {  	(xrf1) =	vsort.dscd.msk.f32 $0xffff, v15, v15;
	v10, _, _ =	vpop (xrf1);
	v15 =	vmin.f32 v12, v9;
	v16 =	vperm.xlane v14, v1  }
0x157: {  	v14 =	vmax.f32 v10, v11;
	v10 =	vmin.f32 v10, v11;
	(xrf1) =	vsort.dscd.msk.f32 $0xffff, v15, v15;
	v9, _, _ =	vpop (xrf1)  }
0x158: {  	v11 =	vperm.xlane v13, v1;
	(xrf1) =	vsort.dscd.msk.f32 $0xffff, v14, v14;
	v13, _, _ =	vpop (xrf1);
	v9 =	vmax.f32 v9, v16  }
0x159: {  	v12, _, _ =	vpop (xrf1);
	(xrf1) =	vsort.dscd.msk.f32 $0xffff, v9, v9  }
.Ltmp15:
0x15a: {  	v15 =	vperm.xlane v13, v1;
	v14 =	vmax.f32 v12, v11;
	(xrf1) =	vsort.dscd.msk.f32 $0xffff, v10, v10;
	v13, _, _ =	vpop (xrf1);
	(pc) =	sbr.rel @p5 .LBB2_20-.Ltmp15, $4  }
0x15b: {  	v12 =	vmin.f32 v12, v11;
	(xrf1) =	vsort.dscd.msk.f32 $0xffff, v14, v14;
	v16 =	vperm.xlane v13, v1;
	v9, _, _ =	vpop (xrf1)  }
0x15c: {  	(xrf1) =	vsort.dscd.msk.f32 $0xffff, v12, v12;
	v14 =	vmax.f32 v9, v15;
	v9 =	vmin.f32 v9, v15;
	v10, _, _ =	vpop (xrf1)  }
0x15d: {  	v13 =	vmax.f32 v10, v16;
	(xrf1) =	vsort.dscd.msk.f32 $0xffff, v14, v14;
	v11, _, _ =	vpop (xrf1)  }
0x15e: {  	s25 =	sadd.s32 $0x10, s25;
	v10 =	vmin.f32 v10, v16;
	(xrf1) =	vsort.dscd.msk.f32 $0xffff, v13, v13;
	v11 =	vperm.xlane v11, v1;
	v12, _, _ =	vpop (xrf1)  }
.LBB2_21:
0x15f: {  	v13, _, _ =	vpop @p3 (xrf1)  }
0x160: {  	(xrf1) =	vsort.dscd.msk.f32 @p1 $0xffff, v10, v10;
	v10, _, _ =	vpop @p3 (xrf1)  }
0x161: {  	(xrf1) =	vsort.dscd.msk.f32 @p1 $0xffff, v9, v9;
	v9 =	vpsel p3, v13, v2;
	v13, _, _ =	vpop @p3 (xrf1);
	v10 =	vperm.xlane @p3 v10, v1  }
0x162: {  	v12 =	vperm.xlane @p2 v12, v1;
	v14 =	vmax.f32 @p2 v9, v11;
	v9 =	vmin.f32 @p2 v9, v11;
	v11, _, _ =	vpop @p4 (xrf1)  }
0x163: {  	(xrf1) =	vsort.dscd.msk.f32 @p2 $0xffff, v14, v14;
	v13 =	vpsel p3, v13, v2;
	v59, _, _ =	vpop (xrf1)  }
0x164: {  	v15 =	vmax.f32 @p2 v13, v12;
	(xrf1) =	vsort.dscd.msk.f32 @p2 $0xffff, v9, v9;
	v9 =	vpsel p4, v11, v2;
	v11, _, _ =	vpop (xrf1)  }
0x165: {  	(xrf1) =	vsort.dscd.msk.f32 @p2 $0xffff, v15, v15;
	v9 =	vmax.f32 @p3 v9, v10;
	v10, _, _ =	vpop @p3 (xrf1)  }
0x166: {  	v12 =	vmin.f32 @p2 v13, v12;
	(xrf1) =	vsort.dscd.msk.f32 @p3 $0xffff, v9, v9;
	v9 =	vperm.xlane v59, v1;
	v14, _, _ =	vpop @p0 (xrf1)  }
0x167: {  	v10 =	vperm.xlane @p3 v10, v1;
	v60 =	vpsel p0, v14, v2;
	v14, _, _ =	vpop @p4 (xrf1)  }
0x168: {  	(xrf1) =	vsort.dscd.msk.f32 @p2 $0xffff, v12, v12;
	v61 =	vmax.f32 v60, v9;
	v14 =	vpsel p4, v14, v2  }
0x169: {  	v12, _, _ =	vpop @p0 (xrf1);
	(xrf1) =	vsort.dscd.msk.f32 $0xffff, v61, v61;
	v10 =	vmax.f32 @p3 v14, v10  }
0x16a: {  	v9 =	vmin.f32 v60, v9;
	(xrf1) =	vsort.dscd.msk.f32 @p3 $0xffff, v10, v10;
	v10 =	vperm.xlane v11, v1;
	v11, _, _ =	vpop @p0 (xrf1)  }
0x16b: {  	v11 =	vpsel p0, v11, v2;
	_ =	sdelay $0x1  }
0x16c: {  	(xrf1) =	vsort.dscd.msk.f32 $0xffff, v9, v9;
	v9, _, _ =	vpop @p0 (xrf1);
	v62 =	vmax.f32 v11, v10  }
0x16d: {  	v12 =	vperm.xlane @p0 v12, v1;
	v10 =	vmin.f32 v11, v10;
	(xrf1) =	vsort.dscd.msk.f32 $0xffff, v62, v62;
	v11, _, _ =	vpop @p1 (xrf1)  }
0x16e: {  	v9 =	vperm.xlane @p0 v9, v1;
	(xrf1) =	vsort.dscd.msk.f32 $0xffff, v10, v10;
	v10 =	vpsel p1, v11, v2;
	v11, _, _ =	vpop @p1 (xrf1)  }
0x16f: {  	v11 =	vpsel p1, v11, v2  }
0x170: {  	v13 =	vmax.f32 @p0 v10, v12;
	v14 =	vmax.f32 @p0 v11, v9;
	v9 =	vmin.f32 @p0 v11, v9  }
0x171: {  	v10 =	vmin.f32 @p0 v10, v12;
	v12, _, _ =	vpop @p1 (xrf1);
	(xrf1) =	vsort.dscd.msk.f32 @p0 $0xffff, v13, v13;
	v6 =	vpsel p0, v9, v6  }
0x172: {  	v12 =	vperm.xlane @p1 v12, v1;
	(xrf1) =	vsort.dscd.msk.f32 @p0 $0xffff, v14, v14;
	v11, _, _ =	vpop @p1 (xrf1)  }
0x173: {  	v5 =	vpsel p0, v10, v5;
	(xrf1) =	vsort.dscd.msk.f32 @p0 $0xffff, v6, v6;
	v9, _, _ =	vpop @p2 (xrf1)  }
0x174: {  	v8 =	vpsel p1, v12, v8;
	v6, _, _ =	vpop @p2 (xrf1);
	(xrf1) =	vsort.dscd.msk.f32 @p0 $0xffff, v5, v5;
	v5 =	vpsel p2, v9, v2  }
0x175: {  	v10 =	vmax.f32 @p1 v5, v8  }
0x176: {  	v7 =	vpsel p1, v11, v7;
	v9, _, _ =	vpop @p2 (xrf1)  }
0x177: {  	v7 =	vperm.xlane @p1 v7, v1;
	v5 =	vmin.f32 @p1 v5, v8;
	v8, _, _ =	vpop @p3 (xrf1)  }
0x178: {  	v6 =	vperm.xlane @p2 v6, v1;
	(xrf1) =	vsort.dscd.msk.f32 @p1 $0xffff, v10, v10;
	v9 =	vpsel p2, v9, v2;
	v10, _, _ =	vpop @p2 (xrf1)  }
0x179: {  	v11 =	vmax.f32 @p1 v9, v7;
	(xrf1) =	vsort.dscd.msk.f32 @p1 $0xffff, v5, v5;
	v5 =	vpsel p3, v8, v2;
	v63, _, _ =	vpop (xrf1)  }
0x17a: {  	(xrf1) =	vsort.dscd.msk.f32 @p1 $0xffff, v11, v11;
	v5 =	vmax.f32 @p2 v5, v6;
	v6 =	vperm.xlane @p2 v10, v1;
	v8, _, _ =	vpop @p3 (xrf1)  }
0x17b: {  	(xrf1) =	vsort.dscd.msk.f32 @p2 $0xffff, v5, v5;
	v5 =	vmin.f32 @p1 v9, v7;
	v7 =	vpsel p3, v8, v2  }
0x17c: {  	(xrf1) =	vsort.dscd.msk.f32 @p1 $0xffff, v5, v5;
	v5 =	vmax.f32 @p2 v7, v6;
	_ =	sdelay $0x1  }
0x17d: {  	v6, _, _ =	vpop (xrf1)  }
0x17e: {  	(xrf1) =	vsort.dscd.msk.f32 @p2 $0xffff, v5, v5;
	v5, _, _ =	vpop (xrf1)  }
0x17f: {  	v7, _, _ =	vpop (xrf1)  }
0x180: {  	v6 =	vperm.xlane v6, v1;
	v8, _, _ =	vpop @p0 (xrf1)  }
0x181: {  	v8 =	vpsel p0, v8, v2  }
0x182: {  	v7 =	vperm.xlane v7, v1;
	v9, _, _ =	vpop @p0 (xrf1);
	v10 =	vmax.f32 v8, v6  }
0x183: {  	v9 =	vpsel p0, v9, v2  }
0x184: {  	v11 =	vmax.f32 v9, v7;
	v7 =	vmin.f32 v9, v7  }
0x185: {  	(xrf1) =	vsort.dscd.msk.f32 $0xffff, v10, v10;
	v10, _, _ =	vpop @p0 (xrf1)  }
0x186: {  	(xrf1) =	vsort.dscd.msk.f32 $0xffff, v11, v11;
	v9 =	vperm.xlane @p0 v10, v1;
	v10, _, _ =	vpop @p0 (xrf1)  }
0x187: {  	v6 =	vmin.f32 v8, v6;
	(xrf1) =	vsort.dscd.msk.f32 $0xffff, v7, v7;
	v7, _, _ =	vpop @p1 (xrf1)  }
0x188: {  	(xrf1) =	vsort.dscd.msk.f32 $0xffff, v6, v6;
	v3 =	vpsel p0, v9, v3;
	v6 =	vpsel p1, v7, v2  }
0x189: {  	v8 =	vmax.f32 @p0 v6, v3  }
0x18a: {  	v4 =	vpsel p0, v10, v4;
	v7, _, _ =	vpop @p1 (xrf1);
	(xrf1) =	vsort.dscd.msk.f32 @p0 $0xffff, v8, v8  }
0x18b: {  	v4 =	vperm.xlane @p0 v4, v1;
	v3 =	vmin.f32 @p0 v6, v3;
	v6, _, _ =	vpop @p1 (xrf1)  }
0x18c: {  	v7 =	vperm.xlane @p1 v7, v1;
	v6 =	vpsel p1, v6, v2;
	v8, _, _ =	vpop @p2 (xrf1)  }
0x18d: {  	(xrf1) =	vsort.dscd.msk.f32 @p0 $0xffff, v3, v3;
	v9 =	vmax.f32 @p0 v6, v4;
	v3 =	vpsel p2, v8, v2;
	v8, _, _ =	vpop @p1 (xrf1)  }
0x18e: {  	(xrf1) =	vsort.dscd.msk.f32 @p0 $0xffff, v9, v9;
	v3 =	vmax.f32 @p1 v3, v7;
	v7 =	vperm.xlane @p1 v8, v1;
	v8, _, _ =	vpop @p2 (xrf1)  }
0x18f: {  	(xrf1) =	vsort.dscd.msk.f32 @p1 $0xffff, v3, v3;
	v3 =	vmin.f32 @p0 v6, v4;
	v4 =	vpsel p2, v8, v2  }
0x190: {  	(xrf1) =	vsort.dscd.msk.f32 @p0 $0xffff, v3, v3;
	v3 =	vmax.f32 @p1 v4, v7  }
0x191: {  	(xrf1) =	vsort.dscd.msk.f32 @p1 $0xffff, v3, v3;
	_ =	sdelay $0x2  }
0x192: {  	v4, _, _ =	vpop (xrf1)  }
0x193: {  	v3, _, _ =	vpop (xrf1)  }
0x194: {  	v6, _, _ =	vpop (xrf1)  }
0x195: {  	v7, _, _ =	vpop (xrf1)  }
0x196: {  	v6 =	vperm.xlane v6, v1;
	v8, _, _ =	vpop @p0 (xrf1)  }
0x197: {  	v8 =	vpsel p0, v8, v2  }
0x198: {  	v10 =	vmax.f32 v8, v6  }
0x199: {  	v9, _, _ =	vpop @p0 (xrf1)  }
0x19a: {  	v7 =	vperm.xlane v7, v1;
	v6 =	vmin.f32 v8, v6;
	v8, _, _ =	vpop @p0 (xrf1)  }
0x19b: {  	(xrf1) =	vsort.dscd.msk.f32 $0xffff, v10, v10;
	v9 =	vperm.xlane @p0 v9, v1;
	v8 =	vpsel p0, v8, v2;
	v10, _, _ =	vpop @p1 (xrf1)  }
0x19c: {  	(xrf1) =	vsort.dscd.msk.f32 $0xffff, v6, v6;
	v11 =	vmax.f32 v8, v7;
	v6 =	vpsel p1, v10, v2;
	v10, _, _ =	vpop @p0 (xrf1)  }
0x19d: {  	(xrf1) =	vsort.dscd.msk.f32 $0xffff, v11, v11;
	v6 =	vmax.f32 @p0 v6, v9;
	v9 =	vperm.xlane @p0 v10, v1;
	v10, _, _ =	vpop @p1 (xrf1)  }
0x19e: {  	(xrf1) =	vsort.dscd.msk.f32 @p0 $0xffff, v6, v6;
	v6 =	vmin.f32 v8, v7;
	v7 =	vpsel p1, v10, v2  }
0x19f: {  	(xrf1) =	vsort.dscd.msk.f32 $0xffff, v6, v6;
	v6 =	vmax.f32 @p0 v7, v9  }
0x1a0: {  	(xrf1) =	vsort.dscd.msk.f32 @p0 $0xffff, v6, v6;
	_ =	sdelay $0x8  }
0x1a1: {  	v6, _, _ =	vpop (xrf1)  }
0x1a2: {  	v8, _, _ =	vpop (xrf1)  }
0x1a3: {  	v7, _, _ =	vpop (xrf1)  }
0x1a4: {  	v9, _, _ =	vpop @p0 (xrf1)  }
0x1a5: {  	v8 =	vperm.xlane v8, v1;
	v10, _, _ =	vpop (xrf1)  }
0x1a6: {  	v9 =	vpsel p0, v9, v2;
	v10 =	vperm.xlane v10, v1;
	v11, _, _ =	vpop @p0 (xrf1)  }
0x1a7: {  	v8 =	vmax.f32 v9, v8;
	v2 =	vpsel p0, v11, v2  }
0x1a8: {  	(xrf1) =	vsort.dscd.msk.f32 $0xffff, v8, v8;
	v2 =	vmax.f32 v2, v10  }
0x1a9: {  	(xrf1) =	vsort.dscd.msk.f32 $0xffff, v2, v2;
	_ =	sdelay $0x9  }
.Ltmp16:
0x1aa: {  	_ = 	snop;
	(pc) =	sbr.rel .LBB2_22-.Ltmp16, $3  }
0x1ab: {  	_ =	sdelay $0x1  }
0x1ac: {  	v8, _, _ =	vpop (xrf1)  }
0x1ad: {  	v2 =	vmov v63;
	v9, _, _ =	vpop (xrf1)  }
.LBB2_10:
.Ltmp17:
0x1ae: {  	(pc) =	sbr.rel .LBB2_21-.Ltmp17, $2  }
0x1af: {  	_ =	sdelay $0x2  }
0x1b0: {  	_ = 	snop  }
.LBB2_12:
.Ltmp18:
0x1b1: {  	(pc) =	sbr.rel .LBB2_21-.Ltmp18, $2  }
0x1b2: {  	_ =	sdelay $0x2  }
0x1b3: {  	_ = 	snop  }
.LBB2_14:
.Ltmp19:
0x1b4: {  	(pc) =	sbr.rel .LBB2_21-.Ltmp19, $2  }
0x1b5: {  	_ =	sdelay $0x2  }
0x1b6: {  	_ = 	snop  }
.LBB2_16:
.Ltmp20:
0x1b7: {  	(pc) =	sbr.rel .LBB2_21-.Ltmp20, $2  }
0x1b8: {  	_ =	sdelay $0x2  }
0x1b9: {  	v12 =	vmov v4;
	v11 =	vmov v3  }
.LBB2_18:
.Ltmp21:
0x1ba: {  	(pc) =	sbr.rel .LBB2_21-.Ltmp21, $2  }
0x1bb: {  	_ =	sdelay $0x2  }
0x1bc: {  	v10 =	vmovc v6;
	v9 =	vmov v5;
	v12 =	vmov v7;
	v11 =	vmov v8  }
.LBB2_23:
0x1bd: {  	s18 =	sshll.u32 s16, $0xB  }
0x1be: {  	s18 =	sadd.s32 s7, s18  }
0x1bf: {  	s18 =	sshrl.u32 s18, $0x3  }
0x1c0: {  	p0 =	seq.s32 s16, $0x17;
	s18 =	sadd.s32 s2, s18  }
0x1c1: {  	[hbm4b:s18+s3] =	stream.linear.scatter [tilespmem:s12], [sflag:$0x3], $0x400, $0x38;
	[tilespmem:$0x11680] =	vst v63  }
0x1c2: {  	s18 =	sshll.u32 @!p0 s16, $0x10  }
0x1c3: {  	_ =	swait.ge [sflag:s13], $0x400;
	s18 =	sadd.s32 @!p0 s18, s8  }
0x1c4: {  	s19 =	simm.s32 @!p0 $0x0;
	[sflag:s13] =	ssyncset.done $0x0;
	s18 =	sshrl.u32 @!p0 s18, $0x3  }
.Ltmp22:
0x1c5: {  	[sflag:s13] =	ssyncadd.s32 $0xFFFFFC00;
	s18 =	sadd.s32 @!p0 s4, s18;
	(pc) =	sbr.rel .LBB2_24-.Ltmp22, $4  }
0x1c6: {  	[tilespmem:s19], [sflag:$0x1] =	stream.linear.gather @!p0 [hbm4b:s18+s19], $0x8000, $0x38;
	[tilespmem:$0x11680] =	vst v63  }
0x1c7: {  	_ =	swait.ge [sflag:s14], $0x8000  }
0x1c8: {  	[sflag:s14] =	ssyncset.done $0x0  }
0x1c9: {  	s18 =	simm.s32 $0x0;
	s19 =	simm.s32 $0x8800;
	[sflag:s14] =	ssyncadd.s32 $0xFFFF8000  }
.LBB2_29:
0x1ca: {  	v4 =	vimm.f32 $-Inf  }
0x1cb: {  	v7 =	vimm.f32 $-Inf;
	v9 =	vimm.f32 $-Inf;
	v5 =	vimm.f32 $-Inf  }
0x1cc: {  	v3 =	vimm.f32 $-Inf;
	v6 =	vimm.f32 $-Inf;
	v8 =	vimm.f32 $-Inf  }
.LBB2_43:
0x1cd: {  	s21 =	sshll.u32 s18, $0x7  }
0x1ce: {  	s21 =	sand.u32 $0x3FFFFF80, s21  }
0x1cf: {  	[tilespmem:s21+$0x11280] =	vst v2  }
0x1d0: {  	s18 =	sadd.s32 $0x1, s18;
	[tilespmem:s21+$0x11290] =	vst v4  }
0x1d1: {  	p0 =	sne.s32 s18, $0x8;
	[tilespmem:s21+$0x112A0] =	vst v7  }
.Ltmp23:
0x1d2: {  	s20 =	sshll.u32 s20, $0x6;
	[tilespmem:s21+$0x112B0] =	vst v9;
	(pc) =	sbr.rel @!p0 .LBB2_44-.Ltmp23, $4  }
0x1d3: {  	s30 =	sor.u32 $0x50, s20;
	[tilespmem:s20+$0x11280] =	vst v5  }
0x1d4: {  	s31 =	sor.u32 $0x60, s20;
	[tilespmem:s30+$0x11280] =	vst v3  }
0x1d5: {  	s20 =	sor.u32 $0x70, s20;
	[tilespmem:s31+$0x11280] =	vst v6  }
0x1d6: {  	s19 =	sadd.s32 $0x1000, s19;
	[tilespmem:s20+$0x11280] =	vst v8  }
.LBB2_24:
0x1d7: {  	s20 =	sshllo.u32 s18, $0x1  }
0x1d8: {  	s21 =	sshll.u32 s18, $0xE;
	s23 =	simm.s32 $0x11090;
	s22 =	sshll.u32 s20, $0xD  }
0x1d9: {  	s24 =	smov.u32 s19;
	s21 =	sshra.s32 s21, $0x2;
	s22 =	sshra.s32 s22, $0x2  }
0x1da: {  	s25 =	simm.s32 $0x0;
	s21 =	sadd.s32 $0x8000, s21;
	s22 =	sadd.s32 $0x8000, s22  }
.LBB2_25:
0x1db: {  	v2 =	vld [tilespmem:s24+$0xFFFFF800]  }
0x1dc: {  	v3 =	vld [tilespmem:s24+$0xFFFFF810]  }
0x1dd: {  	v4 =	vld [tilespmem:s24+$0xFFFFF820]  }
0x1de: {  	v5 =	vld [tilespmem:s24+$0xFFFFF830]  }
0x1df: {  	v6 =	vld [tilespmem:s24+$0xFFFFF840]  }
0x1e0: {  	v7 =	vld [tilespmem:s24+$0xFFFFF850]  }
0x1e1: {  	v8 =	vld [tilespmem:s24+$0xFFFFF860]  }
0x1e2: {  	v9 =	vld [tilespmem:s24+$0xFFFFF870];
	_ =	sdelay $0x3  }
0x1e3: {  	v2 =	vmax.f32 v2, v3  }
0x1e4: {  	v3 =	vmax.f32 v4, v5;
	v38 =	vmax.f32 v6, v7;
	v39 =	vmax.f32 v8, v9  }
0x1e5: {  	v2 =	vmax.f32 v2, v3;
	v3 =	vmax.f32 v38, v39  }
0x1e6: {  	v2 =	vmax.f32 v2, v3  }
0x1e7: {  	[tilespmem:s23+$0xFFFFFFF0] =	vst v2  }
0x1e8: {  	v2 =	vld [tilespmem:s24+$0x0]  }
0x1e9: {  	v3 =	vld [tilespmem:s24+$0x10]  }
0x1ea: {  	v40 =	vld [tilespmem:s24+$0x20]  }
0x1eb: {  	v41 =	vld [tilespmem:s24+$0x30]  }
0x1ec: {  	v42 =	vld [tilespmem:s24+$0x40]  }
0x1ed: {  	v43 =	vld [tilespmem:s24+$0x50]  }
0x1ee: {  	v44 =	vld [tilespmem:s24+$0x60]  }
0x1ef: {  	v45 =	vld [tilespmem:s24+$0x70];
	_ =	sdelay $0x3  }
0x1f0: {  	v2 =	vmax.f32 v2, v3  }
0x1f1: {  	v3 =	vmax.f32 v40, v41;
	v46 =	vmax.f32 v42, v43;
	v47 =	vmax.f32 v44, v45  }
0x1f2: {  	v2 =	vmax.f32 v2, v3;
	v3 =	vmax.f32 v46, v47  }
0x1f3: {  	s26 =	sand.u32 $0xE0, s25;
	v2 =	vmax.f32 v2, v3  }
0x1f4: {  	[tilespmem:s26+$0x11180] =	vst v2  }
0x1f5: {  	v2 =	vld [tilespmem:s24+$0xFFFFF880]  }
0x1f6: {  	v3 =	vld [tilespmem:s24+$0xFFFFF890]  }
0x1f7: {  	v48 =	vld [tilespmem:s24+$0xFFFFF8A0]  }
0x1f8: {  	v49 =	vld [tilespmem:s24+$0xFFFFF8B0]  }
0x1f9: {  	v50 =	vld [tilespmem:s24+$0xFFFFF8C0]  }
0x1fa: {  	v51 =	vld [tilespmem:s24+$0xFFFFF8D0]  }
0x1fb: {  	v52 =	vld [tilespmem:s24+$0xFFFFF8E0]  }
0x1fc: {  	v53 =	vld [tilespmem:s24+$0xFFFFF8F0];
	_ =	sdelay $0x3  }
0x1fd: {  	v2 =	vmax.f32 v2, v3  }
0x1fe: {  	v3 =	vmax.f32 v48, v49;
	v54 =	vmax.f32 v50, v51;
	v55 =	vmax.f32 v52, v53  }
0x1ff: {  	v2 =	vmax.f32 v2, v3;
	v3 =	vmax.f32 v54, v55  }
0x200: {  	v2 =	vmax.f32 v2, v3  }
0x201: {  	[tilespmem:s23+$0x0] =	vst v2  }
0x202: {  	v2 =	vld [tilespmem:s24+$0x80]  }
0x203: {  	v3 =	vld [tilespmem:s24+$0x90]  }
0x204: {  	v56 =	vld [tilespmem:s24+$0xA0]  }
0x205: {  	v57 =	vld [tilespmem:s24+$0xB0]  }
0x206: {  	v58 =	vld [tilespmem:s24+$0xC0]  }
0x207: {  	v59 =	vld [tilespmem:s24+$0xD0]  }
0x208: {  	v60 =	vld [tilespmem:s24+$0xE0]  }
0x209: {  	v61 =	vld [tilespmem:s24+$0xF0];
	_ =	sdelay $0x2  }
0x20a: {  	p0 =	sne.s32 s25, $0xE0  }
.Ltmp24:
0x20b: {  	v2 =	vmax.f32 v2, v3;
	(pc) =	sbr.rel @p0 .LBB2_25-.Ltmp24, $4  }
0x20c: {  	v3 =	vmax.f32 v56, v57;
	v62 =	vmax.f32 v58, v59;
	v63 =	vmax.f32 v60, v61  }
0x20d: {  	s31 =	sadd.s32 $0x10, s25;
	v2 =	vmax.f32 v2, v3;
	v3 =	vmax.f32 v62, v63  }
0x20e: {  	s26 =	sand.u32 $0xF0, s31;
	v2 =	vmax.f32 v2, v3  }
0x20f: {  	s25 =	sadd.s32 $0x20, s25;
	s23 =	sadd.s32 $0x20, s23;
	s24 =	sadd.s32 $0x100, s24;
	[tilespmem:s26+$0x11180] =	vst v2  }
0x210: {  	v2 =	vld [tilespmem:$0x11080]  }
0x211: {  	v3 =	vld [tilespmem:$0x11090]  }
0x212: {  	v4 =	vld [tilespmem:$0x110A0]  }
0x213: {  	v5 =	vld [tilespmem:$0x110B0]  }
0x214: {  	v6 =	vld [tilespmem:$0x110C0]  }
0x215: {  	v7 =	vld [tilespmem:$0x110D0]  }
0x216: {  	v8 =	vld [tilespmem:$0x110E0]  }
0x217: {  	v9 =	vld [tilespmem:$0x110F0]  }
0x218: {  	v10 =	vld [tilespmem:$0x11100]  }
0x219: {  	v11 =	vld [tilespmem:$0x11110]  }
0x21a: {  	v12 =	vld [tilespmem:$0x11120]  }
0x21b: {  	v13 =	vld [tilespmem:$0x11130]  }
0x21c: {  	v14 =	vld [tilespmem:$0x11140]  }
0x21d: {  	v15 =	vld [tilespmem:$0x11150]  }
0x21e: {  	v16 =	vld [tilespmem:$0x11160]  }
0x21f: {  	v17 =	vld [tilespmem:$0x11170]  }
0x220: {  	v31 =	vld [tilespmem:$0x11180]  }
0x221: {  	v33 =	vld [tilespmem:$0x11190]  }
0x222: {  	v35 =	vld [tilespmem:$0x111A0]  }
0x223: {  	v37 =	vld [tilespmem:$0x111B0]  }
0x224: {  	v41 =	vld [tilespmem:$0x11240]  }
0x225: {  	v42 =	vld [tilespmem:$0x11250]  }
0x226: {  	v43 =	vld [tilespmem:$0x11260];
	v18 =	vmax.f32 v2, v3;
	v2 =	vmin.f32 v2, v3  }
0x227: {  	v44 =	vld [tilespmem:$0x11270];
	v3 =	vmax.f32 v4, v5;
	v4 =	vmin.f32 v4, v5;
	v5 =	vmax.f32 v6, v7  }
0x228: {  	v6 =	vmin.f32 v6, v7;
	v7 =	vmax.f32 v8, v9;
	v8 =	vmin.f32 v8, v9  }
0x229: {  	v21 =	vmax.f32 v10, v11;
	v10 =	vmin.f32 v10, v11;
	v22 =	vmax.f32 v12, v13  }
0x22a: {  	v12 =	vmin.f32 v12, v13;
	v23 =	vmax.f32 v14, v15;
	v14 =	vmin.f32 v14, v15  }
0x22b: {  	v24 =	vmax.f32 v16, v17;
	v16 =	vmin.f32 v16, v17;
	v45 =	vmax.f32 v31, v33  }
0x22c: {  	v46 =	vmax.f32 v35, v37;
	v49 =	vmax.f32 v41, v42;
	v50 =	vmax.f32 v43, v44  }
0x22d: {  	v17 =	vmin.f32 v43, v44;
	v25 =	vmax.f32 v18, v3;
	v19 =	vmin.f32 v2, v4  }
0x22e: {  	v3 =	vmin.f32 v18, v3;
	v2 =	vmax.f32 v2, v4;
	v26 =	vmin.f32 v6, v8  }
0x22f: {  	v6 =	vmax.f32 v6, v8;
	v27 =	vmin.f32 v10, v12;
	v9 =	vmin.f32 v21, v22  }
0x230: {  	v10 =	vmax.f32 v10, v12;
	v28 =	vmax.f32 v23, v24;
	v29 =	vmin.f32 v14, v16  }
0x231: {  	v13 =	vmin.f32 v23, v24;
	v14 =	vmax.f32 v14, v16;
	v12 =	vmin.f32 v31, v33  }
0x232: {  	v4 =	vmax.f32 v3, v2;
	v2 =	vmin.f32 v3, v2;
	v3 =	vmax.f32 v5, v7  }
0x233: {  	v5 =	vmin.f32 v5, v7;
	v11 =	vmax.f32 v9, v10;
	v9 =	vmin.f32 v9, v10  }
0x234: {  	v15 =	vmax.f32 v13, v14;
	v13 =	vmin.f32 v13, v14;
	v30 =	vmax.f32 v25, v26  }
0x235: {  	v8 =	vmax.f32 v27, v28;
	v7 =	vmax.f32 v5, v6;
	v5 =	vmin.f32 v5, v6  }
0x236: {  	v6 =	vmax.f32 v21, v22;
	v3 =	vmax.f32 v19, v3;
	v9 =	vmax.f32 v9, v15  }
0x237: {  	v11 =	vmax.f32 v11, v13;
	v4 =	vmax.f32 v4, v5;
	v2 =	vmax.f32 v2, v7  }
0x238: {  	v6 =	vmax.f32 v6, v29;
	v34 =	vmax.f32 v11, v8;
	v8 =	vmin.f32 v11, v8  }
0x239: {  	v5 =	vmax.f32 v30, v2;
	v2 =	vmin.f32 v30, v2;
	v7 =	vmax.f32 v4, v3  }
0x23a: {  	v38 =	vld [tilespmem:$0x111C0];
	v3 =	vmin.f32 v4, v3;
	v32 =	vmax.f32 v6, v9;
	v6 =	vmin.f32 v6, v9  }
0x23b: {  	v39 =	vld [tilespmem:$0x11220];
	v4 =	vmax.f32 v5, v7;
	v5 =	vmin.f32 v5, v7;
	v7 =	vmax.f32 v2, v3  }
0x23c: {  	v40 =	vld [tilespmem:$0x11230];
	v2 =	vmin.f32 v2, v3;
	v3 =	vmax.f32 v32, v34;
	v36 =	vmin.f32 v6, v8  }
0x23d: {  	v9 =	vmin.f32 v32, v34;
	v6 =	vmax.f32 v6, v8;
	v2 =	vmax.f32 v2, v3;
	v3 =	vld [tilespmem:$0x111D0]  }
0x23e: {  	v4 =	vmax.f32 v4, v36;
	v5 =	vmax.f32 v5, v6;
	v6 =	vmax.f32 v7, v9;
	v7 =	vld [tilespmem:$0x11210]  }
0x23f: {  	v51 =	vmax.f32 v45, v46;
	v4 =	vmin.f32 v4, v5;
	v2 =	vmin.f32 v6, v2;
	v5 =	vld [tilespmem:$0x111E0]  }
0x240: {  	v14 =	vmin.f32 v41, v42;
	v10 =	vmin.f32 v49, v50;
	v2 =	vmin.f32 v4, v2;
	v4 =	vld [tilespmem:$0x111F0]  }
0x241: {  	v13 =	vmin.f32 v45, v46;
	v56 =	vmin.f32 v14, v17;
	v11 =	vmin.f32 v35, v37;
	v6 =	vld [tilespmem:$0x11200]  }
0x242: {  	v14 =	vmax.f32 v14, v17;
	v20 =	vmin.f32 v12, v11;
	v11 =	vmax.f32 v12, v11  }
0x243: {  	v16 =	vmax.f32 v10, v14;
	v10 =	vmin.f32 v10, v14;
	v12 =	vmax.f32 v13, v11  }
0x244: {  	v11 =	vmin.f32 v13, v11;
	v9 =	vmin.f32 v39, v40;
	v47 =	vmax.f32 v38, v3  }
0x245: {  	(xrf0) =	vmin.scan.msk.f32 $0xffff, v2;
	v3 =	vmin.f32 v38, v3;
	v48 =	vmax.f32 v5, v4;
	v4 =	vmin.f32 v5, v4  }
0x246: {  	v5 =	vmax.f32 v6, v7;
	v6 =	vmin.f32 v6, v7;
	v7 =	vmax.f32 v39, v40  }
0x247: {  	v52 =	vmax.f32 v47, v48;
	v53 =	vmin.f32 v3, v4;
	v8 =	vmin.f32 v47, v48  }
0x248: {  	v3 =	vmax.f32 v3, v4;
	v54 =	vmax.f32 v5, v7;
	v55 =	vmin.f32 v6, v9  }
0x249: {  	v5 =	vmin.f32 v5, v7;
	v6 =	vmax.f32 v6, v9;
	v4 =	vmax.f32 v8, v3  }
0x24a: {  	v3 =	vmin.f32 v8, v3;
	v7 =	vmax.f32 v5, v6;
	v5 =	vmin.f32 v5, v6  }
0x24b: {  	v2, _, _ =	vpop (xrf0);
	v6 =	vmax.f32 v49, v50;
	v57 =	vmax.f32 v51, v53;
	v58 =	vmax.f32 v20, v52  }
0x24c: {  	v8 =	vmax.f32 v54, v56;
	v2 =	vbroadcast v2, $0xF;
	v3 =	vmax.f32 v12, v3  }
0x24d: {  	s23 =	simm.s32 $0x0;
	v4 =	vmax.f32 v11, v4;
	v5 =	vmax.f32 v5, v16;
	v7 =	vmax.f32 v7, v10  }
0x24e: {  	s24 =	sand.u32 $0x780, s23;
	v6 =	vmax.f32 v55, v6;
	v59 =	vmax.f32 v57, v4;
	v4 =	vmin.f32 v57, v4  }
0x24f: {  	s25 =	sand.u32 $0x70, s23;
	s26 =	sadd.s32 s24, s21;
	v13 =	vmax.f32 v3, v58;
	v3 =	vmin.f32 v3, v58;
	v9 =	vmax.f32 v8, v5  }
0x250: {  	s26 =	sadd.s32 s25, s26;
	v5 =	vmin.f32 v8, v5;
	v62 =	vmax.f32 v7, v6;
	v6 =	vmin.f32 v7, v6  }
0x251: {  	v7 =	vld [tilespmem:s26+$0x0];
	v60 =	vmax.f32 v59, v13;
	v12 =	vmin.f32 v59, v13;
	v61 =	vmax.f32 v4, v3  }
0x252: {  	v3 =	vmin.f32 v4, v3;
	v4 =	vmax.f32 v9, v62;
	v63 =	vmin.f32 v5, v6  }
0x253: {  	v8 =	vmin.f32 v9, v62;
	v5 =	vmax.f32 v5, v6;
	v6 =	vmax.f32 v60, v63  }
0x254: {  	v5 =	vmax.f32 v12, v5;
	v8 =	vmax.f32 v61, v8;
	v3 =	vmax.f32 v3, v4  }
0x255: {  	v4 =	vmin.f32 v6, v5;
	v3 =	vmin.f32 v8, v3  }
0x256: {  	v3 =	vmin.f32 v4, v3;
	vm0 =	vge.f32 v7, v2  }
0x257: {  	(xrf0) =	vmin.scan.msk.f32 $0xffff, v3;
	v3 =	vsel vm0, $0x1, v0  }
0x258: {  	(xrf0) =	vadd.scan.msk.s32 $0xffff, v3  }
0x259: {  	s24 =	sadd.s32 s24, s22  }
0x25a: {  	s24 =	sadd.s32 s25, s24;
	[tilespmem:s23+$0x10000] =	vst.msk vm0, v7  }
0x25b: {  	v4 =	vld [tilespmem:s24+$0x0];
	_ =	sdelay $0x1  }
0x25c: {  	v3, _, _ =	vpop (xrf0)  }
0x25d: {  	v3 =	vbroadcast v3, $0xF;
	v5, _, _ =	vpop (xrf0)  }
0x25e: {  	(v2sf) =	vpush v5, $0xF  }
0x25f: {  	vm0 =	vge.f32 v4, v3  }
0x260: {  	v5 =	vsel vm0, $0x1, v0  }
0x261: {  	(xrf0) =	vadd.scan.msk.s32 $0xffff, v5;
	_ =	sdelay $0x1  }
0x262: {  	s26 =	simm.s32 $0x10  }
0x263: {  	s28 =	sand.u32 $0x780, s26  }
0x264: {  	s29 =	sand.u32 $0x70, s26;
	s30 =	sadd.s32 s28, s21  }
0x265: {  	s24 =	sadd.s32 s29, s30;
	[tilespmem:s23+$0x10810] =	vst.msk vm0, v4  }
0x266: {  	v4 =	vld [tilespmem:s24+$0x0];
	v5, _, _ =	vpop (xrf0)  }
0x267: {  	(v2sf) =	vpush v5, $0xF;
	_ =	sdelay $0x3  }
0x268: {  	vm0 =	vge.f32 v4, v2  }
0x269: {  	v5 =	vsel vm0, $0x1, v0;
	s31 =	spop (v2sf)  }
0x26a: {  	s25 =	sadd.s32 s28, s22;
	(xrf0) =	vadd.scan.msk.s32 $0xffff, v5;
	s24 =	sadd.s32 $0x0, s31  }
0x26b: {  	s25 =	sadd.s32 s29, s25;
	[tilespmem:s24+$0x10000] =	vst.msk vm0, v4  }
0x26c: {  	v4 =	vld [tilespmem:s25+$0x0];
	_ =	sdelay $0x3  }
0x26d: {  	v5, _, _ =	vpop (xrf0)  }
0x26e: {  	(v2sf) =	vpush v5, $0xF;
	vm0 =	vge.f32 v4, v3  }
0x26f: {  	v6 =	vsel vm0, $0x1, v0  }
0x270: {  	s25 =	simm.s32 $0x20;
	s26 =	spop (v2sf);
	(xrf0) =	vadd.scan.msk.s32 $0xffff, v6  }
.LBB2_27:
0x271: {  	p0 =	sne.s32 s25, $0x7F0  }
0x272: {  	s23 =	sadd.s32 s23, s26;
	s26 =	smov.u32 s25;
	s25 =	sadd.s32 $0x10, s25  }
0x273: {  	s28 =	sand.u32 $0x780, s26;
	[tilespmem:s23+$0x10810] =	vst.msk vm0, v4  }
0x274: {  	s26 =	sand.u32 $0x70, s26;
	s29 =	sadd.s32 s28, s21;
	s28 =	sadd.s32 s28, s22  }
0x275: {  	s29 =	sadd.s32 s26, s29;
	s26 =	sadd.s32 s26, s28  }
0x276: {  	v4 =	vld [tilespmem:s29+$0x0]  }
0x277: {  	v5, _, _ =	vpop (xrf0)  }
0x278: {  	(v2sf) =	vpush v5, $0xF;
	_ =	sdelay $0x2  }
0x279: {  	vm0 =	vge.f32 v4, v2  }
0x27a: {  	v5 =	vsel vm0, $0x1, v0  }
0x27b: {  	(xrf0) =	vadd.scan.msk.s32 $0xffff, v5;
	s28 =	spop (v2sf)  }
0x27c: {  	s24 =	sadd.s32 s24, s28  }
0x27d: {  	[tilespmem:s24+$0x10000] =	vst.msk vm0, v4  }
0x27e: {  	v4 =	vld [tilespmem:s26+$0x0];
	_ =	sdelay $0x2  }
.Ltmp25:
0x27f: {  	v5, _, _ =	vpop (xrf0);
	(pc) =	sbr.rel @p0 .LBB2_27-.Ltmp25, $4  }
0x280: {  	(v2sf) =	vpush v5, $0xF  }
0x281: {  	vm0 =	vge.f32 v4, v3  }
0x282: {  	v5 =	vsel vm0, $0x1, v0  }
0x283: {  	(xrf0) =	vadd.scan.msk.s32 $0xffff, v5;
	s26 =	spop (v2sf)  }
0x284: {  	_ =	sdelay $0x4  }
0x285: {  	v2, _, _ =	vpop (xrf0)  }
0x286: {  	(v2sf) =	vpush v2, $0xF;
	_ =	sdelay $0xb  }
0x287: {  	s21 =	spop (v2sf)  }
0x288: {  	s24 =	sadd.s32 s24, s21  }
0x289: {  	s25 =	sadd.s32 s23, s26;
	s23 =	simm.s32 $0x1;
	s21 =	sadd.s32 $0xF, s24  }
0x28a: {  	s29 =	sshra.s32 s21, $0x1F;
	s31 =	sand.u32 $0xF, s21;
	s22 =	spop (v2sf)  }
0x28b: {  	p0 =	slt.s32 s21, $0x1;
	p1 =	sne.s32 s31, $0x0;
	s26 =	sadd.s32 s25, s22  }
0x28c: {  	s30 =	sshrl.u32 s29, $0x1C;
	p0 =	por !p0, !p1;
	s28 =	sadd.s32 $0xF, s26  }
0x28d: {  	p0 =	por !p0, !p0;
	s22 =	sadd.s32 s30, s21;
	s29 =	sand.u32 $0xF, s28  }
0x28e: {  	p6 =	slt.s32 s28, $0x1;
	s31 =	sshra.s32 s28, $0x1F;
	p2 =	sne.s32 s29, $0x0  }
0x28f: {  	s30 =	sshra.s32 s22, $0x4;
	s22 =	sshrl.u32 s31, $0x1C;
	p1 =	por !p6, !p2  }
0x290: {  	s22 =	sadd.s32 s22, s28;
	s28 =	simm.s32 $0x1;
	p1 =	por !p1, !p1  }
0x291: {  	s23 =	simm.s32 @!p0 $0x0;
	s22 =	sshra.s32 s22, $0x4;
	s28 =	simm.s32 @!p1 $0x0  }
0x292: {  	s21 =	ssub.s32 s30, s23;
	s22 =	ssub.s32 s22, s28  }
0x293: {  	p0 =	sgt.s32 s21, s22;
	s23 =	smov.u32 s22  }
0x294: {  	s23 =	smov.u32 @p0 s21  }
0x295: {  	p0 =	slt.s32 s23, $0x1  }
.Ltmp26:
0x296: {  	_ = 	snop;
	(pc) =	sbr.rel @p0 .LBB2_29-.Ltmp26, $4  }
0x297: {  	_ = 	snop  }
0x298: {  	[tilespmem:s25+$0x10810] =	vst.msk vm0, v4;
	v2 =	vimm.f32 $-Inf  }
0x299: {  	[tilespmem:s24+$0x10000] =	vst v2  }
0x29a: {  	[tilespmem:s26+$0x10810] =	vst v2  }
0x29b: {  	s24 =	simm.s32 $0x10000  }
0x29c: {  	v3 =	vld [tilespmem:s24+$0x0]  }
0x29d: {  	v4 =	vld [tilespmem:s24+$0x810]  }
0x29e: {  	p5 =	sne.s32 s23, $0x1  }
.Ltmp27:
0x29f: {  	_ = 	snop;
	(pc) =	sbr.rel @!p5 .LBB2_31-.Ltmp27, $4  }
0x2a0: {  	p0 =	sgt.s32 s21, $0x0  }
0x2a1: {  	p6 =	sgt.s32 s22, $0x0;
	v3 =	vpsel !p0, $0xFF800000, v3  }
0x2a2: {  	p1 =	por $0x0, $0x0;
	p2 =	por $0x0, $0x0;
	p3 =	por $0x0, $0x0;
	v4 =	vpsel !p6, $0xFF800000, v4;
	(xrf1) =	vsort.dscd.msk.f32 $0xffff, v3, v3  }
0x2a3: {  	p4 =	por $0x0, $0x0;
	s24 =	simm.s32 $0x10010;
	p0 =	por $0x0, $0x0;
	(xrf1) =	vsort.dscd.msk.f32 $0xffff, v4, v4  }
0x2a4: {  	_ =	sdelay $0x7  }
0x2a5: {  	v3 =	vld [tilespmem:s24+$0x0]  }
0x2a6: {  	v4 =	vld [tilespmem:s24+$0x810];
	_ =	sdelay $0x2  }
0x2a7: {  	p0 =	sgt.s32 s21, $0x1;
	v5, _, _ =	vpop (xrf1)  }
0x2a8: {  	p6 =	sgt.s32 s22, $0x1;
	v3 =	vpsel !p0, $0xFF800000, v3;
	v5 =	vperm.xlane v5, v1  }
0x2a9: {  	p5 =	sne.s32 s23, $0x2;
	v4 =	vpsel !p6, $0xFF800000, v4;
	(xrf1) =	vsort.dscd.msk.f32 $0xffff, v3, v3;
	v6, _, _ =	vpop (xrf1)  }
.Ltmp28:
0x2aa: {  	(xrf1) =	vsort.dscd.msk.f32 $0xffff, v4, v4;
	v63 =	vperm.xlane v6, v1;
	v3 =	vmax.f32 v2, v5;
	(pc) =	sbr.rel @!p5 .LBB2_33-.Ltmp28, $4  }
0x2ab: {  	v5 =	vmin.f32 v2, v5;
	(xrf1) =	vsort.dscd.msk.f32 $0xffff, v3, v3  }
0x2ac: {  	v3 =	vmax.f32 v2, v63;
	(xrf1) =	vsort.dscd.msk.f32 $0xffff, v5, v5  }
0x2ad: {  	v4 =	vmin.f32 v2, v63;
	(xrf1) =	vsort.dscd.msk.f32 $0xffff, v3, v3  }
0x2ae: {  	s24 =	simm.s32 $0x10020;
	p0 =	por $0x1, $0x1;
	(xrf1) =	vsort.dscd.msk.f32 $0xffff, v4, v4  }
0x2af: {  	_ =	sdelay $0x1  }
0x2b0: {  	v3 =	vld [tilespmem:s24+$0x0];
	_ =	sdelay $0x2  }
0x2b1: {  	v4 =	vld [tilespmem:s24+$0x810]  }
0x2b2: {  	p1 =	sgt.s32 s21, $0x2  }
0x2b3: {  	v3 =	vpsel !p1, $0xFF800000, v3  }
0x2b4: {  	v5, _, _ =	vpop (xrf1)  }
0x2b5: {  	p6 =	sgt.s32 s22, $0x2;
	v6, _, _ =	vpop (xrf1);
	v5 =	vperm.xlane v5, v1  }
0x2b6: {  	v4 =	vpsel !p6, $0xFF800000, v4;
	(xrf1) =	vsort.dscd.msk.f32 $0xffff, v3, v3;
	v3, _, _ =	vpop (xrf1)  }
0x2b7: {  	(xrf1) =	vsort.dscd.msk.f32 $0xffff, v4, v4;
	v6 =	vperm.xlane v6, v1;
	v57 =	vmax.f32 v3, v5;
	v7, _, _ =	vpop (xrf1)  }
0x2b8: {  	p5 =	sne.s32 s23, $0x3;
	v3 =	vmin.f32 v3, v5;
	(xrf1) =	vsort.dscd.msk.f32 $0xffff, v57, v57;
	v58, _, _ =	vpop (xrf1)  }
.Ltmp29:
0x2b9: {  	v59 =	vmax.f32 v58, v6;
	(xrf1) =	vsort.dscd.msk.f32 $0xffff, v3, v3;
	v3 =	vperm.xlane v7, v1;
	v60, _, _ =	vpop (xrf1);
	(pc) =	sbr.rel @!p5 .LBB2_35-.Ltmp29, $4  }
0x2ba: {  	v4 =	vmin.f32 v58, v6;
	(xrf1) =	vsort.dscd.msk.f32 $0xffff, v59, v59;
	v61 =	vperm.xlane v60, v1  }
0x2bb: {  	(xrf1) =	vsort.dscd.msk.f32 $0xffff, v4, v4;
	v62 =	vmax.f32 v2, v3  }
0x2bc: {  	v63 =	vmax.f32 v2, v61;
	(xrf1) =	vsort.dscd.msk.f32 $0xffff, v62, v62  }
0x2bd: {  	s24 =	simm.s32 $0x10030;
	p1 =	por $0x1, $0x1;
	v9 =	vmin.f32 v2, v3;
	v10 =	vmin.f32 v2, v61;
	(xrf1) =	vsort.dscd.msk.f32 $0xffff, v63, v63  }
0x2be: {  	v3 =	vld [tilespmem:s24+$0x0];
	_ =	sdelay $0x2  }
0x2bf: {  	v4 =	vld [tilespmem:s24+$0x810]  }
0x2c0: {  	(xrf1) =	vsort.dscd.msk.f32 $0xffff, v10, v10;
	p2 =	sgt.s32 s21, $0x3  }
0x2c1: {  	(xrf1) =	vsort.dscd.msk.f32 $0xffff, v9, v9;
	v3 =	vpsel !p2, $0xFF800000, v3  }
0x2c2: {  	v5, _, _ =	vpop (xrf1)  }
0x2c3: {  	p6 =	sgt.s32 s22, $0x3;
	v6, _, _ =	vpop (xrf1);
	v5 =	vperm.xlane v5, v1  }
0x2c4: {  	v4 =	vpsel !p6, $0xFF800000, v4;
	(xrf1) =	vsort.dscd.msk.f32 $0xffff, v3, v3;
	v3, _, _ =	vpop (xrf1)  }
0x2c5: {  	(xrf1) =	vsort.dscd.msk.f32 $0xffff, v4, v4;
	v4 =	vmax.f32 v3, v5  }
0x2c6: {  	v6 =	vperm.xlane v6, v1  }
0x2c7: {  	v7, _, _ =	vpop (xrf1)  }
0x2c8: {  	v3 =	vmin.f32 v3, v5;
	(xrf1) =	vsort.dscd.msk.f32 $0xffff, v4, v4;
	v4, _, _ =	vpop (xrf1)  }
0x2c9: {  	(xrf1) =	vsort.dscd.msk.f32 $0xffff, v3, v3;
	v3 =	vperm.xlane v7, v1;
	v5 =	vmax.f32 v4, v6;
	v7, _, _ =	vpop (xrf1)  }
0x2ca: {  	p5 =	sne.s32 s23, $0x4;
	v4 =	vmin.f32 v4, v6;
	(xrf1) =	vsort.dscd.msk.f32 $0xffff, v5, v5;
	v6, _, _ =	vpop (xrf1)  }
.Ltmp30:
0x2cb: {  	(xrf1) =	vsort.dscd.msk.f32 $0xffff, v4, v4;
	v4 =	vmax.f32 v6, v3;
	(pc) =	sbr.rel @!p5 .LBB2_37-.Ltmp30, $4  }
0x2cc: {  	v5 =	vperm.xlane v7, v1  }
0x2cd: {  	v7, _, _ =	vpop (xrf1)  }
0x2ce: {  	v9 =	vmin.f32 v6, v3;
	v3 =	vmax.f32 v7, v5;
	(xrf1) =	vsort.dscd.msk.f32 $0xffff, v4, v4;
	v4, _, _ =	vpop (xrf1)  }
0x2cf: {  	s24 =	simm.s32 $0x10040;
	p2 =	por $0x1, $0x1;
	v10 =	vmin.f32 v7, v5;
	(xrf1) =	vsort.dscd.msk.f32 $0xffff, v3, v3;
	v3 =	vperm.xlane v4, v1;
	v4, _, _ =	vpop (xrf1)  }
0x2d0: {  	v6 =	vld [tilespmem:s24+$0x810]  }
0x2d1: {  	(xrf1) =	vsort.dscd.msk.f32 $0xffff, v10, v10;
	v5 =	vld [tilespmem:s24+$0x0]  }
0x2d2: {  	v7 =	vperm.xlane v4, v1;
	(xrf1) =	vsort.dscd.msk.f32 $0xffff, v9, v9  }
0x2d3: {  	v8 =	vmax.f32 v2, v3;
	v9 =	vmin.f32 v2, v3  }
0x2d4: {  	p6 =	sgt.s32 s22, $0x4;
	(xrf1) =	vsort.dscd.msk.f32 $0xffff, v8, v8;
	v8 =	vmax.f32 v2, v7  }
0x2d5: {  	p3 =	sgt.s32 s21, $0x4;
	(xrf1) =	vsort.dscd.msk.f32 $0xffff, v9, v9;
	v6 =	vpsel !p6, $0xFF800000, v6  }
0x2d6: {  	v9, _, _ =	vpop (xrf1);
	(xrf1) =	vsort.dscd.msk.f32 $0xffff, v8, v8;
	v5 =	vpsel !p3, $0xFF800000, v5  }
0x2d7: {  	v8, _, _ =	vpop (xrf1);
	(xrf1) =	vsort.dscd.msk.f32 $0xffff, v5, v5;
	v5 =	vperm.xlane v9, v1  }
0x2d8: {  	v7 =	vmin.f32 v2, v7;
	(xrf1) =	vsort.dscd.msk.f32 $0xffff, v6, v6;
	v6, _, _ =	vpop (xrf1)  }
0x2d9: {  	(xrf1) =	vsort.dscd.msk.f32 $0xffff, v7, v7;
	v7 =	vperm.xlane v8, v1;
	v9 =	vmax.f32 v6, v5;
	v8, _, _ =	vpop (xrf1)  }
0x2da: {  	v5 =	vmin.f32 v6, v5;
	(xrf1) =	vsort.dscd.msk.f32 $0xffff, v9, v9;
	v6, _, _ =	vpop (xrf1)  }
0x2db: {  	p5 =	sne.s32 s23, $0x5;
	v9 =	vmax.f32 v6, v7;
	(xrf1) =	vsort.dscd.msk.f32 $0xffff, v5, v5;
	v5 =	vperm.xlane v8, v1;
	v8, _, _ =	vpop (xrf1)  }
.Ltmp31:
0x2dc: {  	v6 =	vmin.f32 v6, v7;
	v7 =	vperm.xlane v8, v1;
	(pc) =	sbr.rel @!p5 .LBB2_39-.Ltmp31, $4  }
0x2dd: {  	(xrf1) =	vsort.dscd.msk.f32 $0xffff, v9, v9;
	v8, _, _ =	vpop (xrf1)  }
0x2de: {  	(xrf1) =	vsort.dscd.msk.f32 $0xffff, v6, v6;
	v6 =	vmax.f32 v8, v5;
	v9, _, _ =	vpop (xrf1)  }
0x2df: {  	v5 =	vmin.f32 v8, v5;
	(xrf1) =	vsort.dscd.msk.f32 $0xffff, v6, v6;
	v8 =	vmax.f32 v9, v7;
	v10, _, _ =	vpop (xrf1)  }
0x2e0: {  	s24 =	simm.s32 $0x10050;
	p3 =	por $0x1, $0x1;
	v6 =	vmin.f32 v9, v7;
	(xrf1) =	vsort.dscd.msk.f32 $0xffff, v8, v8;
	v8 =	vperm.xlane v10, v1;
	v7, _, _ =	vpop (xrf1)  }
0x2e1: {  	_ = 	snop  }
0x2e2: {  	(xrf1) =	vsort.dscd.msk.f32 $0xffff, v6, v6;
	v11 =	vld [tilespmem:s24+$0x810];
	v10, _, _ =	vpop (xrf1)  }
0x2e3: {  	v9 =	vld [tilespmem:s24+$0x0];
	v12 =	vperm.xlane v7, v1;
	(xrf1) =	vsort.dscd.msk.f32 $0xffff, v5, v5;
	v13 =	vmax.f32 v10, v8;
	v14, _, _ =	vpop (xrf1)  }
0x2e4: {  	v10 =	vmin.f32 v10, v8;
	(xrf1) =	vsort.dscd.msk.f32 $0xffff, v13, v13;
	v13 =	vperm.xlane v14, v1;
	v14, _, _ =	vpop (xrf1)  }
0x2e5: {  	v15 =	vmax.f32 v14, v12  }
0x2e6: {  	p6 =	sgt.s32 s22, $0x5;
	(xrf1) =	vsort.dscd.msk.f32 $0xffff, v10, v10  }
0x2e7: {  	p4 =	sgt.s32 s21, $0x5;
	v10, _, _ =	vpop (xrf1);
	(xrf1) =	vsort.dscd.msk.f32 $0xffff, v15, v15;
	v13 =	vmax.f32 v2, v13;
	v11 =	vpsel !p6, $0xFF800000, v11  }
0x2e8: {  	v9 =	vpsel !p4, $0xFF800000, v9;
	(xrf1) =	vsort.dscd.msk.f32 $0xffff, v13, v13;
	v15, _, _ =	vpop (xrf1)  }
0x2e9: {  	(xrf1) =	vsort.dscd.msk.f32 $0xffff, v9, v9;
	v9 =	vperm.xlane v10, v1;
	v10, _, _ =	vpop (xrf1)  }
0x2ea: {  	(xrf1) =	vsort.dscd.msk.f32 $0xffff, v11, v11;
	v11, _, _ =	vpop (xrf1)  }
0x2eb: {  	v13 =	vmax.f32 v11, v9  }
0x2ec: {  	v12 =	vmin.f32 v14, v12;
	v10 =	vperm.xlane v10, v1  }
0x2ed: {  	(xrf1) =	vsort.dscd.msk.f32 $0xffff, v12, v12;
	v12 =	vperm.xlane v15, v1  }
0x2ee: {  	(xrf1) =	vsort.dscd.msk.f32 $0xffff, v13, v13;
	v10 =	vmax.f32 v2, v10;
	v13, _, _ =	vpop (xrf1)  }
0x2ef: {  	v9 =	vmin.f32 v11, v9;
	(xrf1) =	vsort.dscd.msk.f32 $0xffff, v10, v10;
	v11, _, _ =	vpop (xrf1)  }
0x2f0: {  	(xrf1) =	vsort.dscd.msk.f32 $0xffff, v9, v9;
	v9 =	vperm.xlane v13, v1;
	v10 =	vmax.f32 v11, v12;
	v13, _, _ =	vpop (xrf1)  }
0x2f1: {  	p5 =	sne.s32 s23, $0x6;
	v11 =	vmin.f32 v11, v12;
	(xrf1) =	vsort.dscd.msk.f32 $0xffff, v10, v10;
	v10 =	vperm.xlane v13, v1;
	v12, _, _ =	vpop (xrf1)  }
.Ltmp32:
0x2f2: {  	(xrf1) =	vsort.dscd.msk.f32 $0xffff, v11, v11;
	v11 =	vmax.f32 v12, v9;
	v13, _, _ =	vpop (xrf1);
	(pc) =	sbr.rel @!p5 .LBB2_42-.Ltmp32, $3  }
0x2f3: {  	v9 =	vmin.f32 v12, v9;
	v12 =	vmax.f32 v13, v10;
	_ =	sdelay $0x1  }
0x2f4: {  	(xrf1) =	vsort.dscd.msk.f32 $0xffff, v11, v11;
	v11, _, _ =	vpop (xrf1)  }
0x2f5: {  	s24 =	simm.s32 $0x6;
	s25 =	simm.s32 $0x10060;
	p4 =	por $0x1, $0x1;
	v10 =	vmin.f32 v13, v10;
	(xrf1) =	vsort.dscd.msk.f32 $0xffff, v12, v12;
	v11 =	vperm.xlane v11, v1;
	v12, _, _ =	vpop (xrf1)  }
.LBB2_41:
0x2f6: {  	v13 =	vld [tilespmem:s25+$0x0];
	(xrf1) =	vsort.dscd.msk.f32 $0xffff, v10, v10;
	v10, _, _ =	vpop (xrf1);
	s26 =	smov.u32 s24;
	s24 =	sadd.s32 $0x1, s24  }
0x2f7: {  	v14 =	vld [tilespmem:s25+$0x810];
	p5 =	sne.s32 s23, s24;
	(xrf1) =	vsort.dscd.msk.f32 $0xffff, v9, v9;
	v9 =	vperm.xlane v12, v1;
	v16 =	vmax.f32 v10, v11;
	v15, _, _ =	vpop (xrf1)  }
0x2f8: {  	v17 =	vmin.f32 v10, v11;
	(xrf1) =	vsort.dscd.msk.f32 $0xffff, v16, v16;
	v11 =	vperm.xlane v15, v1;
	v12, _, _ =	vpop (xrf1)  }
0x2f9: {  	v15 =	vmax.f32 v12, v9;
	(xrf1) =	vsort.dscd.msk.f32 $0xffff, v17, v17;
	v10, _, _ =	vpop (xrf1)  }
0x2fa: {  	p6 =	slt.s32 s26, s21;
	v16, _, _ =	vpop (xrf1);
	(xrf1) =	vsort.dscd.msk.f32 $0xffff, v15, v15;
	v10 =	vmax.f32 v10, v11  }
0x2fb: {  	v11 =	vpsel !p6, $0xFF800000, v13;
	p6 =	slt.s32 s26, s22;
	v13, _, _ =	vpop (xrf1);
	(xrf1) =	vsort.dscd.msk.f32 $0xffff, v10, v10  }
0x2fc: {  	v15 =	vpsel !p6, $0xFF800000, v14;
	(xrf1) =	vsort.dscd.msk.f32 $0xffff, v11, v11;
	v11 =	vperm.xlane v16, v1;
	v14, _, _ =	vpop (xrf1)  }
0x2fd: {  	(xrf1) =	vsort.dscd.msk.f32 $0xffff, v15, v15;
	v10, _, _ =	vpop (xrf1);
	v15 =	vmin.f32 v12, v9;
	v16 =	vperm.xlane v14, v1  }
0x2fe: {  	v14 =	vmax.f32 v10, v11;
	v10 =	vmin.f32 v10, v11;
	(xrf1) =	vsort.dscd.msk.f32 $0xffff, v15, v15;
	v9, _, _ =	vpop (xrf1)  }
0x2ff: {  	v11 =	vperm.xlane v13, v1;
	(xrf1) =	vsort.dscd.msk.f32 $0xffff, v14, v14;
	v13, _, _ =	vpop (xrf1);
	v9 =	vmax.f32 v9, v16  }
0x300: {  	v12, _, _ =	vpop (xrf1);
	(xrf1) =	vsort.dscd.msk.f32 $0xffff, v9, v9  }
.Ltmp33:
0x301: {  	v15 =	vperm.xlane v13, v1;
	v14 =	vmax.f32 v12, v11;
	(xrf1) =	vsort.dscd.msk.f32 $0xffff, v10, v10;
	v13, _, _ =	vpop (xrf1);
	(pc) =	sbr.rel @p5 .LBB2_41-.Ltmp33, $4  }
0x302: {  	v12 =	vmin.f32 v12, v11;
	(xrf1) =	vsort.dscd.msk.f32 $0xffff, v14, v14;
	v16 =	vperm.xlane v13, v1;
	v9, _, _ =	vpop (xrf1)  }
0x303: {  	(xrf1) =	vsort.dscd.msk.f32 $0xffff, v12, v12;
	v14 =	vmax.f32 v9, v15;
	v9 =	vmin.f32 v9, v15;
	v10, _, _ =	vpop (xrf1)  }
0x304: {  	v13 =	vmax.f32 v10, v16;
	(xrf1) =	vsort.dscd.msk.f32 $0xffff, v14, v14;
	v11, _, _ =	vpop (xrf1)  }
0x305: {  	s25 =	sadd.s32 $0x10, s25;
	v10 =	vmin.f32 v10, v16;
	(xrf1) =	vsort.dscd.msk.f32 $0xffff, v13, v13;
	v11 =	vperm.xlane v11, v1;
	v12, _, _ =	vpop (xrf1)  }
.LBB2_42:
0x306: {  	v13, _, _ =	vpop @p3 (xrf1)  }
0x307: {  	(xrf1) =	vsort.dscd.msk.f32 @p1 $0xffff, v10, v10;
	v10, _, _ =	vpop @p3 (xrf1)  }
0x308: {  	(xrf1) =	vsort.dscd.msk.f32 @p1 $0xffff, v9, v9;
	v9 =	vpsel p3, v13, v2;
	v13, _, _ =	vpop @p3 (xrf1);
	v10 =	vperm.xlane @p3 v10, v1  }
0x309: {  	v12 =	vperm.xlane @p2 v12, v1;
	v14 =	vmax.f32 @p2 v9, v11;
	v9 =	vmin.f32 @p2 v9, v11;
	v11, _, _ =	vpop @p4 (xrf1)  }
0x30a: {  	(xrf1) =	vsort.dscd.msk.f32 @p2 $0xffff, v14, v14;
	v13 =	vpsel p3, v13, v2;
	v59, _, _ =	vpop (xrf1)  }
0x30b: {  	v15 =	vmax.f32 @p2 v13, v12;
	(xrf1) =	vsort.dscd.msk.f32 @p2 $0xffff, v9, v9;
	v9 =	vpsel p4, v11, v2;
	v11, _, _ =	vpop (xrf1)  }
0x30c: {  	(xrf1) =	vsort.dscd.msk.f32 @p2 $0xffff, v15, v15;
	v9 =	vmax.f32 @p3 v9, v10;
	v10, _, _ =	vpop @p3 (xrf1)  }
0x30d: {  	v12 =	vmin.f32 @p2 v13, v12;
	(xrf1) =	vsort.dscd.msk.f32 @p3 $0xffff, v9, v9;
	v9 =	vperm.xlane v59, v1;
	v14, _, _ =	vpop @p0 (xrf1)  }
0x30e: {  	v10 =	vperm.xlane @p3 v10, v1;
	v60 =	vpsel p0, v14, v2;
	v14, _, _ =	vpop @p4 (xrf1)  }
0x30f: {  	(xrf1) =	vsort.dscd.msk.f32 @p2 $0xffff, v12, v12;
	v61 =	vmax.f32 v60, v9;
	v14 =	vpsel p4, v14, v2  }
0x310: {  	v12, _, _ =	vpop @p0 (xrf1);
	(xrf1) =	vsort.dscd.msk.f32 $0xffff, v61, v61;
	v10 =	vmax.f32 @p3 v14, v10  }
0x311: {  	v9 =	vmin.f32 v60, v9;
	(xrf1) =	vsort.dscd.msk.f32 @p3 $0xffff, v10, v10;
	v10 =	vperm.xlane v11, v1;
	v11, _, _ =	vpop @p0 (xrf1)  }
0x312: {  	v11 =	vpsel p0, v11, v2;
	_ =	sdelay $0x1  }
0x313: {  	(xrf1) =	vsort.dscd.msk.f32 $0xffff, v9, v9;
	v9, _, _ =	vpop @p0 (xrf1);
	v62 =	vmax.f32 v11, v10  }
0x314: {  	v12 =	vperm.xlane @p0 v12, v1;
	v10 =	vmin.f32 v11, v10;
	(xrf1) =	vsort.dscd.msk.f32 $0xffff, v62, v62;
	v11, _, _ =	vpop @p1 (xrf1)  }
0x315: {  	v9 =	vperm.xlane @p0 v9, v1;
	(xrf1) =	vsort.dscd.msk.f32 $0xffff, v10, v10;
	v10 =	vpsel p1, v11, v2;
	v11, _, _ =	vpop @p1 (xrf1)  }
0x316: {  	v11 =	vpsel p1, v11, v2  }
0x317: {  	v13 =	vmax.f32 @p0 v10, v12;
	v14 =	vmax.f32 @p0 v11, v9;
	v9 =	vmin.f32 @p0 v11, v9  }
0x318: {  	v10 =	vmin.f32 @p0 v10, v12;
	v12, _, _ =	vpop @p1 (xrf1);
	(xrf1) =	vsort.dscd.msk.f32 @p0 $0xffff, v13, v13;
	v6 =	vpsel p0, v9, v6  }
0x319: {  	v12 =	vperm.xlane @p1 v12, v1;
	(xrf1) =	vsort.dscd.msk.f32 @p0 $0xffff, v14, v14;
	v11, _, _ =	vpop @p1 (xrf1)  }
0x31a: {  	v5 =	vpsel p0, v10, v5;
	(xrf1) =	vsort.dscd.msk.f32 @p0 $0xffff, v6, v6;
	v9, _, _ =	vpop @p2 (xrf1)  }
0x31b: {  	v8 =	vpsel p1, v12, v8;
	v6, _, _ =	vpop @p2 (xrf1);
	(xrf1) =	vsort.dscd.msk.f32 @p0 $0xffff, v5, v5;
	v5 =	vpsel p2, v9, v2  }
0x31c: {  	v10 =	vmax.f32 @p1 v5, v8  }
0x31d: {  	v7 =	vpsel p1, v11, v7;
	v9, _, _ =	vpop @p2 (xrf1)  }
0x31e: {  	v7 =	vperm.xlane @p1 v7, v1;
	v5 =	vmin.f32 @p1 v5, v8;
	v8, _, _ =	vpop @p3 (xrf1)  }
0x31f: {  	v6 =	vperm.xlane @p2 v6, v1;
	(xrf1) =	vsort.dscd.msk.f32 @p1 $0xffff, v10, v10;
	v9 =	vpsel p2, v9, v2;
	v10, _, _ =	vpop @p2 (xrf1)  }
0x320: {  	v11 =	vmax.f32 @p1 v9, v7;
	(xrf1) =	vsort.dscd.msk.f32 @p1 $0xffff, v5, v5;
	v5 =	vpsel p3, v8, v2;
	v63, _, _ =	vpop (xrf1)  }
0x321: {  	(xrf1) =	vsort.dscd.msk.f32 @p1 $0xffff, v11, v11;
	v5 =	vmax.f32 @p2 v5, v6;
	v6 =	vperm.xlane @p2 v10, v1;
	v8, _, _ =	vpop @p3 (xrf1)  }
0x322: {  	(xrf1) =	vsort.dscd.msk.f32 @p2 $0xffff, v5, v5;
	v5 =	vmin.f32 @p1 v9, v7;
	v7 =	vpsel p3, v8, v2  }
0x323: {  	(xrf1) =	vsort.dscd.msk.f32 @p1 $0xffff, v5, v5;
	v5 =	vmax.f32 @p2 v7, v6;
	_ =	sdelay $0x1  }
0x324: {  	v6, _, _ =	vpop (xrf1)  }
0x325: {  	(xrf1) =	vsort.dscd.msk.f32 @p2 $0xffff, v5, v5;
	v5, _, _ =	vpop (xrf1)  }
0x326: {  	v7, _, _ =	vpop (xrf1)  }
0x327: {  	v6 =	vperm.xlane v6, v1;
	v8, _, _ =	vpop @p0 (xrf1)  }
0x328: {  	v8 =	vpsel p0, v8, v2  }
0x329: {  	v7 =	vperm.xlane v7, v1;
	v9, _, _ =	vpop @p0 (xrf1);
	v10 =	vmax.f32 v8, v6  }
0x32a: {  	v9 =	vpsel p0, v9, v2  }
0x32b: {  	v11 =	vmax.f32 v9, v7;
	v7 =	vmin.f32 v9, v7  }
0x32c: {  	(xrf1) =	vsort.dscd.msk.f32 $0xffff, v10, v10;
	v10, _, _ =	vpop @p0 (xrf1)  }
0x32d: {  	(xrf1) =	vsort.dscd.msk.f32 $0xffff, v11, v11;
	v9 =	vperm.xlane @p0 v10, v1;
	v10, _, _ =	vpop @p0 (xrf1)  }
0x32e: {  	v6 =	vmin.f32 v8, v6;
	(xrf1) =	vsort.dscd.msk.f32 $0xffff, v7, v7;
	v7, _, _ =	vpop @p1 (xrf1)  }
0x32f: {  	(xrf1) =	vsort.dscd.msk.f32 $0xffff, v6, v6;
	v3 =	vpsel p0, v9, v3;
	v6 =	vpsel p1, v7, v2  }
0x330: {  	v8 =	vmax.f32 @p0 v6, v3  }
0x331: {  	v4 =	vpsel p0, v10, v4;
	v7, _, _ =	vpop @p1 (xrf1);
	(xrf1) =	vsort.dscd.msk.f32 @p0 $0xffff, v8, v8  }
0x332: {  	v4 =	vperm.xlane @p0 v4, v1;
	v3 =	vmin.f32 @p0 v6, v3;
	v6, _, _ =	vpop @p1 (xrf1)  }
0x333: {  	v7 =	vperm.xlane @p1 v7, v1;
	v6 =	vpsel p1, v6, v2;
	v8, _, _ =	vpop @p2 (xrf1)  }
0x334: {  	(xrf1) =	vsort.dscd.msk.f32 @p0 $0xffff, v3, v3;
	v9 =	vmax.f32 @p0 v6, v4;
	v3 =	vpsel p2, v8, v2;
	v8, _, _ =	vpop @p1 (xrf1)  }
0x335: {  	(xrf1) =	vsort.dscd.msk.f32 @p0 $0xffff, v9, v9;
	v3 =	vmax.f32 @p1 v3, v7;
	v7 =	vperm.xlane @p1 v8, v1;
	v8, _, _ =	vpop @p2 (xrf1)  }
0x336: {  	(xrf1) =	vsort.dscd.msk.f32 @p1 $0xffff, v3, v3;
	v3 =	vmin.f32 @p0 v6, v4;
	v4 =	vpsel p2, v8, v2  }
0x337: {  	(xrf1) =	vsort.dscd.msk.f32 @p0 $0xffff, v3, v3;
	v3 =	vmax.f32 @p1 v4, v7  }
0x338: {  	(xrf1) =	vsort.dscd.msk.f32 @p1 $0xffff, v3, v3;
	_ =	sdelay $0x2  }
0x339: {  	v4, _, _ =	vpop (xrf1)  }
0x33a: {  	v3, _, _ =	vpop (xrf1)  }
0x33b: {  	v6, _, _ =	vpop (xrf1)  }
0x33c: {  	v7, _, _ =	vpop (xrf1)  }
0x33d: {  	v6 =	vperm.xlane v6, v1;
	v8, _, _ =	vpop @p0 (xrf1)  }
0x33e: {  	v8 =	vpsel p0, v8, v2  }
0x33f: {  	v10 =	vmax.f32 v8, v6  }
0x340: {  	v9, _, _ =	vpop @p0 (xrf1)  }
0x341: {  	v7 =	vperm.xlane v7, v1;
	v6 =	vmin.f32 v8, v6;
	v8, _, _ =	vpop @p0 (xrf1)  }
0x342: {  	(xrf1) =	vsort.dscd.msk.f32 $0xffff, v10, v10;
	v9 =	vperm.xlane @p0 v9, v1;
	v8 =	vpsel p0, v8, v2;
	v10, _, _ =	vpop @p1 (xrf1)  }
0x343: {  	(xrf1) =	vsort.dscd.msk.f32 $0xffff, v6, v6;
	v11 =	vmax.f32 v8, v7;
	v6 =	vpsel p1, v10, v2;
	v10, _, _ =	vpop @p0 (xrf1)  }
0x344: {  	(xrf1) =	vsort.dscd.msk.f32 $0xffff, v11, v11;
	v6 =	vmax.f32 @p0 v6, v9;
	v9 =	vperm.xlane @p0 v10, v1;
	v10, _, _ =	vpop @p1 (xrf1)  }
0x345: {  	(xrf1) =	vsort.dscd.msk.f32 @p0 $0xffff, v6, v6;
	v6 =	vmin.f32 v8, v7;
	v7 =	vpsel p1, v10, v2  }
0x346: {  	(xrf1) =	vsort.dscd.msk.f32 $0xffff, v6, v6;
	v6 =	vmax.f32 @p0 v7, v9  }
0x347: {  	(xrf1) =	vsort.dscd.msk.f32 @p0 $0xffff, v6, v6;
	_ =	sdelay $0x8  }
0x348: {  	v6, _, _ =	vpop (xrf1)  }
0x349: {  	v8, _, _ =	vpop (xrf1)  }
0x34a: {  	v7, _, _ =	vpop (xrf1)  }
0x34b: {  	v9, _, _ =	vpop @p0 (xrf1)  }
0x34c: {  	v8 =	vperm.xlane v8, v1;
	v10, _, _ =	vpop (xrf1)  }
0x34d: {  	v9 =	vpsel p0, v9, v2;
	v10 =	vperm.xlane v10, v1;
	v11, _, _ =	vpop @p0 (xrf1)  }
0x34e: {  	v8 =	vmax.f32 v9, v8;
	v2 =	vpsel p0, v11, v2  }
0x34f: {  	(xrf1) =	vsort.dscd.msk.f32 $0xffff, v8, v8;
	v2 =	vmax.f32 v2, v10  }
0x350: {  	(xrf1) =	vsort.dscd.msk.f32 $0xffff, v2, v2;
	_ =	sdelay $0x9  }
.Ltmp34:
0x351: {  	_ = 	snop;
	(pc) =	sbr.rel .LBB2_43-.Ltmp34, $3  }
0x352: {  	_ =	sdelay $0x1  }
0x353: {  	v8, _, _ =	vpop (xrf1)  }
0x354: {  	v2 =	vmov v63;
	v9, _, _ =	vpop (xrf1)  }
.LBB2_31:
.Ltmp35:
0x355: {  	(pc) =	sbr.rel .LBB2_42-.Ltmp35, $2  }
0x356: {  	_ =	sdelay $0x2  }
0x357: {  	_ = 	snop  }
.LBB2_33:
.Ltmp36:
0x358: {  	(pc) =	sbr.rel .LBB2_42-.Ltmp36, $2  }
0x359: {  	_ =	sdelay $0x2  }
0x35a: {  	_ = 	snop  }
.LBB2_35:
.Ltmp37:
0x35b: {  	(pc) =	sbr.rel .LBB2_42-.Ltmp37, $2  }
0x35c: {  	_ =	sdelay $0x2  }
0x35d: {  	_ = 	snop  }
.LBB2_37:
.Ltmp38:
0x35e: {  	(pc) =	sbr.rel .LBB2_42-.Ltmp38, $2  }
0x35f: {  	_ =	sdelay $0x2  }
0x360: {  	v12 =	vmov v4;
	v11 =	vmov v3  }
.LBB2_39:
.Ltmp39:
0x361: {  	(pc) =	sbr.rel .LBB2_42-.Ltmp39, $2  }
0x362: {  	_ =	sdelay $0x2  }
0x363: {  	v10 =	vmovc v6;
	v9 =	vmov v5;
	v12 =	vmov v7;
	v11 =	vmov v8  }
.LBB2_46:
0x364: {  	_ =	sfence.sel $0x180000  }
0x365: {  	[bflag:$0x0] =	sbarrier.arrive $0xFFFF  }
0x366: {  	p0 =	sne.s32 s0, $0x0;
	_ =	strace $0x9000004A  }
0x367: {  	s0 =	sadd.s32 @!p0 $0x100000, s1;
	[bflag:$0x2] =	sbarrier.arrive $0xFFFF  }
0x368: {  	[sflag:s0] =	ssyncadd.tile.s32 @!p0 $0x1;
	_ =	shalt  }
.Lfunc_end2:
_tile_overlayer_lowered:
.L_overlay_start_2:
0x369: {  	(tag) =	ssettag $0x2  }
0x36a: {  	s0 =	rddreg [dreg:$0x0];
	s2 =	stileid.u32  }
0x36b: {  	s1 =	rddreg [dreg:$0x1];
	p0 =	sne.s32 s2, $0x0  }
0x36c: {  	s3 =	rddreg [dreg:$0x2];
	[bflag:$0x3] =	sbarrier.arrive $0xFFFF;
	s2 =	simm.s32 @!p0 $0x1C03  }
0x36d: {  	[timem:s3], [sflag:s2] =	dma.local @!p0 [hbm:s0], s1  }
0x36e: {  	s0 =	simm.s32 @!p0 $0x3  }
0x36f: {  	_ =	swait.ge @!p0 [sflag:s0], s1  }
0x370: {  	s1 =	ssub.s32 @!p0 $0x0, s1;
	[sflag:s0] =	ssyncset.done @!p0 $0x0  }
0x371: {  	[sflag:s0] =	ssyncadd.s32 @!p0 s1  }
0x372: {  	[bflag:$0x3] =	sbarrier.arrive $0xFFFF  }
0x373: {  	_ =	shalt  }

// kernel: sparse-core-data-format-call.cloned.1.call-start
scs
called_computation_lowered:
.L_overlay_start_0:
0x0: {  	s2 =	sld [smem:$0x3FD9]  }
0x1: {  	s3 =	sld [smem:$0x3FFE];
	_ =	sdelay $0x1  }
0x2: {  	s1 =	srdreg.scid  }
0x3: {  	s0 =	sand.u32 $0x1, s1  }
0x4: {  	s18 =	sshll.u32 s0, $0xA;
	s2 =	sadd.s32 s3, s2  }
0x5: {  	s2 =	sadd.s32 s2, s18  }
0x6: {  	[smem:$0x3FC7] =	sst s2  }
0x7: {  	_ = 	snop  }
0x8: {  	s2 =	sld [smem:$0x3FC9];
	(tm) =	ssettm $0x1  }
0x9: {  	s19 =	sld [smem:$0x3FFB];
	_ =	sdelay $0x3  }
0xa: {  	_ =	strace s19  }
0xb: {  	s3 =	sld [smem:$0x3FFC];
	_ =	sdelay $0x3  }
0xc: {  	_ =	strace s3  }
0xd: {  	s3 =	sld [smem:$0x3FFD];
	_ =	sdelay $0x3  }
0xe: {  	_ =	strace s3  }
0xf: {  	_ =	strace $0x8FFFFFFF  }
0x10: {  	s20 =	sld [smem:$0x3FDB];
	_ =	sdelay $0x1  }
0x11: {  	s4 =	simm.s32 $_scs_section_size  }
0x12: {  	s5 =	simm.s32 $_size__tile_overlayer_lowered;
	s6 =	simm.s32 $_tile_overlayer_lowered  }
0x13: {  	s23 =	simm.s32 $0x1BFF;
	s22 =	sshll.u32 s6, $0x1;
	s3 =	sadd.s32 s4, s20  }
0x14: {  	s7 =	simm.s32 $0x0;
	s21 =	sshll.u32 s5, $0x1;
	s5 =	sadd.s32 s22, s3  }
0x15: {  	[timem:s7], [sflag:s23] =	dma.local [hbm:s5], s21  }
0x16: {  	_ =	swait.ge [sflag:s23], s21  }
0x17: {  	s4 =	ssub.s32 $0x0, s21;
	[sflag:s23] =	ssyncset.done $0x0  }
0x18: {  	[sflag:s23] =	ssyncadd.s32 s4;
	_ =	sdelay $0x1  }
0x19: {  	s24 =	simm.s32 $0x1B8B  }
0x1a: {  	_ =	swait.ge [sflag:s24], $0x1  }
0x1b: {  	[sflag:s24] =	ssyncset.done $0x0  }
0x1c: {  	s26 =	simm.s32 $0x1B8E;
	s25 =	sld [smem:$0x3FFE];
	[sflag:s24] =	ssyncadd.s32 $0xFFFFFFFF  }
0x1d: {  	s27 =	simm.s32 $execute0_lowered;
	[smem:$0x3FD2] =	sst s26  }
0x1e: {  	s5 =	sshll.u32 s27, $0x1;
	_ =	strace $0x80000046;
	[dreg:$0x1] =	wrdreg $0xFFFFFFFF  }
0x1f: {  	s28 =	simm.s32 $_size_execute0_lowered;
	s3 =	sadd.s32 s3, s5;
	[dreg:$0x0] =	wrdreg $0x0  }
0x20: {  	s5 =	sshll.u32 s28, $0x1;
	[dreg:$0x2] =	wrdreg s3  }
0x21: {  	[dreg:$0x3] =	wrdreg s5  }
0x22: {  	[dreg:$0x4] =	wrdreg $0xC0  }
0x23: {  	_ =	task [dreg:s7], $0x5FFFF  }
0x24: {  	[dreg:$0x1] =	wrdreg $0xFFFFFFFF  }
0x25: {  	[dreg:$0x0] =	wrdreg $0x60  }
0x26: {  	[dreg:$0x2] =	wrdreg s2  }
0x27: {  	[dreg:$0x3] =	wrdreg s25  }
0x28: {  	[dreg:$0x4] =	wrdreg $0x9  }
0x29: {  	_ =	task.clear_ibuf [dreg:s7], $0x5FFFF;
	_ =	strace $0x90000046  }
0x2a: {  	s29 =	simm.s32 $0x9;
	_ =	strace $0x80000048  }
0x2b: {  	_ =	swait.ge [sflag:s29], $0x1  }
0x2c: {  	[sflag:s29] =	ssyncadd.s32 $0xFFFFFFFF  }
0x2d: {  	_ =	strace $0x90000048  }
0x2e: {  	_ =	sfence  }
0x2f: {  	s30 =	sld [smem:$0x0];
	_ =	sdelay $0x2  }
0x30: {  	s31 =	sshll.u32 s1, $0xD;
	s1 =	sshrl.u32 s1, $0x2  }
0x31: {  	s3 =	sand.u32 $0x4000, s31;
	s1 =	sadd.s32 s1, s30  }
0x32: {  	s0 =	sor.u32 s3, s0;
	s1 =	sshll.u32 s1, $0x11  }
0x33: {  	s0 =	sor.u32 s1, s0  }
0x34: {  	s0 =	sadd.s32 $0x8F2B, s0  }
0x35: {  	[sflag:s0] =	ssyncadd.remote.s32 $0x1  }
0x36: {  	_ =	sfence.sel $0xFFFF  }
0x37: {  	[dreg:$0x0] =	wrdreg $0xFFFFFFFF;
	(pc) =	sbr.abs _section_cstart, $3  }
0x38: {  	[dreg:$0x1] =	wrdreg $0xFFFFFFFF  }
0x39: {  	_ =	task.clear_ibuf [dreg:s7], $0x2FFFF;
	_ =	strace $0x9FFFFFFF  }
0x3a: {  	(tm) =	ssettm $0x7FFFFFFF  }
0x3b: {  	_ =	shalt  }
tec
execute0_lowered:
.L_overlay_start_1:
0x0: {  	(tag) =	ssettag $0x1  }
0x1: {  	s2 =	rddreg [dreg:$0x0]  }
0x2: {  	s1 =	rddreg [dreg:$0x1]  }
0x3: {  	s0 =	rddreg [dreg:$0x2];
	_ =	strace $0x80000047;
	s4 =	srdreg.scid  }
.Ltmp0:
0x4: {  	s6 =	simm.s32 $0x2;
	p0 =	por $0x0, $0x0;
	(pc) =	sbr.rel .LBB1_1-.Ltmp0, $4  }
0x5: {  	s9 =	simm.s32 $0x0;
	s3 =	sadd.s32 $0x800, s1;
	s5 =	sshll.u32 s4, $0x4  }
0x6: {  	s1 =	stileid.u32;
	s4 =	simm.s32 $0x1;
	s5 =	sand.u32 $0x10, s5  }
0x7: {  	s7 =	simm.s32 $0x0;
	[sflag:s4] =	ssyncpa.u1 $0x0;
	s5 =	sor.u32 s1, s5  }
0x8: {  	[sflag:s6] =	ssyncpa.u1 $0x0;
	s6 =	simm.s32 $0x0;
	s8 =	smov.u32 s5  }
.LBB1_7:
0x9: {  	s11 =	sadd.s32 $0x20, s8  }
0xa: {  	p1 =	slt.u32 s7, $0x2;
	s7 =	sadd.s32 $0x1, s7;
	p2 =	sgt.s32 s11, $0xBFF  }
0xb: {  	s11 =	smov.u32 @p2 s5;
	p2 =	sne.s32 s7, $0x62  }
.Ltmp1:
0xc: {  	_ = 	snop;
	(pc) =	sbr.rel @!p2 .LBB1_8-.Ltmp1, $4  }
0xd: {  	s10 =	simm.s32 @!p1 $0x2  }
0xe: {  	_ =	swait.ge @!p1 [sflag:s10], $0x4000  }
0xf: {  	s9 =	smov.u32 s8;
	[sflag:s10] =	ssyncset.done @!p1 $0x0  }
0x10: {  	p0 =	por !p0, !p0;
	s8 =	smov.u32 s11;
	[sflag:s10] =	ssyncadd.s32 @!p1 $0xFFFFC000  }
.LBB1_1:
0x11: {  	p1 =	sgt.u32 s7, $0x5F  }
0x12: {  	s10 =	sxor.u32 @!p1 $0xFFFFFFFF, s7  }
0x13: {  	s11 =	sshll.u32 @!p1 s8, $0xB;
	s10 =	sshll.u32 @!p1 s10, $0xE  }
0x14: {  	s12 =	simm.s32 @!p1 $0x0;
	s11 =	sadd.s32 @!p1 s2, s11;
	s10 =	sand.u32 @!p1 $0x4000, s10  }
0x15: {  	[tilespmem:s10], [sflag:$0x1] =	stream.linear.gather @!p1 [hbm4b:s11+s12], $0x4000, $0x38;
	[tilespmem:$0x10000] =	vst v63  }
0x16: {  	p1 =	seq.s32 s7, $0x0  }
0x17: {  	p2 =	seq.s32 @!p1 s7, $0x61  }
0x18: {  	p1 =	por p1, p2  }
.Ltmp2:
0x19: {  	_ = 	snop;
	(pc) =	sbr.rel @p1 .LBB1_7-.Ltmp2, $1  }
0x1a: {  	_ =	sdelay $0x3  }
0x1b: {  	s10 =	simm.s32 $0x1;
	_ =	swait.ge [sflag:s4], $0x4000;
	s12 =	sshll.u32 s7, $0xE  }
0x1c: {  	s13 =	simm.s32 $0x0;
	s10 =	simm.s32 @!p0 $0x0;
	[sflag:s4] =	ssyncset.done $0x0  }
0x1d: {  	s12 =	sand.u32 $0x4000, s12;
	s11 =	sshll.u32 s10, $0xE;
	[sflag:s4] =	ssyncadd.s32 $0xFFFFC000  }
0x1e: {  	s12 =	sor.u32 $0x8000, s12;
	s10 =	sor.u32 $0x8040, s11;
	s11 =	sor.u32 $0x40, s11  }
.LBB1_3:
0x1f: {  	v0 =	vmov s11;
	_ =	sdelay $0x3  }
0x20: {  	s15 =	simm.s32 $0x0  }
0x21: {  	v6 =	vld.idx.msk [tilespmem:v0+s15+$0x30 ss:$0x1], $0xffff  }
0x22: {  	v7 =	vld.idx.msk [tilespmem:v0+s15+$0xFFFFFFC0 ss:$0x1], $0xffff  }
0x23: {  	v5 =	vld.idx.msk [tilespmem:v0+s15+$0xFFFFFFD0 ss:$0x1], $0xffff  }
0x24: {  	v4 =	vld.idx.msk [tilespmem:v0+s15+$0xFFFFFFE0 ss:$0x1], $0xffff  }
0x25: {  	v3 =	vld.idx.msk [tilespmem:v0+s15+$0xFFFFFFF0 ss:$0x1], $0xffff  }
0x26: {  	v1 =	vld.idx.msk [tilespmem:v0+s15+$0x0 ss:$0x1], $0xffff  }
0x27: {  	v2 =	vld.idx.msk [tilespmem:v0+s15+$0x10 ss:$0x1], $0xffff;
	[tilespmem:s10+$0x30] =	vst v6  }
0x28: {  	s14 =	simm.s32 $0x80;
	s16 =	simm.s32 $0x400;
	[tilespmem:s10+$0xFFFFFFC0] =	vst v7;
	v6 =	vld.idx.msk [tilespmem:v0+s15+$0x20 ss:$0x1], $0xffff;
	s15 =	smov.u32 s10  }
.LBB1_4:
0x29: {  	p1 =	sne.s32 s16, $0xE00;
	v7 =	vld.idx.msk [tilespmem:v0+s14+$0x30 ss:$0x1], $0xffff;
	[tilespmem:s15+$0xFFFFFFD0] =	vst v5  }
0x2a: {  	v8 =	vld.idx.msk [tilespmem:v0+s14+$0xFFFFFFC0 ss:$0x1], $0xffff;
	[tilespmem:s15+$0xFFFFFFE0] =	vst v4  }
0x2b: {  	v5 =	vld.idx.msk [tilespmem:v0+s14+$0xFFFFFFD0 ss:$0x1], $0xffff;
	[tilespmem:s15+$0xFFFFFFF0] =	vst v3  }
.Ltmp3:
0x2c: {  	v4 =	vld.idx.msk [tilespmem:v0+s14+$0xFFFFFFE0 ss:$0x1], $0xffff;
	[tilespmem:s15+$0x0] =	vst v1;
	(pc) =	sbr.rel @p1 .LBB1_4-.Ltmp3, $4  }
0x2d: {  	v3 =	vld.idx.msk [tilespmem:v0+s14+$0xFFFFFFF0 ss:$0x1], $0xffff;
	[tilespmem:s15+$0x10] =	vst v2  }
0x2e: {  	v1 =	vld.idx.msk [tilespmem:v0+s14+$0x0 ss:$0x1], $0xffff;
	[tilespmem:s15+$0x20] =	vst v6;
	s15 =	sadd.s32 $0x800, s15  }
0x2f: {  	v2 =	vld.idx.msk [tilespmem:v0+s14+$0x10 ss:$0x1], $0xffff;
	[tilespmem:s15+$0x30] =	vst v7  }
0x30: {  	[tilespmem:s15+$0xFFFFFFC0] =	vst v8;
	v6 =	vld.idx.msk [tilespmem:v0+s14+$0x20 ss:$0x1], $0xffff;
	s14 =	sshra.s32 s16, $0x2;
	s16 =	sadd.s32 $0x200, s16  }
0x31: {  	_ =	sdelay $0x2  }
0x32: {  	[tilespmem:s15+$0xFFFFFFD0] =	vst v5  }
0x33: {  	v56 =	vld.idx.msk [tilespmem:v0+s14+$0x30 ss:$0x1], $0xffff;
	[tilespmem:s15+$0xFFFFFFE0] =	vst v4  }
0x34: {  	v57 =	vld.idx.msk [tilespmem:v0+s14+$0xFFFFFFC0 ss:$0x1], $0xffff;
	[tilespmem:s15+$0xFFFFFFF0] =	vst v3  }
0x35: {  	v58 =	vld.idx.msk [tilespmem:v0+s14+$0xFFFFFFD0 ss:$0x1], $0xffff;
	[tilespmem:s15+$0x0] =	vst v1  }
0x36: {  	v59 =	vld.idx.msk [tilespmem:v0+s14+$0xFFFFFFE0 ss:$0x1], $0xffff;
	[tilespmem:s15+$0x10] =	vst v2  }
0x37: {  	v60 =	vld.idx.msk [tilespmem:v0+s14+$0xFFFFFFF0 ss:$0x1], $0xffff;
	s31 =	sadd.s32 $0x800, s15;
	[tilespmem:s15+$0x20] =	vst v6  }
0x38: {  	v61 =	vld.idx.msk [tilespmem:v0+s14+$0x0 ss:$0x1], $0xffff;
	[tilespmem:s31+$0x30] =	vst v56  }
0x39: {  	v62 =	vld.idx.msk [tilespmem:v0+s14+$0x10 ss:$0x1], $0xffff;
	s13 =	sadd.s32 $0x1, s13;
	[tilespmem:s31+$0xFFFFFFC0] =	vst v57  }
0x3a: {  	v63 =	vld.idx.msk [tilespmem:v0+s14+$0x20 ss:$0x1], $0xffff;
	p1 =	sne.s32 s13, $0x10;
	[tilespmem:s31+$0xFFFFFFD0] =	vst v58  }
.Ltmp4:
0x3b: {  	[tilespmem:s31+$0xFFFFFFE0] =	vst v59;
	(pc) =	sbr.rel @p1 .LBB1_3-.Ltmp4, $4  }
0x3c: {  	[tilespmem:s31+$0xFFFFFFF0] =	vst v60  }
0x3d: {  	[tilespmem:s31+$0x0] =	vst v61  }
0x3e: {  	[tilespmem:s31+$0x10] =	vst v62  }
0x3f: {  	s10 =	sadd.s32 $0x80, s10;
	s11 =	sadd.s32 $0x400, s11;
	[tilespmem:s31+$0x20] =	vst v63  }
.Ltmp5:
0x40: {  	(pc) =	sbr.rel .LBB1_7-.Ltmp5, $4  }
0x41: {  	_ = 	snop  }
0x42: {  	s9 =	sshll.u32 s9, $0xB  }
0x43: {  	s9 =	sadd.s32 s3, s9  }
0x44: {  	[hbm4b:s9+s6] =	stream.linear.scatter [tilespmem:s12], [sflag:$0x2], $0x4000, $0x38;
	[tilespmem:$0x10000] =	vst v63  }
.LBB1_8:
0x45: {  	_ =	sfence.sel $0x180000  }
0x46: {  	s2 =	simm.s32 $0x1;
	[bflag:$0x0] =	sbarrier.arrive $0xFFFF  }
0x47: {  	s31 =	simm.s32 $0x2;
	[sflag:s2] =	ssyncpa.u1 $0x1  }
0x48: {  	[sflag:s31] =	ssyncpa.u1 $0x1  }
0x49: {  	p0 =	sne.s32 s1, $0x0;
	_ =	strace $0x90000047  }
0x4a: {  	s0 =	sadd.s32 @!p0 $0x100000, s0;
	[bflag:$0x2] =	sbarrier.arrive $0xFFFF  }
0x4b: {  	[sflag:s0] =	ssyncadd.tile.s32 @!p0 $0x1;
	_ =	shalt  }
.Lfunc_end1:
_tile_overlayer_lowered:
.L_overlay_start_2:
0x4c: {  	(tag) =	ssettag $0x2  }
0x4d: {  	s0 =	rddreg [dreg:$0x0];
	s2 =	stileid.u32  }
0x4e: {  	s1 =	rddreg [dreg:$0x1];
	p0 =	sne.s32 s2, $0x0  }
0x4f: {  	s3 =	rddreg [dreg:$0x2];
	[bflag:$0x3] =	sbarrier.arrive $0xFFFF;
	s2 =	simm.s32 @!p0 $0x1C01  }
0x50: {  	[timem:s3], [sflag:s2] =	dma.local @!p0 [hbm:s0], s1  }
0x51: {  	s0 =	simm.s32 @!p0 $0x1  }
0x52: {  	_ =	swait.ge @!p0 [sflag:s0], s1  }
0x53: {  	s1 =	ssub.s32 @!p0 $0x0, s1;
	[sflag:s0] =	ssyncset.done @!p0 $0x0  }
0x54: {  	[sflag:s0] =	ssyncadd.s32 @!p0 s1  }
0x55: {  	[bflag:$0x3] =	sbarrier.arrive $0xFFFF  }
0x56: {  	_ =	shalt  }

</sc_bundles>
